<compile_context>
chip_gen: v7x
topology: tpu7x:2x2x1
jax: 0.10.2.dev20260603
libtpu: 0.0.44.dev20260713+nightly
codegen_flags: <defaults>
</compile_context>

<pallas_src>
import functools

import jax
import jax.numpy as jnp
from jax import lax
from jax.experimental import pallas as pl
from jax.experimental.pallas import tpu as pltpu
from jax.experimental.pallas import tpu_sc as plsc

N = 10000
D = 128
E = 320000
NW = 32
C = 128
CH = 80
EP = NW * C * CH
ACC_ROWS = 10240
CNT_ROWS = 12288
RB = 2000

_sc_mesh = plsc.VectorSubcoreMesh(core_axis_name="c", subcore_axis_name="s")


@functools.partial(
    pl.kernel,
    out_type=jax.ShapeDtypeStruct((2 * N,), jnp.float32),
    mesh=_sc_mesh,
    scratch_types=[
        pltpu.VMEM((CH, C), jnp.int32),
        pltpu.VMEM((C,), jnp.float32),
        pltpu.VMEM((1024,), jnp.float32),
        pltpu.VMEM_SHARED((CNT_ROWS,), jnp.float32),
        pltpu.SemaphoreType.DMA,
    ],
)
def _sc_count(dst_hbm, ones_hbm, zc_hbm, cnt_hbm, dst_v, ones_v, zb, acc, semc):
    c = lax.axis_index("c")
    s = lax.axis_index("s")
    wid = s * 2 + c
    pltpu.sync_copy(zc_hbm, zb)
    pltpu.sync_copy(zb.at[pl.ds(0, CNT_ROWS // 16)],
                    acc.at[pl.ds(s * (CNT_ROWS // 16), CNT_ROWS // 16)])
    pltpu.sync_copy(ones_hbm, ones_v)
    pltpu.sync_copy(dst_hbm.at[wid], dst_v)
    plsc.subcore_barrier()

    def body(g, carry):
        for k in range(16):
            pltpu.async_copy(ones_v, acc.at[dst_v.at[g * 16 + k]], semc, add=True)
        for k in range(16):
            pltpu.make_async_copy(ones_v, acc.at[dst_v.at[g * 16 + k]], semc).wait()
        return carry

    lax.fori_loop(0, CH // 16, body, 0)
    plsc.subcore_barrier()

    @pl.when(s < 10)
    def _():
        pltpu.sync_copy(acc.at[pl.ds(s * 1000, 1000)], zb.at[pl.ds(0, 1000)])
        pltpu.sync_copy(zb.at[pl.ds(0, 1000)],
                        cnt_hbm.at[pl.ds(c * N + s * 1000, 1000)])


@functools.partial(
    pl.kernel,
    out_type=jax.ShapeDtypeStruct((2, ACC_ROWS, D), jnp.float32),
    mesh=_sc_mesh,
    scratch_types=[
        pltpu.VMEM((CH // 2, C), jnp.int32),
        pltpu.VMEM((CH // 2, C), jnp.int32),
        pltpu.VMEM((C, D), jnp.float32),
        pltpu.VMEM((C, D), jnp.float32),
        pltpu.VMEM_SHARED((ACC_ROWS, D), jnp.float32),
        pltpu.SemaphoreType.DMA,
        pltpu.SemaphoreType.DMA,
        pltpu.SemaphoreType.DMA,
        pltpu.SemaphoreType.DMA,
    ],
)
def _sc_scatter(y_hbm, src_hbm, dst_hbm, zr_hbm, out_hbm,
                src_v, dst_v, rows0, rows1, acc, sem0, sem1, sems0, sems1):
    c = lax.axis_index("c")
    s = lax.axis_index("s")
    wid = s * 2 + c
    pltpu.sync_copy(zr_hbm, rows0)
    for k in range(5):
        pltpu.sync_copy(rows0, acc.at[pl.ds(s * 640 + k * 128, 128), :])
    plsc.subcore_barrier()

    HH = CH // 2
    for h in range(2):
        pltpu.sync_copy(src_hbm.at[wid, pl.ds(h * HH, HH), :], src_v)
        pltpu.sync_copy(dst_hbm.at[wid, pl.ds(h * HH, HH), :], dst_v)
        pltpu.async_copy(y_hbm.at[src_v.at[0]], rows0, sem0)
        pltpu.async_copy(y_hbm.at[src_v.at[1]], rows1, sem1)

        def body(i, carry):
            j = 2 * i
            pltpu.make_async_copy(y_hbm.at[src_v.at[j]], rows0, sem0).wait()
            pltpu.sync_copy(rows0, acc.at[dst_v.at[j]], add=True)
            pltpu.async_copy(y_hbm.at[src_v.at[j + 2]], rows0, sem0)
            pltpu.make_async_copy(y_hbm.at[src_v.at[j + 1]], rows1, sem1).wait()
            pltpu.sync_copy(rows1, acc.at[dst_v.at[j + 1]], add=True)
            pltpu.async_copy(y_hbm.at[src_v.at[j + 3]], rows1, sem1)
            return carry

        lax.fori_loop(0, HH // 2 - 1, body, 0)
        pltpu.make_async_copy(y_hbm.at[src_v.at[HH - 2]], rows0, sem0).wait()
        pltpu.sync_copy(rows0, acc.at[dst_v.at[HH - 2]], add=True)
        pltpu.make_async_copy(y_hbm.at[src_v.at[HH - 1]], rows1, sem1).wait()
        pltpu.sync_copy(rows1, acc.at[dst_v.at[HH - 1]], add=True)
    plsc.subcore_barrier()
    for k in range(5):
        buf = rows0 if k % 2 == 0 else rows1
        pltpu.sync_copy(acc.at[pl.ds(s * 640 + k * 128, 128), :], buf)
        pltpu.sync_copy(buf, out_hbm.at[c, pl.ds(s * 640 + k * 128, 128), :])


def _tc_layer1(x, cnt, w1a, w1row, idv):
    def body(x_ref, cnt_ref, w_ref, wrow_ref, idv_ref, y_ref):
        cntb = cnt_ref[...]
        dinv = lax.rsqrt(1.0 + cntb[:, 0] + cntb[:, 1])
        xw = jnp.dot(x_ref[...], w_ref[...], preferred_element_type=jnp.float32)
        xw = xw + idv_ref[0, 0] * wrow_ref[...]
        y_ref[...] = dinv[:, None] * xw

    return pl.pallas_call(
        body,
        grid=(N // RB,),
        in_specs=[
            pl.BlockSpec((RB, D), lambda i: (i, 0)),
            pl.BlockSpec((RB, 2), lambda i: (i, 0)),
            pl.BlockSpec((D, D), lambda i: (0, 0)),
            pl.BlockSpec((1, D), lambda i: (0, 0)),
            pl.BlockSpec((1, 1), lambda i: (0, 0)),
        ],
        out_specs=pl.BlockSpec((RB, D), lambda i: (i, 0)),
        out_shape=jax.ShapeDtypeStruct((N, D), jnp.float32),
    )(x, cnt, w1a, w1row, idv)


def _tc_mid(s1, y1, cnt, b1, a1, w2):
    def body(s_ref, y_ref, cnt_ref, b_ref, a_ref, w_ref, o_ref):
        cntb = cnt_ref[...]
        dinv = lax.rsqrt(1.0 + cntb[:, 0] + cntb[:, 1])[:, None]
        pre = dinv * (s_ref[0] + s_ref[1] + y_ref[...]) + b_ref[...]
        h = jnp.where(pre > 0, pre, a_ref[...] * pre)
        o_ref[...] = dinv * jnp.dot(h, w_ref[...],
                                    preferred_element_type=jnp.float32)

    return pl.pallas_call(
        body,
        grid=(N // RB,),
        in_specs=[
            pl.BlockSpec((2, RB, D), lambda i: (0, i, 0)),
            pl.BlockSpec((RB, D), lambda i: (i, 0)),
            pl.BlockSpec((RB, 2), lambda i: (i, 0)),
            pl.BlockSpec((1, D), lambda i: (0, 0)),
            pl.BlockSpec((1, D), lambda i: (0, 0)),
            pl.BlockSpec((D, D), lambda i: (0, 0)),
        ],
        out_specs=pl.BlockSpec((RB, D), lambda i: (i, 0)),
        out_shape=jax.ShapeDtypeStruct((N, D), jnp.float32),
    )(s1, y1, cnt, b1, a1, w2)


def _tc_final(s2, y2, cnt, b2, a2):
    def body(s_ref, y_ref, cnt_ref, b_ref, a_ref, o_ref):
        cntb = cnt_ref[...]
        dinv = lax.rsqrt(1.0 + cntb[:, 0] + cntb[:, 1])[:, None]
        pre = dinv * (s_ref[0] + s_ref[1] + y_ref[...]) + b_ref[...]
        o_ref[...] = jnp.where(pre > 0, pre, a_ref[...] * pre)

    return pl.pallas_call(
        body,
        grid=(N // RB,),
        in_specs=[
            pl.BlockSpec((2, RB, D), lambda i: (0, i, 0)),
            pl.BlockSpec((RB, D), lambda i: (i, 0)),
            pl.BlockSpec((RB, 2), lambda i: (i, 0)),
            pl.BlockSpec((1, D), lambda i: (0, 0)),
            pl.BlockSpec((1, D), lambda i: (0, 0)),
        ],
        out_specs=pl.BlockSpec((RB, D), lambda i: (i, 0)),
        out_shape=jax.ShapeDtypeStruct((N, D), jnp.float32),
    )(s2, y2, cnt, b2, a2)


def kernel(x, edge_index, id, W1, b1, a1, W2, b2, a2):
    src = edge_index[0]
    dst = edge_index[1]
    pad = EP - E
    ar = jnp.arange(pad, dtype=jnp.int32)
    src_p = jnp.concatenate([src, (ar * 97) % N])
    dst_p = jnp.concatenate([dst, N + (ar % 16)])
    src3 = src_p.reshape(CH, NW, C).transpose(1, 0, 2)
    dst3 = dst_p.reshape(CH, NW, C).transpose(1, 0, 2)

    ones_c = jnp.ones((C,), jnp.float32)
    zc = jnp.zeros((1024,), jnp.float32)
    zr = jnp.zeros((C, D), jnp.float32)

    cnt = _sc_count(dst3, ones_c, zc).reshape(2, N).T

    idv = jnp.asarray(id, jnp.float32).reshape(1, 1)
    y1 = _tc_layer1(x, cnt, W1[:D], W1[D:], idv)
    s1 = _sc_scatter(y1, src3, dst3, zr)
    y2 = _tc_mid(s1, y1, cnt, b1.reshape(1, D), a1.reshape(1, D), W2)
    s2 = _sc_scatter(y2, src3, dst3, zr)
    out = _tc_final(s2, y2, cnt, b2.reshape(1, D), a2.reshape(1, D))
    return out

# --- scband reference (transcript-rebuilt; emitter-appended) ---
"""Pipeline reference for scband-gcn-72971494359045 (READ-ONLY COPY).

The authoritative reference and input builder live on the scoring server;
editing this copy changes nothing except your own understanding.
"""

import jax, jax.numpy as jnp
import numpy as np

N = 10000
E = 320000
D = 128
H = 128
O = 128

def setup_inputs(seed: int = 0):
    key = jax.random.key(seed)
    ks = jax.random.split(key, 8)
    x = jax.random.normal(ks[0], (N, D), dtype=jnp.float32)
    edge_index = jax.random.randint(ks[1], (2, E), 0, N, dtype=jnp.int32)
    W1 = jax.random.normal(ks[2], (D + 1, H), dtype=jnp.float32) * (1.0 / np.sqrt(D + 1))
    b1 = jnp.zeros((H,), dtype=jnp.float32)
    a1 = jnp.full((H,), 0.25, dtype=jnp.float32)
    W2 = jax.random.normal(ks[3], (H, O), dtype=jnp.float32) * (1.0 / np.sqrt(H))
    b2 = jnp.zeros((O,), dtype=jnp.float32)
    a2 = jnp.full((O,), 0.25, dtype=jnp.float32)
    return {"x": x, "edge_index": edge_index, "id": 1, "W1": W1, "b1": b1, "a1": a1, "W2": W2, "b2": b2, "a2": a2}

def _gcn_conv(x, edge_index, W, b):
    # GCNConv: add self-loops, symmetric normalization D^-1/2 (A+I) D^-1/2 X W + b
    n = x.shape[0]
    xw = x @ W
    loops = jnp.arange(n, dtype=edge_index.dtype)
    src = jnp.concatenate([edge_index[0], loops])
    dst = jnp.concatenate([edge_index[1], loops])
    deg = jax.ops.segment_sum(jnp.ones(src.shape[0], dtype=xw.dtype), dst, num_segments=n)
    deg_safe = jnp.where(deg > 0, deg, 1.0)
    dinv = jnp.where(deg > 0, 1.0 / jnp.sqrt(deg_safe), 0.0)
    norm = dinv[src] * dinv[dst]
    msgs = xw[src] * norm[:, None]
    out = jax.ops.segment_sum(msgs, dst, num_segments=n)
    return out + b

def _prelu(x, a):
    return jnp.where(x > 0, x, a * x)

def reference(x, edge_index, id, W1, b1, a1, W2, b2, a2):
    id_col = jnp.broadcast_to(jnp.asarray(id, dtype=x.dtype), (x.shape[0], 1))
    h = jnp.concatenate([x, id_col], axis=1)
    h = _prelu(_gcn_conv(h, edge_index, W1, b1), a1)
    h = _prelu(_gcn_conv(h, edge_index, W2, b2), a2)
    return h

if __name__ == "__main__":
    import jax
    _d = setup_inputs()
    print(jax.jit(kernel)(*tuple(_d.values())))

</pallas_src>

<mosaic_0001>
#map = affine_map<(d0, d1) -> (0, 0)>
#map1 = affine_map<(d0, d1) -> (0, 0, 0)>
module attributes {stable_mosaic.version = 14 : i64} {
  func.func @_sc_scatter(%arg0: i32, %arg1: i32, %arg2: memref<10000x128xf32, #tpu.memory_space<hbm>>, %arg3: memref<32x80x128xi32, #tpu.memory_space<hbm>>, %arg4: memref<32x80x128xi32, #tpu.memory_space<hbm>>, %arg5: memref<128x128xf32, #tpu.memory_space<hbm>>, %arg6: memref<2x10240x128xf32, #tpu.memory_space<hbm>>, %arg7: memref<40x128xi32, #tpu.memory_space<vmem>>, %arg8: memref<40x128xi32, #tpu.memory_space<vmem>>, %arg9: memref<128x128xf32, #tpu.memory_space<vmem>>, %arg10: memref<128x128xf32, #tpu.memory_space<vmem>>, %arg11: memref<10240x128xf32, #tpu.memory_space<vmem_shared>>, %arg12: memref<!tpu.dma_semaphore, #tpu.memory_space<semaphore_mem>>, %arg13: memref<!tpu.dma_semaphore, #tpu.memory_space<semaphore_mem>>, %arg14: memref<!tpu.dma_semaphore, #tpu.memory_space<semaphore_mem>>, %arg15: memref<!tpu.dma_semaphore, #tpu.memory_space<semaphore_mem>>) attributes {dimension_semantics = [#tpu.dimension_semantics<core_parallel>, #tpu.dimension_semantics<subcore_parallel>], iteration_bounds = array<i64: 2, 16>, scalar_prefetch = 0 : i64, scratch_operands = 9 : i64, tpu.core_type = #tpu.core_type<sc_vector_subcore>, window_params = [{transform_indices = #map}, {transform_indices = #map1}, {transform_indices = #map1}, {transform_indices = #map}, {transform_indices = #map1}]} {
    %mul3A = arith.constant 2 : i32
    %mul3A_0 = arith.muli %arg1, %mul3A : i32
    %add3A = arith.addi %mul3A_0, %arg0 : i32
    "tpu.region"() ({
      %run_scoped3A_130 = tpu.sem_alloc : memref<!tpu.dma_semaphore, #tpu.memory_space<semaphore_mem>>
      tpu.enqueue_dma source(%arg5 : memref<128x128xf32, #tpu.memory_space<hbm>>) target(%arg9 : memref<128x128xf32, #tpu.memory_space<vmem>>) target_semaphore(%run_scoped3A_130 : memref<!tpu.dma_semaphore, #tpu.memory_space<semaphore_mem>>)
      tpu.wait_dma2 semaphore(%run_scoped3A_130 : memref<!tpu.dma_semaphore, #tpu.memory_space<semaphore_mem>>) src(%arg5 : memref<128x128xf32, #tpu.memory_space<hbm>>) dst(%arg9 : memref<128x128xf32, #tpu.memory_space<vmem>>)
      tpu.yield
    }) : () -> ()
    %mul3A_1 = arith.constant 640 : i32
    %mul3A_2 = arith.muli %arg1, %mul3A_1 : i32
    %add3A_3 = arith.constant 0 : i32
    %add3A_4 = arith.addi %mul3A_2, %add3A_3 : i32
    "tpu.region"() ({
      %run_scoped3A_130 = tpu.sem_alloc : memref<!tpu.dma_semaphore, #tpu.memory_space<semaphore_mem>>
      %dma_start3A_131 = arith.constant 0 : i32
      %dma_start3A_132 = tpu.memref_slice %arg11[%add3A_4, %dma_start3A_131] : memref<10240x128xf32, #tpu.memory_space<vmem_shared>> -> memref<128x128xf32, #tpu.memory_space<vmem_shared>>
      %dma_start3A_133 = arith.constant 0 : i32
      %dma_start3A_134 = tpu.memref_slice %arg11[%add3A_4, %dma_start3A_133] : memref<10240x128xf32, #tpu.memory_space<vmem_shared>> -> memref<128x128xf32, #tpu.memory_space<vmem_shared>>
      tpu.enqueue_dma source(%arg9 : memref<128x128xf32, #tpu.memory_space<vmem>>) target(%dma_start3A_134 : memref<128x128xf32, #tpu.memory_space<vmem_shared>>) target_semaphore(%run_scoped3A_130 : memref<!tpu.dma_semaphore, #tpu.memory_space<semaphore_mem>>)
      %dma_wait3A_135 = arith.constant 0 : i32
      %dma_wait3A_136 = tpu.memref_slice %arg11[%add3A_4, %dma_wait3A_135] : memref<10240x128xf32, #tpu.memory_space<vmem_shared>> -> memref<128x128xf32, #tpu.memory_space<vmem_shared>>
      %dma_wait3A_137 = arith.constant 0 : i32
      %dma_wait3A_138 = tpu.memref_slice %arg11[%add3A_4, %dma_wait3A_137] : memref<10240x128xf32, #tpu.memory_space<vmem_shared>> -> memref<128x128xf32, #tpu.memory_space<vmem_shared>>
      tpu.wait_dma2 semaphore(%run_scoped3A_130 : memref<!tpu.dma_semaphore, #tpu.memory_space<semaphore_mem>>) src(%arg9 : memref<128x128xf32, #tpu.memory_space<vmem>>) dst(%dma_wait3A_138 : memref<128x128xf32, #tpu.memory_space<vmem_shared>>)
      tpu.yield
    }) : () -> ()
    %mul3A_5 = arith.constant 640 : i32
    %mul3A_6 = arith.muli %arg1, %mul3A_5 : i32
    %add3A_7 = arith.constant 128 : i32
    %add3A_8 = arith.addi %mul3A_6, %add3A_7 : i32
    "tpu.region"() ({
      %run_scoped3A_130 = tpu.sem_alloc : memref<!tpu.dma_semaphore, #tpu.memory_space<semaphore_mem>>
      %dma_start3A_131 = arith.constant 0 : i32
      %dma_start3A_132 = tpu.memref_slice %arg11[%add3A_8, %dma_start3A_131] : memref<10240x128xf32, #tpu.memory_space<vmem_shared>> -> memref<128x128xf32, #tpu.memory_space<vmem_shared>>
      %dma_start3A_133 = arith.constant 0 : i32
      %dma_start3A_134 = tpu.memref_slice %arg11[%add3A_8, %dma_start3A_133] : memref<10240x128xf32, #tpu.memory_space<vmem_shared>> -> memref<128x128xf32, #tpu.memory_space<vmem_shared>>
      tpu.enqueue_dma source(%arg9 : memref<128x128xf32, #tpu.memory_space<vmem>>) target(%dma_start3A_134 : memref<128x128xf32, #tpu.memory_space<vmem_shared>>) target_semaphore(%run_scoped3A_130 : memref<!tpu.dma_semaphore, #tpu.memory_space<semaphore_mem>>)
      %dma_wait3A_135 = arith.constant 0 : i32
      %dma_wait3A_136 = tpu.memref_slice %arg11[%add3A_8, %dma_wait3A_135] : memref<10240x128xf32, #tpu.memory_space<vmem_shared>> -> memref<128x128xf32, #tpu.memory_space<vmem_shared>>
      %dma_wait3A_137 = arith.constant 0 : i32
      %dma_wait3A_138 = tpu.memref_slice %arg11[%add3A_8, %dma_wait3A_137] : memref<10240x128xf32, #tpu.memory_space<vmem_shared>> -> memref<128x128xf32, #tpu.memory_space<vmem_shared>>
      tpu.wait_dma2 semaphore(%run_scoped3A_130 : memref<!tpu.dma_semaphore, #tpu.memory_space<semaphore_mem>>) src(%arg9 : memref<128x128xf32, #tpu.memory_space<vmem>>) dst(%dma_wait3A_138 : memref<128x128xf32, #tpu.memory_space<vmem_shared>>)
      tpu.yield
    }) : () -> ()
    %mul3A_9 = arith.constant 640 : i32
    %mul3A_10 = arith.muli %arg1, %mul3A_9 : i32
    %add3A_11 = arith.constant 256 : i32
    %add3A_12 = arith.addi %mul3A_10, %add3A_11 : i32
    "tpu.region"() ({
      %run_scoped3A_130 = tpu.sem_alloc : memref<!tpu.dma_semaphore, #tpu.memory_space<semaphore_mem>>
      %dma_start3A_131 = arith.constant 0 : i32
      %dma_start3A_132 = tpu.memref_slice %arg11[%add3A_12, %dma_start3A_131] : memref<10240x128xf32, #tpu.memory_space<vmem_shared>> -> memref<128x128xf32, #tpu.memory_space<vmem_shared>>
      %dma_start3A_133 = arith.constant 0 : i32
      %dma_start3A_134 = tpu.memref_slice %arg11[%add3A_12, %dma_start3A_133] : memref<10240x128xf32, #tpu.memory_space<vmem_shared>> -> memref<128x128xf32, #tpu.memory_space<vmem_shared>>
      tpu.enqueue_dma source(%arg9 : memref<128x128xf32, #tpu.memory_space<vmem>>) target(%dma_start3A_134 : memref<128x128xf32, #tpu.memory_space<vmem_shared>>) target_semaphore(%run_scoped3A_130 : memref<!tpu.dma_semaphore, #tpu.memory_space<semaphore_mem>>)
      %dma_wait3A_135 = arith.constant 0 : i32
      %dma_wait3A_136 = tpu.memref_slice %arg11[%add3A_12, %dma_wait3A_135] : memref<10240x128xf32, #tpu.memory_space<vmem_shared>> -> memref<128x128xf32, #tpu.memory_space<vmem_shared>>
      %dma_wait3A_137 = arith.constant 0 : i32
      %dma_wait3A_138 = tpu.memref_slice %arg11[%add3A_12, %dma_wait3A_137] : memref<10240x128xf32, #tpu.memory_space<vmem_shared>> -> memref<128x128xf32, #tpu.memory_space<vmem_shared>>
      tpu.wait_dma2 semaphore(%run_scoped3A_130 : memref<!tpu.dma_semaphore, #tpu.memory_space<semaphore_mem>>) src(%arg9 : memref<128x128xf32, #tpu.memory_space<vmem>>) dst(%dma_wait3A_138 : memref<128x128xf32, #tpu.memory_space<vmem_shared>>)
      tpu.yield
    }) : () -> ()
    %mul3A_13 = arith.constant 640 : i32
    %mul3A_14 = arith.muli %arg1, %mul3A_13 : i32
    %add3A_15 = arith.constant 384 : i32
    %add3A_16 = arith.addi %mul3A_14, %add3A_15 : i32
    "tpu.region"() ({
      %run_scoped3A_130 = tpu.sem_alloc : memref<!tpu.dma_semaphore, #tpu.memory_space<semaphore_mem>>
      %dma_start3A_131 = arith.constant 0 : i32
      %dma_start3A_132 = tpu.memref_slice %arg11[%add3A_16, %dma_start3A_131] : memref<10240x128xf32, #tpu.memory_space<vmem_shared>> -> memref<128x128xf32, #tpu.memory_space<vmem_shared>>
      %dma_start3A_133 = arith.constant 0 : i32
      %dma_start3A_134 = tpu.memref_slice %arg11[%add3A_16, %dma_start3A_133] : memref<10240x128xf32, #tpu.memory_space<vmem_shared>> -> memref<128x128xf32, #tpu.memory_space<vmem_shared>>
      tpu.enqueue_dma source(%arg9 : memref<128x128xf32, #tpu.memory_space<vmem>>) target(%dma_start3A_134 : memref<128x128xf32, #tpu.memory_space<vmem_shared>>) target_semaphore(%run_scoped3A_130 : memref<!tpu.dma_semaphore, #tpu.memory_space<semaphore_mem>>)
      %dma_wait3A_135 = arith.constant 0 : i32
      %dma_wait3A_136 = tpu.memref_slice %arg11[%add3A_16, %dma_wait3A_135] : memref<10240x128xf32, #tpu.memory_space<vmem_shared>> -> memref<128x128xf32, #tpu.memory_space<vmem_shared>>
      %dma_wait3A_137 = arith.constant 0 : i32
      %dma_wait3A_138 = tpu.memref_slice %arg11[%add3A_16, %dma_wait3A_137] : memref<10240x128xf32, #tpu.memory_space<vmem_shared>> -> memref<128x128xf32, #tpu.memory_space<vmem_shared>>
      tpu.wait_dma2 semaphore(%run_scoped3A_130 : memref<!tpu.dma_semaphore, #tpu.memory_space<semaphore_mem>>) src(%arg9 : memref<128x128xf32, #tpu.memory_space<vmem>>) dst(%dma_wait3A_138 : memref<128x128xf32, #tpu.memory_space<vmem_shared>>)
      tpu.yield
    }) : () -> ()
    %mul3A_17 = arith.constant 640 : i32
    %mul3A_18 = arith.muli %arg1, %mul3A_17 : i32
    %add3A_19 = arith.constant 512 : i32
    %add3A_20 = arith.addi %mul3A_18, %add3A_19 : i32
    "tpu.region"() ({
      %run_scoped3A_130 = tpu.sem_alloc : memref<!tpu.dma_semaphore, #tpu.memory_space<semaphore_mem>>
      %dma_start3A_131 = arith.constant 0 : i32
      %dma_start3A_132 = tpu.memref_slice %arg11[%add3A_20, %dma_start3A_131] : memref<10240x128xf32, #tpu.memory_space<vmem_shared>> -> memref<128x128xf32, #tpu.memory_space<vmem_shared>>
      %dma_start3A_133 = arith.constant 0 : i32
      %dma_start3A_134 = tpu.memref_slice %arg11[%add3A_20, %dma_start3A_133] : memref<10240x128xf32, #tpu.memory_space<vmem_shared>> -> memref<128x128xf32, #tpu.memory_space<vmem_shared>>
      tpu.enqueue_dma source(%arg9 : memref<128x128xf32, #tpu.memory_space<vmem>>) target(%dma_start3A_134 : memref<128x128xf32, #tpu.memory_space<vmem_shared>>) target_semaphore(%run_scoped3A_130 : memref<!tpu.dma_semaphore, #tpu.memory_space<semaphore_mem>>)
      %dma_wait3A_135 = arith.constant 0 : i32
      %dma_wait3A_136 = tpu.memref_slice %arg11[%add3A_20, %dma_wait3A_135] : memref<10240x128xf32, #tpu.memory_space<vmem_shared>> -> memref<128x128xf32, #tpu.memory_space<vmem_shared>>
      %dma_wait3A_137 = arith.constant 0 : i32
      %dma_wait3A_138 = tpu.memref_slice %arg11[%add3A_20, %dma_wait3A_137] : memref<10240x128xf32, #tpu.memory_space<vmem_shared>> -> memref<128x128xf32, #tpu.memory_space<vmem_shared>>
      tpu.wait_dma2 semaphore(%run_scoped3A_130 : memref<!tpu.dma_semaphore, #tpu.memory_space<semaphore_mem>>) src(%arg9 : memref<128x128xf32, #tpu.memory_space<vmem>>) dst(%dma_wait3A_138 : memref<128x128xf32, #tpu.memory_space<vmem_shared>>)
      tpu.yield
    }) : () -> ()
    %barrier3A = arith.constant 0 : index
    tpu.barrier barrier_id(%barrier3A)
    "tpu.region"() ({
      %run_scoped3A_130 = tpu.sem_alloc : memref<!tpu.dma_semaphore, #tpu.memory_space<semaphore_mem>>
      %dma_start3A_131 = arith.constant 0 : i32
      %dma_start3A_132 = arith.constant 0 : i32
      %dma_start3A_133 = tpu.memref_slice %arg3[%add3A, %dma_start3A_131, %dma_start3A_132] : memref<32x80x128xi32, #tpu.memory_space<hbm>> -> memref<1x40x128xi32, #tpu.memory_space<hbm>>
      %dma_start3A_134 = tpu.memref_squeeze %dma_start3A_133 : memref<1x40x128xi32, #tpu.memory_space<hbm>> -> memref<40x128xi32, #tpu.memory_space<hbm>>
      %dma_start3A_135 = arith.constant 0 : i32
      %dma_start3A_136 = arith.constant 0 : i32
      %dma_start3A_137 = tpu.memref_slice %arg3[%add3A, %dma_start3A_135, %dma_start3A_136] : memref<32x80x128xi32, #tpu.memory_space<hbm>> -> memref<1x40x128xi32, #tpu.memory_space<hbm>>
      %dma_start3A_138 = tpu.memref_squeeze %dma_start3A_137 : memref<1x40x128xi32, #tpu.memory_space<hbm>> -> memref<40x128xi32, #tpu.memory_space<hbm>>
      tpu.enqueue_dma source(%dma_start3A_138 : memref<40x128xi32, #tpu.memory_space<hbm>>) target(%arg7 : memref<40x128xi32, #tpu.memory_space<vmem>>) target_semaphore(%run_scoped3A_130 : memref<!tpu.dma_semaphore, #tpu.memory_space<semaphore_mem>>)
      %dma_wait3A_139 = arith.constant 0 : i32
      %dma_wait3A_140 = arith.constant 0 : i32
      %dma_wait3A_141 = tpu.memref_slice %arg3[%add3A, %dma_wait3A_139, %dma_wait3A_140] : memref<32x80x128xi32, #tpu.memory_space<hbm>> -> memref<1x40x128xi32, #tpu.memory_space<hbm>>
      %dma_wait3A_142 = tpu.memref_squeeze %dma_wait3A_141 : memref<1x40x128xi32, #tpu.memory_space<hbm>> -> memref<40x128xi32, #tpu.memory_space<hbm>>
      %dma_wait3A_143 = arith.constant 0 : i32
      %dma_wait3A_144 = arith.constant 0 : i32
      %dma_wait3A_145 = tpu.memref_slice %arg3[%add3A, %dma_wait3A_143, %dma_wait3A_144] : memref<32x80x128xi32, #tpu.memory_space<hbm>> -> memref<1x40x128xi32, #tpu.memory_space<hbm>>
      %dma_wait3A_146 = tpu.memref_squeeze %dma_wait3A_145 : memref<1x40x128xi32, #tpu.memory_space<hbm>> -> memref<40x128xi32, #tpu.memory_space<hbm>>
      tpu.wait_dma2 semaphore(%run_scoped3A_130 : memref<!tpu.dma_semaphore, #tpu.memory_space<semaphore_mem>>) src(%dma_wait3A_146 : memref<40x128xi32, #tpu.memory_space<hbm>>) dst(%arg7 : memref<40x128xi32, #tpu.memory_space<vmem>>)
      tpu.yield
    }) : () -> ()
    "tpu.region"() ({
      %run_scoped3A_130 = tpu.sem_alloc : memref<!tpu.dma_semaphore, #tpu.memory_space<semaphore_mem>>
      %dma_start3A_131 = arith.constant 0 : i32
      %dma_start3A_132 = arith.constant 0 : i32
      %dma_start3A_133 = tpu.memref_slice %arg4[%add3A, %dma_start3A_131, %dma_start3A_132] : memref<32x80x128xi32, #tpu.memory_space<hbm>> -> memref<1x40x128xi32, #tpu.memory_space<hbm>>
      %dma_start3A_134 = tpu.memref_squeeze %dma_start3A_133 : memref<1x40x128xi32, #tpu.memory_space<hbm>> -> memref<40x128xi32, #tpu.memory_space<hbm>>
      %dma_start3A_135 = arith.constant 0 : i32
      %dma_start3A_136 = arith.constant 0 : i32
      %dma_start3A_137 = tpu.memref_slice %arg4[%add3A, %dma_start3A_135, %dma_start3A_136] : memref<32x80x128xi32, #tpu.memory_space<hbm>> -> memref<1x40x128xi32, #tpu.memory_space<hbm>>
      %dma_start3A_138 = tpu.memref_squeeze %dma_start3A_137 : memref<1x40x128xi32, #tpu.memory_space<hbm>> -> memref<40x128xi32, #tpu.memory_space<hbm>>
      tpu.enqueue_dma source(%dma_start3A_138 : memref<40x128xi32, #tpu.memory_space<hbm>>) target(%arg8 : memref<40x128xi32, #tpu.memory_space<vmem>>) target_semaphore(%run_scoped3A_130 : memref<!tpu.dma_semaphore, #tpu.memory_space<semaphore_mem>>)
      %dma_wait3A_139 = arith.constant 0 : i32
      %dma_wait3A_140 = arith.constant 0 : i32
      %dma_wait3A_141 = tpu.memref_slice %arg4[%add3A, %dma_wait3A_139, %dma_wait3A_140] : memref<32x80x128xi32, #tpu.memory_space<hbm>> -> memref<1x40x128xi32, #tpu.memory_space<hbm>>
      %dma_wait3A_142 = tpu.memref_squeeze %dma_wait3A_141 : memref<1x40x128xi32, #tpu.memory_space<hbm>> -> memref<40x128xi32, #tpu.memory_space<hbm>>
      %dma_wait3A_143 = arith.constant 0 : i32
      %dma_wait3A_144 = arith.constant 0 : i32
      %dma_wait3A_145 = tpu.memref_slice %arg4[%add3A, %dma_wait3A_143, %dma_wait3A_144] : memref<32x80x128xi32, #tpu.memory_space<hbm>> -> memref<1x40x128xi32, #tpu.memory_space<hbm>>
      %dma_wait3A_146 = tpu.memref_squeeze %dma_wait3A_145 : memref<1x40x128xi32, #tpu.memory_space<hbm>> -> memref<40x128xi32, #tpu.memory_space<hbm>>
      tpu.wait_dma2 semaphore(%run_scoped3A_130 : memref<!tpu.dma_semaphore, #tpu.memory_space<semaphore_mem>>) src(%dma_wait3A_146 : memref<40x128xi32, #tpu.memory_space<hbm>>) dst(%arg8 : memref<40x128xi32, #tpu.memory_space<vmem>>)
      tpu.yield
    }) : () -> ()
    %dma_start3A = arith.constant 0 : i32
    %dma_start3A_21 = arith.constant 0 : i32
    %dma_start3A_22 = tpu.memref_slice %arg7[%dma_start3A, %dma_start3A_21] : memref<40x128xi32, #tpu.memory_space<vmem>> -> memref<1x128xi32, #tpu.memory_space<vmem>>
    %dma_start3A_23 = tpu.memref_squeeze %dma_start3A_22 : memref<1x128xi32, #tpu.memory_space<vmem>> -> memref<128xi32, #tpu.memory_space<vmem>>
    %dma_start3A_24 = arith.constant 0 : i32
    %dma_start3A_25 = arith.constant 0 : i32
    %dma_start3A_26 = tpu.memref_slice %arg2[%dma_start3A_24, %dma_start3A_25] : memref<10000x128xf32, #tpu.memory_space<hbm>> -> memref<10000x128xf32, #tpu.memory_space<hbm>>
    tpu.enqueue_indirect_dma source(%dma_start3A_26 : memref<10000x128xf32, #tpu.memory_space<hbm>>) target(%arg9 : memref<128x128xf32, #tpu.memory_space<vmem>>) offsets(%dma_start3A_23 : memref<128xi32, #tpu.memory_space<vmem>>) semaphore(%arg12 : memref<!tpu.dma_semaphore, #tpu.memory_space<semaphore_mem>>)
    %dma_start3A_27 = arith.constant 1 : i32
    %dma_start3A_28 = arith.constant 0 : i32
    %dma_start3A_29 = tpu.memref_slice %arg7[%dma_start3A_27, %dma_start3A_28] : memref<40x128xi32, #tpu.memory_space<vmem>> -> memref<1x128xi32, #tpu.memory_space<vmem>>
    %dma_start3A_30 = tpu.memref_squeeze %dma_start3A_29 : memref<1x128xi32, #tpu.memory_space<vmem>> -> memref<128xi32, #tpu.memory_space<vmem>>
    %dma_start3A_31 = arith.constant 0 : i32
    %dma_start3A_32 = arith.constant 0 : i32
    %dma_start3A_33 = tpu.memref_slice %arg2[%dma_start3A_31, %dma_start3A_32] : memref<10000x128xf32, #tpu.memory_space<hbm>> -> memref<10000x128xf32, #tpu.memory_space<hbm>>
    tpu.enqueue_indirect_dma source(%dma_start3A_33 : memref<10000x128xf32, #tpu.memory_space<hbm>>) target(%arg10 : memref<128x128xf32, #tpu.memory_space<vmem>>) offsets(%dma_start3A_30 : memref<128xi32, #tpu.memory_space<vmem>>) semaphore(%arg13 : memref<!tpu.dma_semaphore, #tpu.memory_space<semaphore_mem>>)
    %scan3A = arith.constant 0 : i32
    %scan3A_34 = arith.constant 0 : i32
    %scan3A_35 = arith.constant 19 : i32
    %scan3A_36 = arith.addi %scan3A_34, %scan3A_35 : i32
    %scan3A_37 = arith.constant 1 : i32
    scf.for %scan3A_130 = %scan3A_34 to %scan3A_36 step %scan3A_37  : i32 {
      %mul3A_131 = arith.constant 2 : i32
      %mul3A_132 = arith.muli %mul3A_131, %scan3A_130 : i32
      %dma_wait3A_133 = arith.constant 0 : i32
      %dma_wait3A_134 = tpu.memref_slice %arg7[%mul3A_132, %dma_wait3A_133] : memref<40x128xi32, #tpu.memory_space<vmem>> -> memref<1x128xi32, #tpu.memory_space<vmem>>
      %dma_wait3A_135 = tpu.memref_squeeze %dma_wait3A_134 : memref<1x128xi32, #tpu.memory_space<vmem>> -> memref<128xi32, #tpu.memory_space<vmem>>
      %dma_wait3A_136 = arith.constant 0 : i32
      %dma_wait3A_137 = arith.constant 0 : i32
      %dma_wait3A_138 = tpu.memref_slice %arg2[%dma_wait3A_136, %dma_wait3A_137] : memref<10000x128xf32, #tpu.memory_space<hbm>> -> memref<10000x128xf32, #tpu.memory_space<hbm>>
      tpu.wait_indirect_dma semaphore(%arg12 : memref<!tpu.dma_semaphore, #tpu.memory_space<semaphore_mem>>) src(%dma_wait3A_138 : memref<10000x128xf32, #tpu.memory_space<hbm>>) dst(%arg9 : memref<128x128xf32, #tpu.memory_space<vmem>>)
      "tpu.region"() ({
        %run_scoped3A_165 = tpu.sem_alloc : memref<!tpu.dma_semaphore, #tpu.memory_space<semaphore_mem>>
        %dma_start3A_166 = arith.constant 0 : i32
        %dma_start3A_167 = tpu.memref_slice %arg8[%mul3A_132, %dma_start3A_166] : memref<40x128xi32, #tpu.memory_space<vmem>> -> memref<1x128xi32, #tpu.memory_space<vmem>>
        %dma_start3A_168 = tpu.memref_squeeze %dma_start3A_167 : memref<1x128xi32, #tpu.memory_space<vmem>> -> memref<128xi32, #tpu.memory_space<vmem>>
        %dma_start3A_169 = arith.constant 0 : i32
        %dma_start3A_170 = arith.constant 0 : i32
        %dma_start3A_171 = tpu.memref_slice %arg11[%dma_start3A_169, %dma_start3A_170] : memref<10240x128xf32, #tpu.memory_space<vmem_shared>> -> memref<10240x128xf32, #tpu.memory_space<vmem_shared>>
        tpu.enqueue_indirect_dma source(%arg9 : memref<128x128xf32, #tpu.memory_space<vmem>>) target(%dma_start3A_171 : memref<10240x128xf32, #tpu.memory_space<vmem_shared>>) offsets(%dma_start3A_168 : memref<128xi32, #tpu.memory_space<vmem>>) semaphore(%run_scoped3A_165 : memref<!tpu.dma_semaphore, #tpu.memory_space<semaphore_mem>>) {add = true}
        %dma_wait3A_172 = arith.constant 0 : i32
        %dma_wait3A_173 = tpu.memref_slice %arg8[%mul3A_132, %dma_wait3A_172] : memref<40x128xi32, #tpu.memory_space<vmem>> -> memref<1x128xi32, #tpu.memory_space<vmem>>
        %dma_wait3A_174 = tpu.memref_squeeze %dma_wait3A_173 : memref<1x128xi32, #tpu.memory_space<vmem>> -> memref<128xi32, #tpu.memory_space<vmem>>
        %dma_wait3A_175 = arith.constant 0 : i32
        %dma_wait3A_176 = arith.constant 0 : i32
        %dma_wait3A_177 = tpu.memref_slice %arg11[%dma_wait3A_175, %dma_wait3A_176] : memref<10240x128xf32, #tpu.memory_space<vmem_shared>> -> memref<10240x128xf32, #tpu.memory_space<vmem_shared>>
        tpu.wait_indirect_dma semaphore(%run_scoped3A_165 : memref<!tpu.dma_semaphore, #tpu.memory_space<semaphore_mem>>) src(%arg9 : memref<128x128xf32, #tpu.memory_space<vmem>>) dst(%dma_wait3A_177 : memref<10240x128xf32, #tpu.memory_space<vmem_shared>>)
        tpu.yield
      }) : () -> ()
      %add3A_139 = arith.constant 2 : i32
      %add3A_140 = arith.addi %mul3A_132, %add3A_139 : i32
      %dma_start3A_141 = arith.constant 0 : i32
      %dma_start3A_142 = tpu.memref_slice %arg7[%add3A_140, %dma_start3A_141] : memref<40x128xi32, #tpu.memory_space<vmem>> -> memref<1x128xi32, #tpu.memory_space<vmem>>
      %dma_start3A_143 = tpu.memref_squeeze %dma_start3A_142 : memref<1x128xi32, #tpu.memory_space<vmem>> -> memref<128xi32, #tpu.memory_space<vmem>>
      %dma_start3A_144 = arith.constant 0 : i32
      %dma_start3A_145 = arith.constant 0 : i32
      %dma_start3A_146 = tpu.memref_slice %arg2[%dma_start3A_144, %dma_start3A_145] : memref<10000x128xf32, #tpu.memory_space<hbm>> -> memref<10000x128xf32, #tpu.memory_space<hbm>>
      tpu.enqueue_indirect_dma source(%dma_start3A_146 : memref<10000x128xf32, #tpu.memory_space<hbm>>) target(%arg9 : memref<128x128xf32, #tpu.memory_space<vmem>>) offsets(%dma_start3A_143 : memref<128xi32, #tpu.memory_space<vmem>>) semaphore(%arg12 : memref<!tpu.dma_semaphore, #tpu.memory_space<semaphore_mem>>)
      %add3A_147 = arith.constant 1 : i32
      %add3A_148 = arith.addi %mul3A_132, %add3A_147 : i32
      %dma_wait3A_149 = arith.constant 0 : i32
      %dma_wait3A_150 = tpu.memref_slice %arg7[%add3A_148, %dma_wait3A_149] : memref<40x128xi32, #tpu.memory_space<vmem>> -> memref<1x128xi32, #tpu.memory_space<vmem>>
      %dma_wait3A_151 = tpu.memref_squeeze %dma_wait3A_150 : memref<1x128xi32, #tpu.memory_space<vmem>> -> memref<128xi32, #tpu.memory_space<vmem>>
      %dma_wait3A_152 = arith.constant 0 : i32
      %dma_wait3A_153 = arith.constant 0 : i32
      %dma_wait3A_154 = tpu.memref_slice %arg2[%dma_wait3A_152, %dma_wait3A_153] : memref<10000x128xf32, #tpu.memory_space<hbm>> -> memref<10000x128xf32, #tpu.memory_space<hbm>>
      tpu.wait_indirect_dma semaphore(%arg13 : memref<!tpu.dma_semaphore, #tpu.memory_space<semaphore_mem>>) src(%dma_wait3A_154 : memref<10000x128xf32, #tpu.memory_space<hbm>>) dst(%arg10 : memref<128x128xf32, #tpu.memory_space<vmem>>)
      %add3A_155 = arith.constant 1 : i32
      %add3A_156 = arith.addi %mul3A_132, %add3A_155 : i32
      "tpu.region"() ({
        %run_scoped3A_165 = tpu.sem_alloc : memref<!tpu.dma_semaphore, #tpu.memory_space<semaphore_mem>>
        %dma_start3A_166 = arith.constant 0 : i32
        %dma_start3A_167 = tpu.memref_slice %arg8[%add3A_156, %dma_start3A_166] : memref<40x128xi32, #tpu.memory_space<vmem>> -> memref<1x128xi32, #tpu.memory_space<vmem>>
        %dma_start3A_168 = tpu.memref_squeeze %dma_start3A_167 : memref<1x128xi32, #tpu.memory_space<vmem>> -> memref<128xi32, #tpu.memory_space<vmem>>
        %dma_start3A_169 = arith.constant 0 : i32
        %dma_start3A_170 = arith.constant 0 : i32
        %dma_start3A_171 = tpu.memref_slice %arg11[%dma_start3A_169, %dma_start3A_170] : memref<10240x128xf32, #tpu.memory_space<vmem_shared>> -> memref<10240x128xf32, #tpu.memory_space<vmem_shared>>
        tpu.enqueue_indirect_dma source(%arg10 : memref<128x128xf32, #tpu.memory_space<vmem>>) target(%dma_start3A_171 : memref<10240x128xf32, #tpu.memory_space<vmem_shared>>) offsets(%dma_start3A_168 : memref<128xi32, #tpu.memory_space<vmem>>) semaphore(%run_scoped3A_165 : memref<!tpu.dma_semaphore, #tpu.memory_space<semaphore_mem>>) {add = true}
        %dma_wait3A_172 = arith.constant 0 : i32
        %dma_wait3A_173 = tpu.memref_slice %arg8[%add3A_156, %dma_wait3A_172] : memref<40x128xi32, #tpu.memory_space<vmem>> -> memref<1x128xi32, #tpu.memory_space<vmem>>
        %dma_wait3A_174 = tpu.memref_squeeze %dma_wait3A_173 : memref<1x128xi32, #tpu.memory_space<vmem>> -> memref<128xi32, #tpu.memory_space<vmem>>
        %dma_wait3A_175 = arith.constant 0 : i32
        %dma_wait3A_176 = arith.constant 0 : i32
        %dma_wait3A_177 = tpu.memref_slice %arg11[%dma_wait3A_175, %dma_wait3A_176] : memref<10240x128xf32, #tpu.memory_space<vmem_shared>> -> memref<10240x128xf32, #tpu.memory_space<vmem_shared>>
        tpu.wait_indirect_dma semaphore(%run_scoped3A_165 : memref<!tpu.dma_semaphore, #tpu.memory_space<semaphore_mem>>) src(%arg10 : memref<128x128xf32, #tpu.memory_space<vmem>>) dst(%dma_wait3A_177 : memref<10240x128xf32, #tpu.memory_space<vmem_shared>>)
        tpu.yield
      }) : () -> ()
      %add3A_157 = arith.constant 3 : i32
      %add3A_158 = arith.addi %mul3A_132, %add3A_157 : i32
      %dma_start3A_159 = arith.constant 0 : i32
      %dma_start3A_160 = tpu.memref_slice %arg7[%add3A_158, %dma_start3A_159] : memref<40x128xi32, #tpu.memory_space<vmem>> -> memref<1x128xi32, #tpu.memory_space<vmem>>
      %dma_start3A_161 = tpu.memref_squeeze %dma_start3A_160 : memref<1x128xi32, #tpu.memory_space<vmem>> -> memref<128xi32, #tpu.memory_space<vmem>>
      %dma_start3A_162 = arith.constant 0 : i32
      %dma_start3A_163 = arith.constant 0 : i32
      %dma_start3A_164 = tpu.memref_slice %arg2[%dma_start3A_162, %dma_start3A_163] : memref<10000x128xf32, #tpu.memory_space<hbm>> -> memref<10000x128xf32, #tpu.memory_space<hbm>>
      tpu.enqueue_indirect_dma source(%dma_start3A_164 : memref<10000x128xf32, #tpu.memory_space<hbm>>) target(%arg10 : memref<128x128xf32, #tpu.memory_space<vmem>>) offsets(%dma_start3A_161 : memref<128xi32, #tpu.memory_space<vmem>>) semaphore(%arg13 : memref<!tpu.dma_semaphore, #tpu.memory_space<semaphore_mem>>)
    }
    %scan3A_38 = arith.constant 19 : i32
    %dma_wait3A = arith.constant 38 : i32
    %dma_wait3A_39 = arith.constant 0 : i32
    %dma_wait3A_40 = tpu.memref_slice %arg7[%dma_wait3A, %dma_wait3A_39] : memref<40x128xi32, #tpu.memory_space<vmem>> -> memref<1x128xi32, #tpu.memory_space<vmem>>
    %dma_wait3A_41 = tpu.memref_squeeze %dma_wait3A_40 : memref<1x128xi32, #tpu.memory_space<vmem>> -> memref<128xi32, #tpu.memory_space<vmem>>
    %dma_wait3A_42 = arith.constant 0 : i32
    %dma_wait3A_43 = arith.constant 0 : i32
    %dma_wait3A_44 = tpu.memref_slice %arg2[%dma_wait3A_42, %dma_wait3A_43] : memref<10000x128xf32, #tpu.memory_space<hbm>> -> memref<10000x128xf32, #tpu.memory_space<hbm>>
    tpu.wait_indirect_dma semaphore(%arg12 : memref<!tpu.dma_semaphore, #tpu.memory_space<semaphore_mem>>) src(%dma_wait3A_44 : memref<10000x128xf32, #tpu.memory_space<hbm>>) dst(%arg9 : memref<128x128xf32, #tpu.memory_space<vmem>>)
    %run_scoped3A = arith.constant 38 : i32
    "tpu.region"() ({
      %run_scoped3A_130 = tpu.sem_alloc : memref<!tpu.dma_semaphore, #tpu.memory_space<semaphore_mem>>
      %dma_start3A_131 = arith.constant 0 : i32
      %dma_start3A_132 = tpu.memref_slice %arg8[%run_scoped3A, %dma_start3A_131] : memref<40x128xi32, #tpu.memory_space<vmem>> -> memref<1x128xi32, #tpu.memory_space<vmem>>
      %dma_start3A_133 = tpu.memref_squeeze %dma_start3A_132 : memref<1x128xi32, #tpu.memory_space<vmem>> -> memref<128xi32, #tpu.memory_space<vmem>>
      %dma_start3A_134 = arith.constant 0 : i32
      %dma_start3A_135 = arith.constant 0 : i32
      %dma_start3A_136 = tpu.memref_slice %arg11[%dma_start3A_134, %dma_start3A_135] : memref<10240x128xf32, #tpu.memory_space<vmem_shared>> -> memref<10240x128xf32, #tpu.memory_space<vmem_shared>>
      tpu.enqueue_indirect_dma source(%arg9 : memref<128x128xf32, #tpu.memory_space<vmem>>) target(%dma_start3A_136 : memref<10240x128xf32, #tpu.memory_space<vmem_shared>>) offsets(%dma_start3A_133 : memref<128xi32, #tpu.memory_space<vmem>>) semaphore(%run_scoped3A_130 : memref<!tpu.dma_semaphore, #tpu.memory_space<semaphore_mem>>) {add = true}
      %dma_wait3A_137 = arith.constant 0 : i32
      %dma_wait3A_138 = tpu.memref_slice %arg8[%run_scoped3A, %dma_wait3A_137] : memref<40x128xi32, #tpu.memory_space<vmem>> -> memref<1x128xi32, #tpu.memory_space<vmem>>
      %dma_wait3A_139 = tpu.memref_squeeze %dma_wait3A_138 : memref<1x128xi32, #tpu.memory_space<vmem>> -> memref<128xi32, #tpu.memory_space<vmem>>
      %dma_wait3A_140 = arith.constant 0 : i32
      %dma_wait3A_141 = arith.constant 0 : i32
      %dma_wait3A_142 = tpu.memref_slice %arg11[%dma_wait3A_140, %dma_wait3A_141] : memref<10240x128xf32, #tpu.memory_space<vmem_shared>> -> memref<10240x128xf32, #tpu.memory_space<vmem_shared>>
      tpu.wait_indirect_dma semaphore(%run_scoped3A_130 : memref<!tpu.dma_semaphore, #tpu.memory_space<semaphore_mem>>) src(%arg9 : memref<128x128xf32, #tpu.memory_space<vmem>>) dst(%dma_wait3A_142 : memref<10240x128xf32, #tpu.memory_space<vmem_shared>>)
      tpu.yield
    }) : () -> ()
    %dma_wait3A_45 = arith.constant 39 : i32
    %dma_wait3A_46 = arith.constant 0 : i32
    %dma_wait3A_47 = tpu.memref_slice %arg7[%dma_wait3A_45, %dma_wait3A_46] : memref<40x128xi32, #tpu.memory_space<vmem>> -> memref<1x128xi32, #tpu.memory_space<vmem>>
    %dma_wait3A_48 = tpu.memref_squeeze %dma_wait3A_47 : memref<1x128xi32, #tpu.memory_space<vmem>> -> memref<128xi32, #tpu.memory_space<vmem>>
    %dma_wait3A_49 = arith.constant 0 : i32
    %dma_wait3A_50 = arith.constant 0 : i32
    %dma_wait3A_51 = tpu.memref_slice %arg2[%dma_wait3A_49, %dma_wait3A_50] : memref<10000x128xf32, #tpu.memory_space<hbm>> -> memref<10000x128xf32, #tpu.memory_space<hbm>>
    tpu.wait_indirect_dma semaphore(%arg13 : memref<!tpu.dma_semaphore, #tpu.memory_space<semaphore_mem>>) src(%dma_wait3A_51 : memref<10000x128xf32, #tpu.memory_space<hbm>>) dst(%arg10 : memref<128x128xf32, #tpu.memory_space<vmem>>)
    %run_scoped3A_52 = arith.constant 39 : i32
    "tpu.region"() ({
      %run_scoped3A_130 = tpu.sem_alloc : memref<!tpu.dma_semaphore, #tpu.memory_space<semaphore_mem>>
      %dma_start3A_131 = arith.constant 0 : i32
      %dma_start3A_132 = tpu.memref_slice %arg8[%run_scoped3A_52, %dma_start3A_131] : memref<40x128xi32, #tpu.memory_space<vmem>> -> memref<1x128xi32, #tpu.memory_space<vmem>>
      %dma_start3A_133 = tpu.memref_squeeze %dma_start3A_132 : memref<1x128xi32, #tpu.memory_space<vmem>> -> memref<128xi32, #tpu.memory_space<vmem>>
      %dma_start3A_134 = arith.constant 0 : i32
      %dma_start3A_135 = arith.constant 0 : i32
      %dma_start3A_136 = tpu.memref_slice %arg11[%dma_start3A_134, %dma_start3A_135] : memref<10240x128xf32, #tpu.memory_space<vmem_shared>> -> memref<10240x128xf32, #tpu.memory_space<vmem_shared>>
      tpu.enqueue_indirect_dma source(%arg10 : memref<128x128xf32, #tpu.memory_space<vmem>>) target(%dma_start3A_136 : memref<10240x128xf32, #tpu.memory_space<vmem_shared>>) offsets(%dma_start3A_133 : memref<128xi32, #tpu.memory_space<vmem>>) semaphore(%run_scoped3A_130 : memref<!tpu.dma_semaphore, #tpu.memory_space<semaphore_mem>>) {add = true}
      %dma_wait3A_137 = arith.constant 0 : i32
      %dma_wait3A_138 = tpu.memref_slice %arg8[%run_scoped3A_52, %dma_wait3A_137] : memref<40x128xi32, #tpu.memory_space<vmem>> -> memref<1x128xi32, #tpu.memory_space<vmem>>
      %dma_wait3A_139 = tpu.memref_squeeze %dma_wait3A_138 : memref<1x128xi32, #tpu.memory_space<vmem>> -> memref<128xi32, #tpu.memory_space<vmem>>
      %dma_wait3A_140 = arith.constant 0 : i32
      %dma_wait3A_141 = arith.constant 0 : i32
      %dma_wait3A_142 = tpu.memref_slice %arg11[%dma_wait3A_140, %dma_wait3A_141] : memref<10240x128xf32, #tpu.memory_space<vmem_shared>> -> memref<10240x128xf32, #tpu.memory_space<vmem_shared>>
      tpu.wait_indirect_dma semaphore(%run_scoped3A_130 : memref<!tpu.dma_semaphore, #tpu.memory_space<semaphore_mem>>) src(%arg10 : memref<128x128xf32, #tpu.memory_space<vmem>>) dst(%dma_wait3A_142 : memref<10240x128xf32, #tpu.memory_space<vmem_shared>>)
      tpu.yield
    }) : () -> ()
    "tpu.region"() ({
      %run_scoped3A_130 = tpu.sem_alloc : memref<!tpu.dma_semaphore, #tpu.memory_space<semaphore_mem>>
      %dma_start3A_131 = arith.constant 40 : i32
      %dma_start3A_132 = arith.constant 0 : i32
      %dma_start3A_133 = tpu.memref_slice %arg3[%add3A, %dma_start3A_131, %dma_start3A_132] : memref<32x80x128xi32, #tpu.memory_space<hbm>> -> memref<1x40x128xi32, #tpu.memory_space<hbm>>
      %dma_start3A_134 = tpu.memref_squeeze %dma_start3A_133 : memref<1x40x128xi32, #tpu.memory_space<hbm>> -> memref<40x128xi32, #tpu.memory_space<hbm>>
      %dma_start3A_135 = arith.constant 40 : i32
      %dma_start3A_136 = arith.constant 0 : i32
      %dma_start3A_137 = tpu.memref_slice %arg3[%add3A, %dma_start3A_135, %dma_start3A_136] : memref<32x80x128xi32, #tpu.memory_space<hbm>> -> memref<1x40x128xi32, #tpu.memory_space<hbm>>
      %dma_start3A_138 = tpu.memref_squeeze %dma_start3A_137 : memref<1x40x128xi32, #tpu.memory_space<hbm>> -> memref<40x128xi32, #tpu.memory_space<hbm>>
      tpu.enqueue_dma source(%dma_start3A_138 : memref<40x128xi32, #tpu.memory_space<hbm>>) target(%arg7 : memref<40x128xi32, #tpu.memory_space<vmem>>) target_semaphore(%run_scoped3A_130 : memref<!tpu.dma_semaphore, #tpu.memory_space<semaphore_mem>>)
      %dma_wait3A_139 = arith.constant 40 : i32
      %dma_wait3A_140 = arith.constant 0 : i32
      %dma_wait3A_141 = tpu.memref_slice %arg3[%add3A, %dma_wait3A_139, %dma_wait3A_140] : memref<32x80x128xi32, #tpu.memory_space<hbm>> -> memref<1x40x128xi32, #tpu.memory_space<hbm>>
      %dma_wait3A_142 = tpu.memref_squeeze %dma_wait3A_141 : memref<1x40x128xi32, #tpu.memory_space<hbm>> -> memref<40x128xi32, #tpu.memory_space<hbm>>
      %dma_wait3A_143 = arith.constant 40 : i32
      %dma_wait3A_144 = arith.constant 0 : i32
      %dma_wait3A_145 = tpu.memref_slice %arg3[%add3A, %dma_wait3A_143, %dma_wait3A_144] : memref<32x80x128xi32, #tpu.memory_space<hbm>> -> memref<1x40x128xi32, #tpu.memory_space<hbm>>
      %dma_wait3A_146 = tpu.memref_squeeze %dma_wait3A_145 : memref<1x40x128xi32, #tpu.memory_space<hbm>> -> memref<40x128xi32, #tpu.memory_space<hbm>>
      tpu.wait_dma2 semaphore(%run_scoped3A_130 : memref<!tpu.dma_semaphore, #tpu.memory_space<semaphore_mem>>) src(%dma_wait3A_146 : memref<40x128xi32, #tpu.memory_space<hbm>>) dst(%arg7 : memref<40x128xi32, #tpu.memory_space<vmem>>)
      tpu.yield
    }) : () -> ()
    "tpu.region"() ({
      %run_scoped3A_130 = tpu.sem_alloc : memref<!tpu.dma_semaphore, #tpu.memory_space<semaphore_mem>>
      %dma_start3A_131 = arith.constant 40 : i32
      %dma_start3A_132 = arith.constant 0 : i32
      %dma_start3A_133 = tpu.memref_slice %arg4[%add3A, %dma_start3A_131, %dma_start3A_132] : memref<32x80x128xi32, #tpu.memory_space<hbm>> -> memref<1x40x128xi32, #tpu.memory_space<hbm>>
      %dma_start3A_134 = tpu.memref_squeeze %dma_start3A_133 : memref<1x40x128xi32, #tpu.memory_space<hbm>> -> memref<40x128xi32, #tpu.memory_space<hbm>>
      %dma_start3A_135 = arith.constant 40 : i32
      %dma_start3A_136 = arith.constant 0 : i32
      %dma_start3A_137 = tpu.memref_slice %arg4[%add3A, %dma_start3A_135, %dma_start3A_136] : memref<32x80x128xi32, #tpu.memory_space<hbm>> -> memref<1x40x128xi32, #tpu.memory_space<hbm>>
      %dma_start3A_138 = tpu.memref_squeeze %dma_start3A_137 : memref<1x40x128xi32, #tpu.memory_space<hbm>> -> memref<40x128xi32, #tpu.memory_space<hbm>>
      tpu.enqueue_dma source(%dma_start3A_138 : memref<40x128xi32, #tpu.memory_space<hbm>>) target(%arg8 : memref<40x128xi32, #tpu.memory_space<vmem>>) target_semaphore(%run_scoped3A_130 : memref<!tpu.dma_semaphore, #tpu.memory_space<semaphore_mem>>)
      %dma_wait3A_139 = arith.constant 40 : i32
      %dma_wait3A_140 = arith.constant 0 : i32
      %dma_wait3A_141 = tpu.memref_slice %arg4[%add3A, %dma_wait3A_139, %dma_wait3A_140] : memref<32x80x128xi32, #tpu.memory_space<hbm>> -> memref<1x40x128xi32, #tpu.memory_space<hbm>>
      %dma_wait3A_142 = tpu.memref_squeeze %dma_wait3A_141 : memref<1x40x128xi32, #tpu.memory_space<hbm>> -> memref<40x128xi32, #tpu.memory_space<hbm>>
      %dma_wait3A_143 = arith.constant 40 : i32
      %dma_wait3A_144 = arith.constant 0 : i32
      %dma_wait3A_145 = tpu.memref_slice %arg4[%add3A, %dma_wait3A_143, %dma_wait3A_144] : memref<32x80x128xi32, #tpu.memory_space<hbm>> -> memref<1x40x128xi32, #tpu.memory_space<hbm>>
      %dma_wait3A_146 = tpu.memref_squeeze %dma_wait3A_145 : memref<1x40x128xi32, #tpu.memory_space<hbm>> -> memref<40x128xi32, #tpu.memory_space<hbm>>
      tpu.wait_dma2 semaphore(%run_scoped3A_130 : memref<!tpu.dma_semaphore, #tpu.memory_space<semaphore_mem>>) src(%dma_wait3A_146 : memref<40x128xi32, #tpu.memory_space<hbm>>) dst(%arg8 : memref<40x128xi32, #tpu.memory_space<vmem>>)
      tpu.yield
    }) : () -> ()
    %dma_start3A_53 = arith.constant 0 : i32
    %dma_start3A_54 = arith.constant 0 : i32
    %dma_start3A_55 = tpu.memref_slice %arg7[%dma_start3A_53, %dma_start3A_54] : memref<40x128xi32, #tpu.memory_space<vmem>> -> memref<1x128xi32, #tpu.memory_space<vmem>>
    %dma_start3A_56 = tpu.memref_squeeze %dma_start3A_55 : memref<1x128xi32, #tpu.memory_space<vmem>> -> memref<128xi32, #tpu.memory_space<vmem>>
    %dma_start3A_57 = arith.constant 0 : i32
    %dma_start3A_58 = arith.constant 0 : i32
    %dma_start3A_59 = tpu.memref_slice %arg2[%dma_start3A_57, %dma_start3A_58] : memref<10000x128xf32, #tpu.memory_space<hbm>> -> memref<10000x128xf32, #tpu.memory_space<hbm>>
    tpu.enqueue_indirect_dma source(%dma_start3A_59 : memref<10000x128xf32, #tpu.memory_space<hbm>>) target(%arg9 : memref<128x128xf32, #tpu.memory_space<vmem>>) offsets(%dma_start3A_56 : memref<128xi32, #tpu.memory_space<vmem>>) semaphore(%arg12 : memref<!tpu.dma_semaphore, #tpu.memory_space<semaphore_mem>>)
    %dma_start3A_60 = arith.constant 1 : i32
    %dma_start3A_61 = arith.constant 0 : i32
    %dma_start3A_62 = tpu.memref_slice %arg7[%dma_start3A_60, %dma_start3A_61] : memref<40x128xi32, #tpu.memory_space<vmem>> -> memref<1x128xi32, #tpu.memory_space<vmem>>
    %dma_start3A_63 = tpu.memref_squeeze %dma_start3A_62 : memref<1x128xi32, #tpu.memory_space<vmem>> -> memref<128xi32, #tpu.memory_space<vmem>>
    %dma_start3A_64 = arith.constant 0 : i32
    %dma_start3A_65 = arith.constant 0 : i32
    %dma_start3A_66 = tpu.memref_slice %arg2[%dma_start3A_64, %dma_start3A_65] : memref<10000x128xf32, #tpu.memory_space<hbm>> -> memref<10000x128xf32, #tpu.memory_space<hbm>>
    tpu.enqueue_indirect_dma source(%dma_start3A_66 : memref<10000x128xf32, #tpu.memory_space<hbm>>) target(%arg10 : memref<128x128xf32, #tpu.memory_space<vmem>>) offsets(%dma_start3A_63 : memref<128xi32, #tpu.memory_space<vmem>>) semaphore(%arg13 : memref<!tpu.dma_semaphore, #tpu.memory_space<semaphore_mem>>)
    %scan3A_67 = arith.constant 0 : i32
    %scan3A_68 = arith.constant 0 : i32
    %scan3A_69 = arith.constant 19 : i32
    %scan3A_70 = arith.addi %scan3A_68, %scan3A_69 : i32
    %scan3A_71 = arith.constant 1 : i32
    scf.for %scan3A_130 = %scan3A_68 to %scan3A_70 step %scan3A_71  : i32 {
      %mul3A_131 = arith.constant 2 : i32
      %mul3A_132 = arith.muli %mul3A_131, %scan3A_130 : i32
      %dma_wait3A_133 = arith.constant 0 : i32
      %dma_wait3A_134 = tpu.memref_slice %arg7[%mul3A_132, %dma_wait3A_133] : memref<40x128xi32, #tpu.memory_space<vmem>> -> memref<1x128xi32, #tpu.memory_space<vmem>>
      %dma_wait3A_135 = tpu.memref_squeeze %dma_wait3A_134 : memref<1x128xi32, #tpu.memory_space<vmem>> -> memref<128xi32, #tpu.memory_space<vmem>>
      %dma_wait3A_136 = arith.constant 0 : i32
      %dma_wait3A_137 = arith.constant 0 : i32
      %dma_wait3A_138 = tpu.memref_slice %arg2[%dma_wait3A_136, %dma_wait3A_137] : memref<10000x128xf32, #tpu.memory_space<hbm>> -> memref<10000x128xf32, #tpu.memory_space<hbm>>
      tpu.wait_indirect_dma semaphore(%arg12 : memref<!tpu.dma_semaphore, #tpu.memory_space<semaphore_mem>>) src(%dma_wait3A_138 : memref<10000x128xf32, #tpu.memory_space<hbm>>) dst(%arg9 : memref<128x128xf32, #tpu.memory_space<vmem>>)
      "tpu.region"() ({
        %run_scoped3A_165 = tpu.sem_alloc : memref<!tpu.dma_semaphore, #tpu.memory_space<semaphore_mem>>
        %dma_start3A_166 = arith.constant 0 : i32
        %dma_start3A_167 = tpu.memref_slice %arg8[%mul3A_132, %dma_start3A_166] : memref<40x128xi32, #tpu.memory_space<vmem>> -> memref<1x128xi32, #tpu.memory_space<vmem>>
        %dma_start3A_168 = tpu.memref_squeeze %dma_start3A_167 : memref<1x128xi32, #tpu.memory_space<vmem>> -> memref<128xi32, #tpu.memory_space<vmem>>
        %dma_start3A_169 = arith.constant 0 : i32
        %dma_start3A_170 = arith.constant 0 : i32
        %dma_start3A_171 = tpu.memref_slice %arg11[%dma_start3A_169, %dma_start3A_170] : memref<10240x128xf32, #tpu.memory_space<vmem_shared>> -> memref<10240x128xf32, #tpu.memory_space<vmem_shared>>
        tpu.enqueue_indirect_dma source(%arg9 : memref<128x128xf32, #tpu.memory_space<vmem>>) target(%dma_start3A_171 : memref<10240x128xf32, #tpu.memory_space<vmem_shared>>) offsets(%dma_start3A_168 : memref<128xi32, #tpu.memory_space<vmem>>) semaphore(%run_scoped3A_165 : memref<!tpu.dma_semaphore, #tpu.memory_space<semaphore_mem>>) {add = true}
        %dma_wait3A_172 = arith.constant 0 : i32
        %dma_wait3A_173 = tpu.memref_slice %arg8[%mul3A_132, %dma_wait3A_172] : memref<40x128xi32, #tpu.memory_space<vmem>> -> memref<1x128xi32, #tpu.memory_space<vmem>>
        %dma_wait3A_174 = tpu.memref_squeeze %dma_wait3A_173 : memref<1x128xi32, #tpu.memory_space<vmem>> -> memref<128xi32, #tpu.memory_space<vmem>>
        %dma_wait3A_175 = arith.constant 0 : i32
        %dma_wait3A_176 = arith.constant 0 : i32
        %dma_wait3A_177 = tpu.memref_slice %arg11[%dma_wait3A_175, %dma_wait3A_176] : memref<10240x128xf32, #tpu.memory_space<vmem_shared>> -> memref<10240x128xf32, #tpu.memory_space<vmem_shared>>
        tpu.wait_indirect_dma semaphore(%run_scoped3A_165 : memref<!tpu.dma_semaphore, #tpu.memory_space<semaphore_mem>>) src(%arg9 : memref<128x128xf32, #tpu.memory_space<vmem>>) dst(%dma_wait3A_177 : memref<10240x128xf32, #tpu.memory_space<vmem_shared>>)
        tpu.yield
      }) : () -> ()
      %add3A_139 = arith.constant 2 : i32
      %add3A_140 = arith.addi %mul3A_132, %add3A_139 : i32
      %dma_start3A_141 = arith.constant 0 : i32
      %dma_start3A_142 = tpu.memref_slice %arg7[%add3A_140, %dma_start3A_141] : memref<40x128xi32, #tpu.memory_space<vmem>> -> memref<1x128xi32, #tpu.memory_space<vmem>>
      %dma_start3A_143 = tpu.memref_squeeze %dma_start3A_142 : memref<1x128xi32, #tpu.memory_space<vmem>> -> memref<128xi32, #tpu.memory_space<vmem>>
      %dma_start3A_144 = arith.constant 0 : i32
      %dma_start3A_145 = arith.constant 0 : i32
      %dma_start3A_146 = tpu.memref_slice %arg2[%dma_start3A_144, %dma_start3A_145] : memref<10000x128xf32, #tpu.memory_space<hbm>> -> memref<10000x128xf32, #tpu.memory_space<hbm>>
      tpu.enqueue_indirect_dma source(%dma_start3A_146 : memref<10000x128xf32, #tpu.memory_space<hbm>>) target(%arg9 : memref<128x128xf32, #tpu.memory_space<vmem>>) offsets(%dma_start3A_143 : memref<128xi32, #tpu.memory_space<vmem>>) semaphore(%arg12 : memref<!tpu.dma_semaphore, #tpu.memory_space<semaphore_mem>>)
      %add3A_147 = arith.constant 1 : i32
      %add3A_148 = arith.addi %mul3A_132, %add3A_147 : i32
      %dma_wait3A_149 = arith.constant 0 : i32
      %dma_wait3A_150 = tpu.memref_slice %arg7[%add3A_148, %dma_wait3A_149] : memref<40x128xi32, #tpu.memory_space<vmem>> -> memref<1x128xi32, #tpu.memory_space<vmem>>
      %dma_wait3A_151 = tpu.memref_squeeze %dma_wait3A_150 : memref<1x128xi32, #tpu.memory_space<vmem>> -> memref<128xi32, #tpu.memory_space<vmem>>
      %dma_wait3A_152 = arith.constant 0 : i32
      %dma_wait3A_153 = arith.constant 0 : i32
      %dma_wait3A_154 = tpu.memref_slice %arg2[%dma_wait3A_152, %dma_wait3A_153] : memref<10000x128xf32, #tpu.memory_space<hbm>> -> memref<10000x128xf32, #tpu.memory_space<hbm>>
      tpu.wait_indirect_dma semaphore(%arg13 : memref<!tpu.dma_semaphore, #tpu.memory_space<semaphore_mem>>) src(%dma_wait3A_154 : memref<10000x128xf32, #tpu.memory_space<hbm>>) dst(%arg10 : memref<128x128xf32, #tpu.memory_space<vmem>>)
      %add3A_155 = arith.constant 1 : i32
      %add3A_156 = arith.addi %mul3A_132, %add3A_155 : i32
      "tpu.region"() ({
        %run_scoped3A_165 = tpu.sem_alloc : memref<!tpu.dma_semaphore, #tpu.memory_space<semaphore_mem>>
        %dma_start3A_166 = arith.constant 0 : i32
        %dma_start3A_167 = tpu.memref_slice %arg8[%add3A_156, %dma_start3A_166] : memref<40x128xi32, #tpu.memory_space<vmem>> -> memref<1x128xi32, #tpu.memory_space<vmem>>
        %dma_start3A_168 = tpu.memref_squeeze %dma_start3A_167 : memref<1x128xi32, #tpu.memory_space<vmem>> -> memref<128xi32, #tpu.memory_space<vmem>>
        %dma_start3A_169 = arith.constant 0 : i32
        %dma_start3A_170 = arith.constant 0 : i32
        %dma_start3A_171 = tpu.memref_slice %arg11[%dma_start3A_169, %dma_start3A_170] : memref<10240x128xf32, #tpu.memory_space<vmem_shared>> -> memref<10240x128xf32, #tpu.memory_space<vmem_shared>>
        tpu.enqueue_indirect_dma source(%arg10 : memref<128x128xf32, #tpu.memory_space<vmem>>) target(%dma_start3A_171 : memref<10240x128xf32, #tpu.memory_space<vmem_shared>>) offsets(%dma_start3A_168 : memref<128xi32, #tpu.memory_space<vmem>>) semaphore(%run_scoped3A_165 : memref<!tpu.dma_semaphore, #tpu.memory_space<semaphore_mem>>) {add = true}
        %dma_wait3A_172 = arith.constant 0 : i32
        %dma_wait3A_173 = tpu.memref_slice %arg8[%add3A_156, %dma_wait3A_172] : memref<40x128xi32, #tpu.memory_space<vmem>> -> memref<1x128xi32, #tpu.memory_space<vmem>>
        %dma_wait3A_174 = tpu.memref_squeeze %dma_wait3A_173 : memref<1x128xi32, #tpu.memory_space<vmem>> -> memref<128xi32, #tpu.memory_space<vmem>>
        %dma_wait3A_175 = arith.constant 0 : i32
        %dma_wait3A_176 = arith.constant 0 : i32
        %dma_wait3A_177 = tpu.memref_slice %arg11[%dma_wait3A_175, %dma_wait3A_176] : memref<10240x128xf32, #tpu.memory_space<vmem_shared>> -> memref<10240x128xf32, #tpu.memory_space<vmem_shared>>
        tpu.wait_indirect_dma semaphore(%run_scoped3A_165 : memref<!tpu.dma_semaphore, #tpu.memory_space<semaphore_mem>>) src(%arg10 : memref<128x128xf32, #tpu.memory_space<vmem>>) dst(%dma_wait3A_177 : memref<10240x128xf32, #tpu.memory_space<vmem_shared>>)
        tpu.yield
      }) : () -> ()
      %add3A_157 = arith.constant 3 : i32
      %add3A_158 = arith.addi %mul3A_132, %add3A_157 : i32
      %dma_start3A_159 = arith.constant 0 : i32
      %dma_start3A_160 = tpu.memref_slice %arg7[%add3A_158, %dma_start3A_159] : memref<40x128xi32, #tpu.memory_space<vmem>> -> memref<1x128xi32, #tpu.memory_space<vmem>>
      %dma_start3A_161 = tpu.memref_squeeze %dma_start3A_160 : memref<1x128xi32, #tpu.memory_space<vmem>> -> memref<128xi32, #tpu.memory_space<vmem>>
      %dma_start3A_162 = arith.constant 0 : i32
      %dma_start3A_163 = arith.constant 0 : i32
      %dma_start3A_164 = tpu.memref_slice %arg2[%dma_start3A_162, %dma_start3A_163] : memref<10000x128xf32, #tpu.memory_space<hbm>> -> memref<10000x128xf32, #tpu.memory_space<hbm>>
      tpu.enqueue_indirect_dma source(%dma_start3A_164 : memref<10000x128xf32, #tpu.memory_space<hbm>>) target(%arg10 : memref<128x128xf32, #tpu.memory_space<vmem>>) offsets(%dma_start3A_161 : memref<128xi32, #tpu.memory_space<vmem>>) semaphore(%arg13 : memref<!tpu.dma_semaphore, #tpu.memory_space<semaphore_mem>>)
    }
    %scan3A_72 = arith.constant 19 : i32
    %dma_wait3A_73 = arith.constant 38 : i32
    %dma_wait3A_74 = arith.constant 0 : i32
    %dma_wait3A_75 = tpu.memref_slice %arg7[%dma_wait3A_73, %dma_wait3A_74] : memref<40x128xi32, #tpu.memory_space<vmem>> -> memref<1x128xi32, #tpu.memory_space<vmem>>
    %dma_wait3A_76 = tpu.memref_squeeze %dma_wait3A_75 : memref<1x128xi32, #tpu.memory_space<vmem>> -> memref<128xi32, #tpu.memory_space<vmem>>
    %dma_wait3A_77 = arith.constant 0 : i32
    %dma_wait3A_78 = arith.constant 0 : i32
    %dma_wait3A_79 = tpu.memref_slice %arg2[%dma_wait3A_77, %dma_wait3A_78] : memref<10000x128xf32, #tpu.memory_space<hbm>> -> memref<10000x128xf32, #tpu.memory_space<hbm>>
    tpu.wait_indirect_dma semaphore(%arg12 : memref<!tpu.dma_semaphore, #tpu.memory_space<semaphore_mem>>) src(%dma_wait3A_79 : memref<10000x128xf32, #tpu.memory_space<hbm>>) dst(%arg9 : memref<128x128xf32, #tpu.memory_space<vmem>>)
    %run_scoped3A_80 = arith.constant 38 : i32
    "tpu.region"() ({
      %run_scoped3A_130 = tpu.sem_alloc : memref<!tpu.dma_semaphore, #tpu.memory_space<semaphore_mem>>
      %dma_start3A_131 = arith.constant 0 : i32
      %dma_start3A_132 = tpu.memref_slice %arg8[%run_scoped3A_80, %dma_start3A_131] : memref<40x128xi32, #tpu.memory_space<vmem>> -> memref<1x128xi32, #tpu.memory_space<vmem>>
      %dma_start3A_133 = tpu.memref_squeeze %dma_start3A_132 : memref<1x128xi32, #tpu.memory_space<vmem>> -> memref<128xi32, #tpu.memory_space<vmem>>
      %dma_start3A_134 = arith.constant 0 : i32
      %dma_start3A_135 = arith.constant 0 : i32
      %dma_start3A_136 = tpu.memref_slice %arg11[%dma_start3A_134, %dma_start3A_135] : memref<10240x128xf32, #tpu.memory_space<vmem_shared>> -> memref<10240x128xf32, #tpu.memory_space<vmem_shared>>
      tpu.enqueue_indirect_dma source(%arg9 : memref<128x128xf32, #tpu.memory_space<vmem>>) target(%dma_start3A_136 : memref<10240x128xf32, #tpu.memory_space<vmem_shared>>) offsets(%dma_start3A_133 : memref<128xi32, #tpu.memory_space<vmem>>) semaphore(%run_scoped3A_130 : memref<!tpu.dma_semaphore, #tpu.memory_space<semaphore_mem>>) {add = true}
      %dma_wait3A_137 = arith.constant 0 : i32
      %dma_wait3A_138 = tpu.memref_slice %arg8[%run_scoped3A_80, %dma_wait3A_137] : memref<40x128xi32, #tpu.memory_space<vmem>> -> memref<1x128xi32, #tpu.memory_space<vmem>>
      %dma_wait3A_139 = tpu.memref_squeeze %dma_wait3A_138 : memref<1x128xi32, #tpu.memory_space<vmem>> -> memref<128xi32, #tpu.memory_space<vmem>>
      %dma_wait3A_140 = arith.constant 0 : i32
      %dma_wait3A_141 = arith.constant 0 : i32
      %dma_wait3A_142 = tpu.memref_slice %arg11[%dma_wait3A_140, %dma_wait3A_141] : memref<10240x128xf32, #tpu.memory_space<vmem_shared>> -> memref<10240x128xf32, #tpu.memory_space<vmem_shared>>
      tpu.wait_indirect_dma semaphore(%run_scoped3A_130 : memref<!tpu.dma_semaphore, #tpu.memory_space<semaphore_mem>>) src(%arg9 : memref<128x128xf32, #tpu.memory_space<vmem>>) dst(%dma_wait3A_142 : memref<10240x128xf32, #tpu.memory_space<vmem_shared>>)
      tpu.yield
    }) : () -> ()
    %dma_wait3A_81 = arith.constant 39 : i32
    %dma_wait3A_82 = arith.constant 0 : i32
    %dma_wait3A_83 = tpu.memref_slice %arg7[%dma_wait3A_81, %dma_wait3A_82] : memref<40x128xi32, #tpu.memory_space<vmem>> -> memref<1x128xi32, #tpu.memory_space<vmem>>
    %dma_wait3A_84 = tpu.memref_squeeze %dma_wait3A_83 : memref<1x128xi32, #tpu.memory_space<vmem>> -> memref<128xi32, #tpu.memory_space<vmem>>
    %dma_wait3A_85 = arith.constant 0 : i32
    %dma_wait3A_86 = arith.constant 0 : i32
    %dma_wait3A_87 = tpu.memref_slice %arg2[%dma_wait3A_85, %dma_wait3A_86] : memref<10000x128xf32, #tpu.memory_space<hbm>> -> memref<10000x128xf32, #tpu.memory_space<hbm>>
    tpu.wait_indirect_dma semaphore(%arg13 : memref<!tpu.dma_semaphore, #tpu.memory_space<semaphore_mem>>) src(%dma_wait3A_87 : memref<10000x128xf32, #tpu.memory_space<hbm>>) dst(%arg10 : memref<128x128xf32, #tpu.memory_space<vmem>>)
    %run_scoped3A_88 = arith.constant 39 : i32
    "tpu.region"() ({
      %run_scoped3A_130 = tpu.sem_alloc : memref<!tpu.dma_semaphore, #tpu.memory_space<semaphore_mem>>
      %dma_start3A_131 = arith.constant 0 : i32
      %dma_start3A_132 = tpu.memref_slice %arg8[%run_scoped3A_88, %dma_start3A_131] : memref<40x128xi32, #tpu.memory_space<vmem>> -> memref<1x128xi32, #tpu.memory_space<vmem>>
      %dma_start3A_133 = tpu.memref_squeeze %dma_start3A_132 : memref<1x128xi32, #tpu.memory_space<vmem>> -> memref<128xi32, #tpu.memory_space<vmem>>
      %dma_start3A_134 = arith.constant 0 : i32
      %dma_start3A_135 = arith.constant 0 : i32
      %dma_start3A_136 = tpu.memref_slice %arg11[%dma_start3A_134, %dma_start3A_135] : memref<10240x128xf32, #tpu.memory_space<vmem_shared>> -> memref<10240x128xf32, #tpu.memory_space<vmem_shared>>
      tpu.enqueue_indirect_dma source(%arg10 : memref<128x128xf32, #tpu.memory_space<vmem>>) target(%dma_start3A_136 : memref<10240x128xf32, #tpu.memory_space<vmem_shared>>) offsets(%dma_start3A_133 : memref<128xi32, #tpu.memory_space<vmem>>) semaphore(%run_scoped3A_130 : memref<!tpu.dma_semaphore, #tpu.memory_space<semaphore_mem>>) {add = true}
      %dma_wait3A_137 = arith.constant 0 : i32
      %dma_wait3A_138 = tpu.memref_slice %arg8[%run_scoped3A_88, %dma_wait3A_137] : memref<40x128xi32, #tpu.memory_space<vmem>> -> memref<1x128xi32, #tpu.memory_space<vmem>>
      %dma_wait3A_139 = tpu.memref_squeeze %dma_wait3A_138 : memref<1x128xi32, #tpu.memory_space<vmem>> -> memref<128xi32, #tpu.memory_space<vmem>>
      %dma_wait3A_140 = arith.constant 0 : i32
      %dma_wait3A_141 = arith.constant 0 : i32
      %dma_wait3A_142 = tpu.memref_slice %arg11[%dma_wait3A_140, %dma_wait3A_141] : memref<10240x128xf32, #tpu.memory_space<vmem_shared>> -> memref<10240x128xf32, #tpu.memory_space<vmem_shared>>
      tpu.wait_indirect_dma semaphore(%run_scoped3A_130 : memref<!tpu.dma_semaphore, #tpu.memory_space<semaphore_mem>>) src(%arg10 : memref<128x128xf32, #tpu.memory_space<vmem>>) dst(%dma_wait3A_142 : memref<10240x128xf32, #tpu.memory_space<vmem_shared>>)
      tpu.yield
    }) : () -> ()
    %barrier3A_89 = arith.constant 0 : index
    tpu.barrier barrier_id(%barrier3A_89)
    %mul3A_90 = arith.constant 640 : i32
    %mul3A_91 = arith.muli %arg1, %mul3A_90 : i32
    %add3A_92 = arith.constant 0 : i32
    %add3A_93 = arith.addi %mul3A_91, %add3A_92 : i32
    "tpu.region"() ({
      %run_scoped3A_130 = tpu.sem_alloc : memref<!tpu.dma_semaphore, #tpu.memory_space<semaphore_mem>>
      %dma_start3A_131 = arith.constant 0 : i32
      %dma_start3A_132 = tpu.memref_slice %arg11[%add3A_93, %dma_start3A_131] : memref<10240x128xf32, #tpu.memory_space<vmem_shared>> -> memref<128x128xf32, #tpu.memory_space<vmem_shared>>
      %dma_start3A_133 = arith.constant 0 : i32
      %dma_start3A_134 = tpu.memref_slice %arg11[%add3A_93, %dma_start3A_133] : memref<10240x128xf32, #tpu.memory_space<vmem_shared>> -> memref<128x128xf32, #tpu.memory_space<vmem_shared>>
      tpu.enqueue_dma source(%dma_start3A_134 : memref<128x128xf32, #tpu.memory_space<vmem_shared>>) target(%arg9 : memref<128x128xf32, #tpu.memory_space<vmem>>) target_semaphore(%run_scoped3A_130 : memref<!tpu.dma_semaphore, #tpu.memory_space<semaphore_mem>>)
      %dma_wait3A_135 = arith.constant 0 : i32
      %dma_wait3A_136 = tpu.memref_slice %arg11[%add3A_93, %dma_wait3A_135] : memref<10240x128xf32, #tpu.memory_space<vmem_shared>> -> memref<128x128xf32, #tpu.memory_space<vmem_shared>>
      %dma_wait3A_137 = arith.constant 0 : i32
      %dma_wait3A_138 = tpu.memref_slice %arg11[%add3A_93, %dma_wait3A_137] : memref<10240x128xf32, #tpu.memory_space<vmem_shared>> -> memref<128x128xf32, #tpu.memory_space<vmem_shared>>
      tpu.wait_dma2 semaphore(%run_scoped3A_130 : memref<!tpu.dma_semaphore, #tpu.memory_space<semaphore_mem>>) src(%dma_wait3A_138 : memref<128x128xf32, #tpu.memory_space<vmem_shared>>) dst(%arg9 : memref<128x128xf32, #tpu.memory_space<vmem>>)
      tpu.yield
    }) : () -> ()
    %mul3A_94 = arith.constant 640 : i32
    %mul3A_95 = arith.muli %arg1, %mul3A_94 : i32
    %add3A_96 = arith.constant 0 : i32
    %add3A_97 = arith.addi %mul3A_95, %add3A_96 : i32
    "tpu.region"() ({
      %run_scoped3A_130 = tpu.sem_alloc : memref<!tpu.dma_semaphore, #tpu.memory_space<semaphore_mem>>
      %dma_start3A_131 = arith.constant 0 : i32
      %dma_start3A_132 = tpu.memref_slice %arg6[%arg0, %add3A_97, %dma_start3A_131] : memref<2x10240x128xf32, #tpu.memory_space<hbm>> -> memref<1x128x128xf32, #tpu.memory_space<hbm>>
      %dma_start3A_133 = tpu.memref_squeeze %dma_start3A_132 : memref<1x128x128xf32, #tpu.memory_space<hbm>> -> memref<128x128xf32, #tpu.memory_space<hbm>>
      %dma_start3A_134 = arith.constant 0 : i32
      %dma_start3A_135 = tpu.memref_slice %arg6[%arg0, %add3A_97, %dma_start3A_134] : memref<2x10240x128xf32, #tpu.memory_space<hbm>> -> memref<1x128x128xf32, #tpu.memory_space<hbm>>
      %dma_start3A_136 = tpu.memref_squeeze %dma_start3A_135 : memref<1x128x128xf32, #tpu.memory_space<hbm>> -> memref<128x128xf32, #tpu.memory_space<hbm>>
      tpu.enqueue_dma source(%arg9 : memref<128x128xf32, #tpu.memory_space<vmem>>) target(%dma_start3A_136 : memref<128x128xf32, #tpu.memory_space<hbm>>) target_semaphore(%run_scoped3A_130 : memref<!tpu.dma_semaphore, #tpu.memory_space<semaphore_mem>>)
      %dma_wait3A_137 = arith.constant 0 : i32
      %dma_wait3A_138 = tpu.memref_slice %arg6[%arg0, %add3A_97, %dma_wait3A_137] : memref<2x10240x128xf32, #tpu.memory_space<hbm>> -> memref<1x128x128xf32, #tpu.memory_space<hbm>>
      %dma_wait3A_139 = tpu.memref_squeeze %dma_wait3A_138 : memref<1x128x128xf32, #tpu.memory_space<hbm>> -> memref<128x128xf32, #tpu.memory_space<hbm>>
      %dma_wait3A_140 = arith.constant 0 : i32
      %dma_wait3A_141 = tpu.memref_slice %arg6[%arg0, %add3A_97, %dma_wait3A_140] : memref<2x10240x128xf32, #tpu.memory_space<hbm>> -> memref<1x128x128xf32, #tpu.memory_space<hbm>>
      %dma_wait3A_142 = tpu.memref_squeeze %dma_wait3A_141 : memref<1x128x128xf32, #tpu.memory_space<hbm>> -> memref<128x128xf32, #tpu.memory_space<hbm>>
      tpu.wait_dma2 semaphore(%run_scoped3A_130 : memref<!tpu.dma_semaphore, #tpu.memory_space<semaphore_mem>>) src(%arg9 : memref<128x128xf32, #tpu.memory_space<vmem>>) dst(%dma_wait3A_142 : memref<128x128xf32, #tpu.memory_space<hbm>>)
      tpu.yield
    }) : () -> ()
    %mul3A_98 = arith.constant 640 : i32
    %mul3A_99 = arith.muli %arg1, %mul3A_98 : i32
    %add3A_100 = arith.constant 128 : i32
    %add3A_101 = arith.addi %mul3A_99, %add3A_100 : i32
    "tpu.region"() ({
      %run_scoped3A_130 = tpu.sem_alloc : memref<!tpu.dma_semaphore, #tpu.memory_space<semaphore_mem>>
      %dma_start3A_131 = arith.constant 0 : i32
      %dma_start3A_132 = tpu.memref_slice %arg11[%add3A_101, %dma_start3A_131] : memref<10240x128xf32, #tpu.memory_space<vmem_shared>> -> memref<128x128xf32, #tpu.memory_space<vmem_shared>>
      %dma_start3A_133 = arith.constant 0 : i32
      %dma_start3A_134 = tpu.memref_slice %arg11[%add3A_101, %dma_start3A_133] : memref<10240x128xf32, #tpu.memory_space<vmem_shared>> -> memref<128x128xf32, #tpu.memory_space<vmem_shared>>
      tpu.enqueue_dma source(%dma_start3A_134 : memref<128x128xf32, #tpu.memory_space<vmem_shared>>) target(%arg10 : memref<128x128xf32, #tpu.memory_space<vmem>>) target_semaphore(%run_scoped3A_130 : memref<!tpu.dma_semaphore, #tpu.memory_space<semaphore_mem>>)
      %dma_wait3A_135 = arith.constant 0 : i32
      %dma_wait3A_136 = tpu.memref_slice %arg11[%add3A_101, %dma_wait3A_135] : memref<10240x128xf32, #tpu.memory_space<vmem_shared>> -> memref<128x128xf32, #tpu.memory_space<vmem_shared>>
      %dma_wait3A_137 = arith.constant 0 : i32
      %dma_wait3A_138 = tpu.memref_slice %arg11[%add3A_101, %dma_wait3A_137] : memref<10240x128xf32, #tpu.memory_space<vmem_shared>> -> memref<128x128xf32, #tpu.memory_space<vmem_shared>>
      tpu.wait_dma2 semaphore(%run_scoped3A_130 : memref<!tpu.dma_semaphore, #tpu.memory_space<semaphore_mem>>) src(%dma_wait3A_138 : memref<128x128xf32, #tpu.memory_space<vmem_shared>>) dst(%arg10 : memref<128x128xf32, #tpu.memory_space<vmem>>)
      tpu.yield
    }) : () -> ()
    %mul3A_102 = arith.constant 640 : i32
    %mul3A_103 = arith.muli %arg1, %mul3A_102 : i32
    %add3A_104 = arith.constant 128 : i32
    %add3A_105 = arith.addi %mul3A_103, %add3A_104 : i32
    "tpu.region"() ({
      %run_scoped3A_130 = tpu.sem_alloc : memref<!tpu.dma_semaphore, #tpu.memory_space<semaphore_mem>>
      %dma_start3A_131 = arith.constant 0 : i32
      %dma_start3A_132 = tpu.memref_slice %arg6[%arg0, %add3A_105, %dma_start3A_131] : memref<2x10240x128xf32, #tpu.memory_space<hbm>> -> memref<1x128x128xf32, #tpu.memory_space<hbm>>
      %dma_start3A_133 = tpu.memref_squeeze %dma_start3A_132 : memref<1x128x128xf32, #tpu.memory_space<hbm>> -> memref<128x128xf32, #tpu.memory_space<hbm>>
      %dma_start3A_134 = arith.constant 0 : i32
      %dma_start3A_135 = tpu.memref_slice %arg6[%arg0, %add3A_105, %dma_start3A_134] : memref<2x10240x128xf32, #tpu.memory_space<hbm>> -> memref<1x128x128xf32, #tpu.memory_space<hbm>>
      %dma_start3A_136 = tpu.memref_squeeze %dma_start3A_135 : memref<1x128x128xf32, #tpu.memory_space<hbm>> -> memref<128x128xf32, #tpu.memory_space<hbm>>
      tpu.enqueue_dma source(%arg10 : memref<128x128xf32, #tpu.memory_space<vmem>>) target(%dma_start3A_136 : memref<128x128xf32, #tpu.memory_space<hbm>>) target_semaphore(%run_scoped3A_130 : memref<!tpu.dma_semaphore, #tpu.memory_space<semaphore_mem>>)
      %dma_wait3A_137 = arith.constant 0 : i32
      %dma_wait3A_138 = tpu.memref_slice %arg6[%arg0, %add3A_105, %dma_wait3A_137] : memref<2x10240x128xf32, #tpu.memory_space<hbm>> -> memref<1x128x128xf32, #tpu.memory_space<hbm>>
      %dma_wait3A_139 = tpu.memref_squeeze %dma_wait3A_138 : memref<1x128x128xf32, #tpu.memory_space<hbm>> -> memref<128x128xf32, #tpu.memory_space<hbm>>
      %dma_wait3A_140 = arith.constant 0 : i32
      %dma_wait3A_141 = tpu.memref_slice %arg6[%arg0, %add3A_105, %dma_wait3A_140] : memref<2x10240x128xf32, #tpu.memory_space<hbm>> -> memref<1x128x128xf32, #tpu.memory_space<hbm>>
      %dma_wait3A_142 = tpu.memref_squeeze %dma_wait3A_141 : memref<1x128x128xf32, #tpu.memory_space<hbm>> -> memref<128x128xf32, #tpu.memory_space<hbm>>
      tpu.wait_dma2 semaphore(%run_scoped3A_130 : memref<!tpu.dma_semaphore, #tpu.memory_space<semaphore_mem>>) src(%arg10 : memref<128x128xf32, #tpu.memory_space<vmem>>) dst(%dma_wait3A_142 : memref<128x128xf32, #tpu.memory_space<hbm>>)
      tpu.yield
    }) : () -> ()
    %mul3A_106 = arith.constant 640 : i32
    %mul3A_107 = arith.muli %arg1, %mul3A_106 : i32
    %add3A_108 = arith.constant 256 : i32
    %add3A_109 = arith.addi %mul3A_107, %add3A_108 : i32
    "tpu.region"() ({
      %run_scoped3A_130 = tpu.sem_alloc : memref<!tpu.dma_semaphore, #tpu.memory_space<semaphore_mem>>
      %dma_start3A_131 = arith.constant 0 : i32
      %dma_start3A_132 = tpu.memref_slice %arg11[%add3A_109, %dma_start3A_131] : memref<10240x128xf32, #tpu.memory_space<vmem_shared>> -> memref<128x128xf32, #tpu.memory_space<vmem_shared>>
      %dma_start3A_133 = arith.constant 0 : i32
      %dma_start3A_134 = tpu.memref_slice %arg11[%add3A_109, %dma_start3A_133] : memref<10240x128xf32, #tpu.memory_space<vmem_shared>> -> memref<128x128xf32, #tpu.memory_space<vmem_shared>>
      tpu.enqueue_dma source(%dma_start3A_134 : memref<128x128xf32, #tpu.memory_space<vmem_shared>>) target(%arg9 : memref<128x128xf32, #tpu.memory_space<vmem>>) target_semaphore(%run_scoped3A_130 : memref<!tpu.dma_semaphore, #tpu.memory_space<semaphore_mem>>)
      %dma_wait3A_135 = arith.constant 0 : i32
      %dma_wait3A_136 = tpu.memref_slice %arg11[%add3A_109, %dma_wait3A_135] : memref<10240x128xf32, #tpu.memory_space<vmem_shared>> -> memref<128x128xf32, #tpu.memory_space<vmem_shared>>
      %dma_wait3A_137 = arith.constant 0 : i32
      %dma_wait3A_138 = tpu.memref_slice %arg11[%add3A_109, %dma_wait3A_137] : memref<10240x128xf32, #tpu.memory_space<vmem_shared>> -> memref<128x128xf32, #tpu.memory_space<vmem_shared>>
      tpu.wait_dma2 semaphore(%run_scoped3A_130 : memref<!tpu.dma_semaphore, #tpu.memory_space<semaphore_mem>>) src(%dma_wait3A_138 : memref<128x128xf32, #tpu.memory_space<vmem_shared>>) dst(%arg9 : memref<128x128xf32, #tpu.memory_space<vmem>>)
      tpu.yield
    }) : () -> ()
    %mul3A_110 = arith.constant 640 : i32
    %mul3A_111 = arith.muli %arg1, %mul3A_110 : i32
    %add3A_112 = arith.constant 256 : i32
    %add3A_113 = arith.addi %mul3A_111, %add3A_112 : i32
    "tpu.region"() ({
      %run_scoped3A_130 = tpu.sem_alloc : memref<!tpu.dma_semaphore, #tpu.memory_space<semaphore_mem>>
      %dma_start3A_131 = arith.constant 0 : i32
      %dma_start3A_132 = tpu.memref_slice %arg6[%arg0, %add3A_113, %dma_start3A_131] : memref<2x10240x128xf32, #tpu.memory_space<hbm>> -> memref<1x128x128xf32, #tpu.memory_space<hbm>>
      %dma_start3A_133 = tpu.memref_squeeze %dma_start3A_132 : memref<1x128x128xf32, #tpu.memory_space<hbm>> -> memref<128x128xf32, #tpu.memory_space<hbm>>
      %dma_start3A_134 = arith.constant 0 : i32
      %dma_start3A_135 = tpu.memref_slice %arg6[%arg0, %add3A_113, %dma_start3A_134] : memref<2x10240x128xf32, #tpu.memory_space<hbm>> -> memref<1x128x128xf32, #tpu.memory_space<hbm>>
      %dma_start3A_136 = tpu.memref_squeeze %dma_start3A_135 : memref<1x128x128xf32, #tpu.memory_space<hbm>> -> memref<128x128xf32, #tpu.memory_space<hbm>>
      tpu.enqueue_dma source(%arg9 : memref<128x128xf32, #tpu.memory_space<vmem>>) target(%dma_start3A_136 : memref<128x128xf32, #tpu.memory_space<hbm>>) target_semaphore(%run_scoped3A_130 : memref<!tpu.dma_semaphore, #tpu.memory_space<semaphore_mem>>)
      %dma_wait3A_137 = arith.constant 0 : i32
      %dma_wait3A_138 = tpu.memref_slice %arg6[%arg0, %add3A_113, %dma_wait3A_137] : memref<2x10240x128xf32, #tpu.memory_space<hbm>> -> memref<1x128x128xf32, #tpu.memory_space<hbm>>
      %dma_wait3A_139 = tpu.memref_squeeze %dma_wait3A_138 : memref<1x128x128xf32, #tpu.memory_space<hbm>> -> memref<128x128xf32, #tpu.memory_space<hbm>>
      %dma_wait3A_140 = arith.constant 0 : i32
      %dma_wait3A_141 = tpu.memref_slice %arg6[%arg0, %add3A_113, %dma_wait3A_140] : memref<2x10240x128xf32, #tpu.memory_space<hbm>> -> memref<1x128x128xf32, #tpu.memory_space<hbm>>
      %dma_wait3A_142 = tpu.memref_squeeze %dma_wait3A_141 : memref<1x128x128xf32, #tpu.memory_space<hbm>> -> memref<128x128xf32, #tpu.memory_space<hbm>>
      tpu.wait_dma2 semaphore(%run_scoped3A_130 : memref<!tpu.dma_semaphore, #tpu.memory_space<semaphore_mem>>) src(%arg9 : memref<128x128xf32, #tpu.memory_space<vmem>>) dst(%dma_wait3A_142 : memref<128x128xf32, #tpu.memory_space<hbm>>)
      tpu.yield
    }) : () -> ()
    %mul3A_114 = arith.constant 640 : i32
    %mul3A_115 = arith.muli %arg1, %mul3A_114 : i32
    %add3A_116 = arith.constant 384 : i32
    %add3A_117 = arith.addi %mul3A_115, %add3A_116 : i32
    "tpu.region"() ({
      %run_scoped3A_130 = tpu.sem_alloc : memref<!tpu.dma_semaphore, #tpu.memory_space<semaphore_mem>>
      %dma_start3A_131 = arith.constant 0 : i32
      %dma_start3A_132 = tpu.memref_slice %arg11[%add3A_117, %dma_start3A_131] : memref<10240x128xf32, #tpu.memory_space<vmem_shared>> -> memref<128x128xf32, #tpu.memory_space<vmem_shared>>
      %dma_start3A_133 = arith.constant 0 : i32
      %dma_start3A_134 = tpu.memref_slice %arg11[%add3A_117, %dma_start3A_133] : memref<10240x128xf32, #tpu.memory_space<vmem_shared>> -> memref<128x128xf32, #tpu.memory_space<vmem_shared>>
      tpu.enqueue_dma source(%dma_start3A_134 : memref<128x128xf32, #tpu.memory_space<vmem_shared>>) target(%arg10 : memref<128x128xf32, #tpu.memory_space<vmem>>) target_semaphore(%run_scoped3A_130 : memref<!tpu.dma_semaphore, #tpu.memory_space<semaphore_mem>>)
      %dma_wait3A_135 = arith.constant 0 : i32
      %dma_wait3A_136 = tpu.memref_slice %arg11[%add3A_117, %dma_wait3A_135] : memref<10240x128xf32, #tpu.memory_space<vmem_shared>> -> memref<128x128xf32, #tpu.memory_space<vmem_shared>>
      %dma_wait3A_137 = arith.constant 0 : i32
      %dma_wait3A_138 = tpu.memref_slice %arg11[%add3A_117, %dma_wait3A_137] : memref<10240x128xf32, #tpu.memory_space<vmem_shared>> -> memref<128x128xf32, #tpu.memory_space<vmem_shared>>
      tpu.wait_dma2 semaphore(%run_scoped3A_130 : memref<!tpu.dma_semaphore, #tpu.memory_space<semaphore_mem>>) src(%dma_wait3A_138 : memref<128x128xf32, #tpu.memory_space<vmem_shared>>) dst(%arg10 : memref<128x128xf32, #tpu.memory_space<vmem>>)
      tpu.yield
    }) : () -> ()
    %mul3A_118 = arith.constant 640 : i32
    %mul3A_119 = arith.muli %arg1, %mul3A_118 : i32
    %add3A_120 = arith.constant 384 : i32
    %add3A_121 = arith.addi %mul3A_119, %add3A_120 : i32
    "tpu.region"() ({
      %run_scoped3A_130 = tpu.sem_alloc : memref<!tpu.dma_semaphore, #tpu.memory_space<semaphore_mem>>
      %dma_start3A_131 = arith.constant 0 : i32
      %dma_start3A_132 = tpu.memref_slice %arg6[%arg0, %add3A_121, %dma_start3A_131] : memref<2x10240x128xf32, #tpu.memory_space<hbm>> -> memref<1x128x128xf32, #tpu.memory_space<hbm>>
      %dma_start3A_133 = tpu.memref_squeeze %dma_start3A_132 : memref<1x128x128xf32, #tpu.memory_space<hbm>> -> memref<128x128xf32, #tpu.memory_space<hbm>>
      %dma_start3A_134 = arith.constant 0 : i32
      %dma_start3A_135 = tpu.memref_slice %arg6[%arg0, %add3A_121, %dma_start3A_134] : memref<2x10240x128xf32, #tpu.memory_space<hbm>> -> memref<1x128x128xf32, #tpu.memory_space<hbm>>
      %dma_start3A_136 = tpu.memref_squeeze %dma_start3A_135 : memref<1x128x128xf32, #tpu.memory_space<hbm>> -> memref<128x128xf32, #tpu.memory_space<hbm>>
      tpu.enqueue_dma source(%arg10 : memref<128x128xf32, #tpu.memory_space<vmem>>) target(%dma_start3A_136 : memref<128x128xf32, #tpu.memory_space<hbm>>) target_semaphore(%run_scoped3A_130 : memref<!tpu.dma_semaphore, #tpu.memory_space<semaphore_mem>>)
      %dma_wait3A_137 = arith.constant 0 : i32
      %dma_wait3A_138 = tpu.memref_slice %arg6[%arg0, %add3A_121, %dma_wait3A_137] : memref<2x10240x128xf32, #tpu.memory_space<hbm>> -> memref<1x128x128xf32, #tpu.memory_space<hbm>>
      %dma_wait3A_139 = tpu.memref_squeeze %dma_wait3A_138 : memref<1x128x128xf32, #tpu.memory_space<hbm>> -> memref<128x128xf32, #tpu.memory_space<hbm>>
      %dma_wait3A_140 = arith.constant 0 : i32
      %dma_wait3A_141 = tpu.memref_slice %arg6[%arg0, %add3A_121, %dma_wait3A_140] : memref<2x10240x128xf32, #tpu.memory_space<hbm>> -> memref<1x128x128xf32, #tpu.memory_space<hbm>>
      %dma_wait3A_142 = tpu.memref_squeeze %dma_wait3A_141 : memref<1x128x128xf32, #tpu.memory_space<hbm>> -> memref<128x128xf32, #tpu.memory_space<hbm>>
      tpu.wait_dma2 semaphore(%run_scoped3A_130 : memref<!tpu.dma_semaphore, #tpu.memory_space<semaphore_mem>>) src(%arg10 : memref<128x128xf32, #tpu.memory_space<vmem>>) dst(%dma_wait3A_142 : memref<128x128xf32, #tpu.memory_space<hbm>>)
      tpu.yield
    }) : () -> ()
    %mul3A_122 = arith.constant 640 : i32
    %mul3A_123 = arith.muli %arg1, %mul3A_122 : i32
    %add3A_124 = arith.constant 512 : i32
    %add3A_125 = arith.addi %mul3A_123, %add3A_124 : i32
    "tpu.region"() ({
      %run_scoped3A_130 = tpu.sem_alloc : memref<!tpu.dma_semaphore, #tpu.memory_space<semaphore_mem>>
      %dma_start3A_131 = arith.constant 0 : i32
      %dma_start3A_132 = tpu.memref_slice %arg11[%add3A_125, %dma_start3A_131] : memref<10240x128xf32, #tpu.memory_space<vmem_shared>> -> memref<128x128xf32, #tpu.memory_space<vmem_shared>>
      %dma_start3A_133 = arith.constant 0 : i32
      %dma_start3A_134 = tpu.memref_slice %arg11[%add3A_125, %dma_start3A_133] : memref<10240x128xf32, #tpu.memory_space<vmem_shared>> -> memref<128x128xf32, #tpu.memory_space<vmem_shared>>
      tpu.enqueue_dma source(%dma_start3A_134 : memref<128x128xf32, #tpu.memory_space<vmem_shared>>) target(%arg9 : memref<128x128xf32, #tpu.memory_space<vmem>>) target_semaphore(%run_scoped3A_130 : memref<!tpu.dma_semaphore, #tpu.memory_space<semaphore_mem>>)
      %dma_wait3A_135 = arith.constant 0 : i32
      %dma_wait3A_136 = tpu.memref_slice %arg11[%add3A_125, %dma_wait3A_135] : memref<10240x128xf32, #tpu.memory_space<vmem_shared>> -> memref<128x128xf32, #tpu.memory_space<vmem_shared>>
      %dma_wait3A_137 = arith.constant 0 : i32
      %dma_wait3A_138 = tpu.memref_slice %arg11[%add3A_125, %dma_wait3A_137] : memref<10240x128xf32, #tpu.memory_space<vmem_shared>> -> memref<128x128xf32, #tpu.memory_space<vmem_shared>>
      tpu.wait_dma2 semaphore(%run_scoped3A_130 : memref<!tpu.dma_semaphore, #tpu.memory_space<semaphore_mem>>) src(%dma_wait3A_138 : memref<128x128xf32, #tpu.memory_space<vmem_shared>>) dst(%arg9 : memref<128x128xf32, #tpu.memory_space<vmem>>)
      tpu.yield
    }) : () -> ()
    %mul3A_126 = arith.constant 640 : i32
    %mul3A_127 = arith.muli %arg1, %mul3A_126 : i32
    %add3A_128 = arith.constant 512 : i32
    %add3A_129 = arith.addi %mul3A_127, %add3A_128 : i32
    "tpu.region"() ({
      %run_scoped3A_130 = tpu.sem_alloc : memref<!tpu.dma_semaphore, #tpu.memory_space<semaphore_mem>>
      %dma_start3A_131 = arith.constant 0 : i32
      %dma_start3A_132 = tpu.memref_slice %arg6[%arg0, %add3A_129, %dma_start3A_131] : memref<2x10240x128xf32, #tpu.memory_space<hbm>> -> memref<1x128x128xf32, #tpu.memory_space<hbm>>
      %dma_start3A_133 = tpu.memref_squeeze %dma_start3A_132 : memref<1x128x128xf32, #tpu.memory_space<hbm>> -> memref<128x128xf32, #tpu.memory_space<hbm>>
      %dma_start3A_134 = arith.constant 0 : i32
      %dma_start3A_135 = tpu.memref_slice %arg6[%arg0, %add3A_129, %dma_start3A_134] : memref<2x10240x128xf32, #tpu.memory_space<hbm>> -> memref<1x128x128xf32, #tpu.memory_space<hbm>>
      %dma_start3A_136 = tpu.memref_squeeze %dma_start3A_135 : memref<1x128x128xf32, #tpu.memory_space<hbm>> -> memref<128x128xf32, #tpu.memory_space<hbm>>
      tpu.enqueue_dma source(%arg9 : memref<128x128xf32, #tpu.memory_space<vmem>>) target(%dma_start3A_136 : memref<128x128xf32, #tpu.memory_space<hbm>>) target_semaphore(%run_scoped3A_130 : memref<!tpu.dma_semaphore, #tpu.memory_space<semaphore_mem>>)
      %dma_wait3A_137 = arith.constant 0 : i32
      %dma_wait3A_138 = tpu.memref_slice %arg6[%arg0, %add3A_129, %dma_wait3A_137] : memref<2x10240x128xf32, #tpu.memory_space<hbm>> -> memref<1x128x128xf32, #tpu.memory_space<hbm>>
      %dma_wait3A_139 = tpu.memref_squeeze %dma_wait3A_138 : memref<1x128x128xf32, #tpu.memory_space<hbm>> -> memref<128x128xf32, #tpu.memory_space<hbm>>
      %dma_wait3A_140 = arith.constant 0 : i32
      %dma_wait3A_141 = tpu.memref_slice %arg6[%arg0, %add3A_129, %dma_wait3A_140] : memref<2x10240x128xf32, #tpu.memory_space<hbm>> -> memref<1x128x128xf32, #tpu.memory_space<hbm>>
      %dma_wait3A_142 = tpu.memref_squeeze %dma_wait3A_141 : memref<1x128x128xf32, #tpu.memory_space<hbm>> -> memref<128x128xf32, #tpu.memory_space<hbm>>
      tpu.wait_dma2 semaphore(%run_scoped3A_130 : memref<!tpu.dma_semaphore, #tpu.memory_space<semaphore_mem>>) src(%arg9 : memref<128x128xf32, #tpu.memory_space<vmem>>) dst(%dma_wait3A_142 : memref<128x128xf32, #tpu.memory_space<hbm>>)
      tpu.yield
    }) : () -> ()
    return
  }
}

#map = affine_map<(d0, d1) -> (0, 0, 0)>
#map1 = affine_map<(d0, d1) -> (0)>
module attributes {stable_mosaic.version = 14 : i64} {
  func.func @_sc_count(%arg0: i32, %arg1: i32, %arg2: memref<32x80x128xi32, #tpu.memory_space<hbm>>, %arg3: memref<128xf32, #tpu.memory_space<hbm>>, %arg4: memref<1024xf32, #tpu.memory_space<hbm>>, %arg5: memref<20000xf32, #tpu.memory_space<hbm>>, %arg6: memref<80x128xi32, #tpu.memory_space<vmem>>, %arg7: memref<128xf32, #tpu.memory_space<vmem>>, %arg8: memref<1024xf32, #tpu.memory_space<vmem>>, %arg9: memref<12288xf32, #tpu.memory_space<vmem_shared>>, %arg10: memref<!tpu.dma_semaphore, #tpu.memory_space<semaphore_mem>>) attributes {dimension_semantics = [#tpu.dimension_semantics<core_parallel>, #tpu.dimension_semantics<subcore_parallel>], iteration_bounds = array<i64: 2, 16>, scalar_prefetch = 0 : i64, scratch_operands = 5 : i64, tpu.core_type = #tpu.core_type<sc_vector_subcore>, window_params = [{transform_indices = #map}, {transform_indices = #map1}, {transform_indices = #map1}, {transform_indices = #map1}]} {
    %mul3A = arith.constant 2 : i32
    %mul3A_0 = arith.muli %arg1, %mul3A : i32
    %add3A = arith.addi %mul3A_0, %arg0 : i32
    "tpu.region"() ({
      %run_scoped3A = tpu.sem_alloc : memref<!tpu.dma_semaphore, #tpu.memory_space<semaphore_mem>>
      tpu.enqueue_dma source(%arg4 : memref<1024xf32, #tpu.memory_space<hbm>>) target(%arg8 : memref<1024xf32, #tpu.memory_space<vmem>>) target_semaphore(%run_scoped3A : memref<!tpu.dma_semaphore, #tpu.memory_space<semaphore_mem>>)
      tpu.wait_dma2 semaphore(%run_scoped3A : memref<!tpu.dma_semaphore, #tpu.memory_space<semaphore_mem>>) src(%arg4 : memref<1024xf32, #tpu.memory_space<hbm>>) dst(%arg8 : memref<1024xf32, #tpu.memory_space<vmem>>)
      tpu.yield
    }) : () -> ()
    %mul3A_1 = arith.constant 768 : i32
    %mul3A_2 = arith.muli %arg1, %mul3A_1 : i32
    "tpu.region"() ({
      %run_scoped3A = tpu.sem_alloc : memref<!tpu.dma_semaphore, #tpu.memory_space<semaphore_mem>>
      %dma_start3A = arith.constant 0 : i32
      %dma_start3A_11 = tpu.memref_slice %arg8[%dma_start3A] : memref<1024xf32, #tpu.memory_space<vmem>> -> memref<768xf32, #tpu.memory_space<vmem>>
      %dma_start3A_12 = tpu.memref_slice %arg9[%mul3A_2] : memref<12288xf32, #tpu.memory_space<vmem_shared>> -> memref<768xf32, #tpu.memory_space<vmem_shared>>
      %dma_start3A_13 = tpu.memref_slice %arg9[%mul3A_2] : memref<12288xf32, #tpu.memory_space<vmem_shared>> -> memref<768xf32, #tpu.memory_space<vmem_shared>>
      %dma_start3A_14 = arith.constant 0 : i32
      %dma_start3A_15 = tpu.memref_slice %arg8[%dma_start3A_14] : memref<1024xf32, #tpu.memory_space<vmem>> -> memref<768xf32, #tpu.memory_space<vmem>>
      tpu.enqueue_dma source(%dma_start3A_15 : memref<768xf32, #tpu.memory_space<vmem>>) target(%dma_start3A_13 : memref<768xf32, #tpu.memory_space<vmem_shared>>) target_semaphore(%run_scoped3A : memref<!tpu.dma_semaphore, #tpu.memory_space<semaphore_mem>>)
      %dma_wait3A = arith.constant 0 : i32
      %dma_wait3A_16 = tpu.memref_slice %arg8[%dma_wait3A] : memref<1024xf32, #tpu.memory_space<vmem>> -> memref<768xf32, #tpu.memory_space<vmem>>
      %dma_wait3A_17 = tpu.memref_slice %arg9[%mul3A_2] : memref<12288xf32, #tpu.memory_space<vmem_shared>> -> memref<768xf32, #tpu.memory_space<vmem_shared>>
      %dma_wait3A_18 = tpu.memref_slice %arg9[%mul3A_2] : memref<12288xf32, #tpu.memory_space<vmem_shared>> -> memref<768xf32, #tpu.memory_space<vmem_shared>>
      %dma_wait3A_19 = arith.constant 0 : i32
      %dma_wait3A_20 = tpu.memref_slice %arg8[%dma_wait3A_19] : memref<1024xf32, #tpu.memory_space<vmem>> -> memref<768xf32, #tpu.memory_space<vmem>>
      tpu.wait_dma2 semaphore(%run_scoped3A : memref<!tpu.dma_semaphore, #tpu.memory_space<semaphore_mem>>) src(%dma_wait3A_20 : memref<768xf32, #tpu.memory_space<vmem>>) dst(%dma_wait3A_18 : memref<768xf32, #tpu.memory_space<vmem_shared>>)
      tpu.yield
    }) : () -> ()
    "tpu.region"() ({
      %run_scoped3A = tpu.sem_alloc : memref<!tpu.dma_semaphore, #tpu.memory_space<semaphore_mem>>
      tpu.enqueue_dma source(%arg3 : memref<128xf32, #tpu.memory_space<hbm>>) target(%arg7 : memref<128xf32, #tpu.memory_space<vmem>>) target_semaphore(%run_scoped3A : memref<!tpu.dma_semaphore, #tpu.memory_space<semaphore_mem>>)
      tpu.wait_dma2 semaphore(%run_scoped3A : memref<!tpu.dma_semaphore, #tpu.memory_space<semaphore_mem>>) src(%arg3 : memref<128xf32, #tpu.memory_space<hbm>>) dst(%arg7 : memref<128xf32, #tpu.memory_space<vmem>>)
      tpu.yield
    }) : () -> ()
    "tpu.region"() ({
      %run_scoped3A = tpu.sem_alloc : memref<!tpu.dma_semaphore, #tpu.memory_space<semaphore_mem>>
      %dma_start3A = arith.constant 0 : i32
      %dma_start3A_11 = arith.constant 0 : i32
      %dma_start3A_12 = tpu.memref_slice %arg2[%add3A, %dma_start3A, %dma_start3A_11] : memref<32x80x128xi32, #tpu.memory_space<hbm>> -> memref<1x80x128xi32, #tpu.memory_space<hbm>>
      %dma_start3A_13 = tpu.memref_squeeze %dma_start3A_12 : memref<1x80x128xi32, #tpu.memory_space<hbm>> -> memref<80x128xi32, #tpu.memory_space<hbm>>
      %dma_start3A_14 = arith.constant 0 : i32
      %dma_start3A_15 = arith.constant 0 : i32
      %dma_start3A_16 = tpu.memref_slice %arg2[%add3A, %dma_start3A_14, %dma_start3A_15] : memref<32x80x128xi32, #tpu.memory_space<hbm>> -> memref<1x80x128xi32, #tpu.memory_space<hbm>>
      %dma_start3A_17 = tpu.memref_squeeze %dma_start3A_16 : memref<1x80x128xi32, #tpu.memory_space<hbm>> -> memref<80x128xi32, #tpu.memory_space<hbm>>
      tpu.enqueue_dma source(%dma_start3A_17 : memref<80x128xi32, #tpu.memory_space<hbm>>) target(%arg6 : memref<80x128xi32, #tpu.memory_space<vmem>>) target_semaphore(%run_scoped3A : memref<!tpu.dma_semaphore, #tpu.memory_space<semaphore_mem>>)
      %dma_wait3A = arith.constant 0 : i32
      %dma_wait3A_18 = arith.constant 0 : i32
      %dma_wait3A_19 = tpu.memref_slice %arg2[%add3A, %dma_wait3A, %dma_wait3A_18] : memref<32x80x128xi32, #tpu.memory_space<hbm>> -> memref<1x80x128xi32, #tpu.memory_space<hbm>>
      %dma_wait3A_20 = tpu.memref_squeeze %dma_wait3A_19 : memref<1x80x128xi32, #tpu.memory_space<hbm>> -> memref<80x128xi32, #tpu.memory_space<hbm>>
      %dma_wait3A_21 = arith.constant 0 : i32
      %dma_wait3A_22 = arith.constant 0 : i32
      %dma_wait3A_23 = tpu.memref_slice %arg2[%add3A, %dma_wait3A_21, %dma_wait3A_22] : memref<32x80x128xi32, #tpu.memory_space<hbm>> -> memref<1x80x128xi32, #tpu.memory_space<hbm>>
      %dma_wait3A_24 = tpu.memref_squeeze %dma_wait3A_23 : memref<1x80x128xi32, #tpu.memory_space<hbm>> -> memref<80x128xi32, #tpu.memory_space<hbm>>
      tpu.wait_dma2 semaphore(%run_scoped3A : memref<!tpu.dma_semaphore, #tpu.memory_space<semaphore_mem>>) src(%dma_wait3A_24 : memref<80x128xi32, #tpu.memory_space<hbm>>) dst(%arg6 : memref<80x128xi32, #tpu.memory_space<vmem>>)
      tpu.yield
    }) : () -> ()
    %barrier3A = arith.constant 0 : index
    tpu.barrier barrier_id(%barrier3A)
    %scan3A = arith.constant 0 : i32
    %scan3A_3 = arith.constant 0 : i32
    %scan3A_4 = arith.constant 5 : i32
    %scan3A_5 = arith.addi %scan3A_3, %scan3A_4 : i32
    %scan3A_6 = arith.constant 1 : i32
    scf.for %scan3A_11 = %scan3A_3 to %scan3A_5 step %scan3A_6  : i32 {
      %mul3A_12 = arith.constant 16 : i32
      %mul3A_13 = arith.muli %scan3A_11, %mul3A_12 : i32
      %add3A_14 = arith.constant 0 : i32
      %add3A_15 = arith.addi %mul3A_13, %add3A_14 : i32
      %dma_start3A = arith.constant 0 : i32
      %dma_start3A_16 = tpu.memref_slice %arg6[%add3A_15, %dma_start3A] : memref<80x128xi32, #tpu.memory_space<vmem>> -> memref<1x128xi32, #tpu.memory_space<vmem>>
      %dma_start3A_17 = tpu.memref_squeeze %dma_start3A_16 : memref<1x128xi32, #tpu.memory_space<vmem>> -> memref<128xi32, #tpu.memory_space<vmem>>
      %dma_start3A_18 = arith.constant 0 : i32
      %dma_start3A_19 = tpu.memref_slice %arg9[%dma_start3A_18] : memref<12288xf32, #tpu.memory_space<vmem_shared>> -> memref<12288xf32, #tpu.memory_space<vmem_shared>>
      tpu.enqueue_indirect_dma source(%arg7 : memref<128xf32, #tpu.memory_space<vmem>>) target(%dma_start3A_19 : memref<12288xf32, #tpu.memory_space<vmem_shared>>) offsets(%dma_start3A_17 : memref<128xi32, #tpu.memory_space<vmem>>) semaphore(%arg10 : memref<!tpu.dma_semaphore, #tpu.memory_space<semaphore_mem>>) {add = true}
      %mul3A_20 = arith.constant 16 : i32
      %mul3A_21 = arith.muli %scan3A_11, %mul3A_20 : i32
      %add3A_22 = arith.constant 1 : i32
      %add3A_23 = arith.addi %mul3A_21, %add3A_22 : i32
      %dma_start3A_24 = arith.constant 0 : i32
      %dma_start3A_25 = tpu.memref_slice %arg6[%add3A_23, %dma_start3A_24] : memref<80x128xi32, #tpu.memory_space<vmem>> -> memref<1x128xi32, #tpu.memory_space<vmem>>
      %dma_start3A_26 = tpu.memref_squeeze %dma_start3A_25 : memref<1x128xi32, #tpu.memory_space<vmem>> -> memref<128xi32, #tpu.memory_space<vmem>>
      %dma_start3A_27 = arith.constant 0 : i32
      %dma_start3A_28 = tpu.memref_slice %arg9[%dma_start3A_27] : memref<12288xf32, #tpu.memory_space<vmem_shared>> -> memref<12288xf32, #tpu.memory_space<vmem_shared>>
      tpu.enqueue_indirect_dma source(%arg7 : memref<128xf32, #tpu.memory_space<vmem>>) target(%dma_start3A_28 : memref<12288xf32, #tpu.memory_space<vmem_shared>>) offsets(%dma_start3A_26 : memref<128xi32, #tpu.memory_space<vmem>>) semaphore(%arg10 : memref<!tpu.dma_semaphore, #tpu.memory_space<semaphore_mem>>) {add = true}
      %mul3A_29 = arith.constant 16 : i32
      %mul3A_30 = arith.muli %scan3A_11, %mul3A_29 : i32
      %add3A_31 = arith.constant 2 : i32
      %add3A_32 = arith.addi %mul3A_30, %add3A_31 : i32
      %dma_start3A_33 = arith.constant 0 : i32
      %dma_start3A_34 = tpu.memref_slice %arg6[%add3A_32, %dma_start3A_33] : memref<80x128xi32, #tpu.memory_space<vmem>> -> memref<1x128xi32, #tpu.memory_space<vmem>>
      %dma_start3A_35 = tpu.memref_squeeze %dma_start3A_34 : memref<1x128xi32, #tpu.memory_space<vmem>> -> memref<128xi32, #tpu.memory_space<vmem>>
      %dma_start3A_36 = arith.constant 0 : i32
      %dma_start3A_37 = tpu.memref_slice %arg9[%dma_start3A_36] : memref<12288xf32, #tpu.memory_space<vmem_shared>> -> memref<12288xf32, #tpu.memory_space<vmem_shared>>
      tpu.enqueue_indirect_dma source(%arg7 : memref<128xf32, #tpu.memory_space<vmem>>) target(%dma_start3A_37 : memref<12288xf32, #tpu.memory_space<vmem_shared>>) offsets(%dma_start3A_35 : memref<128xi32, #tpu.memory_space<vmem>>) semaphore(%arg10 : memref<!tpu.dma_semaphore, #tpu.memory_space<semaphore_mem>>) {add = true}
      %mul3A_38 = arith.constant 16 : i32
      %mul3A_39 = arith.muli %scan3A_11, %mul3A_38 : i32
      %add3A_40 = arith.constant 3 : i32
      %add3A_41 = arith.addi %mul3A_39, %add3A_40 : i32
      %dma_start3A_42 = arith.constant 0 : i32
      %dma_start3A_43 = tpu.memref_slice %arg6[%add3A_41, %dma_start3A_42] : memref<80x128xi32, #tpu.memory_space<vmem>> -> memref<1x128xi32, #tpu.memory_space<vmem>>
      %dma_start3A_44 = tpu.memref_squeeze %dma_start3A_43 : memref<1x128xi32, #tpu.memory_space<vmem>> -> memref<128xi32, #tpu.memory_space<vmem>>
      %dma_start3A_45 = arith.constant 0 : i32
      %dma_start3A_46 = tpu.memref_slice %arg9[%dma_start3A_45] : memref<12288xf32, #tpu.memory_space<vmem_shared>> -> memref<12288xf32, #tpu.memory_space<vmem_shared>>
      tpu.enqueue_indirect_dma source(%arg7 : memref<128xf32, #tpu.memory_space<vmem>>) target(%dma_start3A_46 : memref<12288xf32, #tpu.memory_space<vmem_shared>>) offsets(%dma_start3A_44 : memref<128xi32, #tpu.memory_space<vmem>>) semaphore(%arg10 : memref<!tpu.dma_semaphore, #tpu.memory_space<semaphore_mem>>) {add = true}
      %mul3A_47 = arith.constant 16 : i32
      %mul3A_48 = arith.muli %scan3A_11, %mul3A_47 : i32
      %add3A_49 = arith.constant 4 : i32
      %add3A_50 = arith.addi %mul3A_48, %add3A_49 : i32
      %dma_start3A_51 = arith.constant 0 : i32
      %dma_start3A_52 = tpu.memref_slice %arg6[%add3A_50, %dma_start3A_51] : memref<80x128xi32, #tpu.memory_space<vmem>> -> memref<1x128xi32, #tpu.memory_space<vmem>>
      %dma_start3A_53 = tpu.memref_squeeze %dma_start3A_52 : memref<1x128xi32, #tpu.memory_space<vmem>> -> memref<128xi32, #tpu.memory_space<vmem>>
      %dma_start3A_54 = arith.constant 0 : i32
      %dma_start3A_55 = tpu.memref_slice %arg9[%dma_start3A_54] : memref<12288xf32, #tpu.memory_space<vmem_shared>> -> memref<12288xf32, #tpu.memory_space<vmem_shared>>
      tpu.enqueue_indirect_dma source(%arg7 : memref<128xf32, #tpu.memory_space<vmem>>) target(%dma_start3A_55 : memref<12288xf32, #tpu.memory_space<vmem_shared>>) offsets(%dma_start3A_53 : memref<128xi32, #tpu.memory_space<vmem>>) semaphore(%arg10 : memref<!tpu.dma_semaphore, #tpu.memory_space<semaphore_mem>>) {add = true}
      %mul3A_56 = arith.constant 16 : i32
      %mul3A_57 = arith.muli %scan3A_11, %mul3A_56 : i32
      %add3A_58 = arith.constant 5 : i32
      %add3A_59 = arith.addi %mul3A_57, %add3A_58 : i32
      %dma_start3A_60 = arith.constant 0 : i32
      %dma_start3A_61 = tpu.memref_slice %arg6[%add3A_59, %dma_start3A_60] : memref<80x128xi32, #tpu.memory_space<vmem>> -> memref<1x128xi32, #tpu.memory_space<vmem>>
      %dma_start3A_62 = tpu.memref_squeeze %dma_start3A_61 : memref<1x128xi32, #tpu.memory_space<vmem>> -> memref<128xi32, #tpu.memory_space<vmem>>
      %dma_start3A_63 = arith.constant 0 : i32
      %dma_start3A_64 = tpu.memref_slice %arg9[%dma_start3A_63] : memref<12288xf32, #tpu.memory_space<vmem_shared>> -> memref<12288xf32, #tpu.memory_space<vmem_shared>>
      tpu.enqueue_indirect_dma source(%arg7 : memref<128xf32, #tpu.memory_space<vmem>>) target(%dma_start3A_64 : memref<12288xf32, #tpu.memory_space<vmem_shared>>) offsets(%dma_start3A_62 : memref<128xi32, #tpu.memory_space<vmem>>) semaphore(%arg10 : memref<!tpu.dma_semaphore, #tpu.memory_space<semaphore_mem>>) {add = true}
      %mul3A_65 = arith.constant 16 : i32
      %mul3A_66 = arith.muli %scan3A_11, %mul3A_65 : i32
      %add3A_67 = arith.constant 6 : i32
      %add3A_68 = arith.addi %mul3A_66, %add3A_67 : i32
      %dma_start3A_69 = arith.constant 0 : i32
      %dma_start3A_70 = tpu.memref_slice %arg6[%add3A_68, %dma_start3A_69] : memref<80x128xi32, #tpu.memory_space<vmem>> -> memref<1x128xi32, #tpu.memory_space<vmem>>
      %dma_start3A_71 = tpu.memref_squeeze %dma_start3A_70 : memref<1x128xi32, #tpu.memory_space<vmem>> -> memref<128xi32, #tpu.memory_space<vmem>>
      %dma_start3A_72 = arith.constant 0 : i32
      %dma_start3A_73 = tpu.memref_slice %arg9[%dma_start3A_72] : memref<12288xf32, #tpu.memory_space<vmem_shared>> -> memref<12288xf32, #tpu.memory_space<vmem_shared>>
      tpu.enqueue_indirect_dma source(%arg7 : memref<128xf32, #tpu.memory_space<vmem>>) target(%dma_start3A_73 : memref<12288xf32, #tpu.memory_space<vmem_shared>>) offsets(%dma_start3A_71 : memref<128xi32, #tpu.memory_space<vmem>>) semaphore(%arg10 : memref<!tpu.dma_semaphore, #tpu.memory_space<semaphore_mem>>) {add = true}
      %mul3A_74 = arith.constant 16 : i32
      %mul3A_75 = arith.muli %scan3A_11, %mul3A_74 : i32
      %add3A_76 = arith.constant 7 : i32
      %add3A_77 = arith.addi %mul3A_75, %add3A_76 : i32
      %dma_start3A_78 = arith.constant 0 : i32
      %dma_start3A_79 = tpu.memref_slice %arg6[%add3A_77, %dma_start3A_78] : memref<80x128xi32, #tpu.memory_space<vmem>> -> memref<1x128xi32, #tpu.memory_space<vmem>>
      %dma_start3A_80 = tpu.memref_squeeze %dma_start3A_79 : memref<1x128xi32, #tpu.memory_space<vmem>> -> memref<128xi32, #tpu.memory_space<vmem>>
      %dma_start3A_81 = arith.constant 0 : i32
      %dma_start3A_82 = tpu.memref_slice %arg9[%dma_start3A_81] : memref<12288xf32, #tpu.memory_space<vmem_shared>> -> memref<12288xf32, #tpu.memory_space<vmem_shared>>
      tpu.enqueue_indirect_dma source(%arg7 : memref<128xf32, #tpu.memory_space<vmem>>) target(%dma_start3A_82 : memref<12288xf32, #tpu.memory_space<vmem_shared>>) offsets(%dma_start3A_80 : memref<128xi32, #tpu.memory_space<vmem>>) semaphore(%arg10 : memref<!tpu.dma_semaphore, #tpu.memory_space<semaphore_mem>>) {add = true}
      %mul3A_83 = arith.constant 16 : i32
      %mul3A_84 = arith.muli %scan3A_11, %mul3A_83 : i32
      %add3A_85 = arith.constant 8 : i32
      %add3A_86 = arith.addi %mul3A_84, %add3A_85 : i32
      %dma_start3A_87 = arith.constant 0 : i32
      %dma_start3A_88 = tpu.memref_slice %arg6[%add3A_86, %dma_start3A_87] : memref<80x128xi32, #tpu.memory_space<vmem>> -> memref<1x128xi32, #tpu.memory_space<vmem>>
      %dma_start3A_89 = tpu.memref_squeeze %dma_start3A_88 : memref<1x128xi32, #tpu.memory_space<vmem>> -> memref<128xi32, #tpu.memory_space<vmem>>
      %dma_start3A_90 = arith.constant 0 : i32
      %dma_start3A_91 = tpu.memref_slice %arg9[%dma_start3A_90] : memref<12288xf32, #tpu.memory_space<vmem_shared>> -> memref<12288xf32, #tpu.memory_space<vmem_shared>>
      tpu.enqueue_indirect_dma source(%arg7 : memref<128xf32, #tpu.memory_space<vmem>>) target(%dma_start3A_91 : memref<12288xf32, #tpu.memory_space<vmem_shared>>) offsets(%dma_start3A_89 : memref<128xi32, #tpu.memory_space<vmem>>) semaphore(%arg10 : memref<!tpu.dma_semaphore, #tpu.memory_space<semaphore_mem>>) {add = true}
      %mul3A_92 = arith.constant 16 : i32
      %mul3A_93 = arith.muli %scan3A_11, %mul3A_92 : i32
      %add3A_94 = arith.constant 9 : i32
      %add3A_95 = arith.addi %mul3A_93, %add3A_94 : i32
      %dma_start3A_96 = arith.constant 0 : i32
      %dma_start3A_97 = tpu.memref_slice %arg6[%add3A_95, %dma_start3A_96] : memref<80x128xi32, #tpu.memory_space<vmem>> -> memref<1x128xi32, #tpu.memory_space<vmem>>
      %dma_start3A_98 = tpu.memref_squeeze %dma_start3A_97 : memref<1x128xi32, #tpu.memory_space<vmem>> -> memref<128xi32, #tpu.memory_space<vmem>>
      %dma_start3A_99 = arith.constant 0 : i32
      %dma_start3A_100 = tpu.memref_slice %arg9[%dma_start3A_99] : memref<12288xf32, #tpu.memory_space<vmem_shared>> -> memref<12288xf32, #tpu.memory_space<vmem_shared>>
      tpu.enqueue_indirect_dma source(%arg7 : memref<128xf32, #tpu.memory_space<vmem>>) target(%dma_start3A_100 : memref<12288xf32, #tpu.memory_space<vmem_shared>>) offsets(%dma_start3A_98 : memref<128xi32, #tpu.memory_space<vmem>>) semaphore(%arg10 : memref<!tpu.dma_semaphore, #tpu.memory_space<semaphore_mem>>) {add = true}
      %mul3A_101 = arith.constant 16 : i32
      %mul3A_102 = arith.muli %scan3A_11, %mul3A_101 : i32
      %add3A_103 = arith.constant 10 : i32
      %add3A_104 = arith.addi %mul3A_102, %add3A_103 : i32
      %dma_start3A_105 = arith.constant 0 : i32
      %dma_start3A_106 = tpu.memref_slice %arg6[%add3A_104, %dma_start3A_105] : memref<80x128xi32, #tpu.memory_space<vmem>> -> memref<1x128xi32, #tpu.memory_space<vmem>>
      %dma_start3A_107 = tpu.memref_squeeze %dma_start3A_106 : memref<1x128xi32, #tpu.memory_space<vmem>> -> memref<128xi32, #tpu.memory_space<vmem>>
      %dma_start3A_108 = arith.constant 0 : i32
      %dma_start3A_109 = tpu.memref_slice %arg9[%dma_start3A_108] : memref<12288xf32, #tpu.memory_space<vmem_shared>> -> memref<12288xf32, #tpu.memory_space<vmem_shared>>
      tpu.enqueue_indirect_dma source(%arg7 : memref<128xf32, #tpu.memory_space<vmem>>) target(%dma_start3A_109 : memref<12288xf32, #tpu.memory_space<vmem_shared>>) offsets(%dma_start3A_107 : memref<128xi32, #tpu.memory_space<vmem>>) semaphore(%arg10 : memref<!tpu.dma_semaphore, #tpu.memory_space<semaphore_mem>>) {add = true}
      %mul3A_110 = arith.constant 16 : i32
      %mul3A_111 = arith.muli %scan3A_11, %mul3A_110 : i32
      %add3A_112 = arith.constant 11 : i32
      %add3A_113 = arith.addi %mul3A_111, %add3A_112 : i32
      %dma_start3A_114 = arith.constant 0 : i32
      %dma_start3A_115 = tpu.memref_slice %arg6[%add3A_113, %dma_start3A_114] : memref<80x128xi32, #tpu.memory_space<vmem>> -> memref<1x128xi32, #tpu.memory_space<vmem>>
      %dma_start3A_116 = tpu.memref_squeeze %dma_start3A_115 : memref<1x128xi32, #tpu.memory_space<vmem>> -> memref<128xi32, #tpu.memory_space<vmem>>
      %dma_start3A_117 = arith.constant 0 : i32
      %dma_start3A_118 = tpu.memref_slice %arg9[%dma_start3A_117] : memref<12288xf32, #tpu.memory_space<vmem_shared>> -> memref<12288xf32, #tpu.memory_space<vmem_shared>>
      tpu.enqueue_indirect_dma source(%arg7 : memref<128xf32, #tpu.memory_space<vmem>>) target(%dma_start3A_118 : memref<12288xf32, #tpu.memory_space<vmem_shared>>) offsets(%dma_start3A_116 : memref<128xi32, #tpu.memory_space<vmem>>) semaphore(%arg10 : memref<!tpu.dma_semaphore, #tpu.memory_space<semaphore_mem>>) {add = true}
      %mul3A_119 = arith.constant 16 : i32
      %mul3A_120 = arith.muli %scan3A_11, %mul3A_119 : i32
      %add3A_121 = arith.constant 12 : i32
      %add3A_122 = arith.addi %mul3A_120, %add3A_121 : i32
      %dma_start3A_123 = arith.constant 0 : i32
      %dma_start3A_124 = tpu.memref_slice %arg6[%add3A_122, %dma_start3A_123] : memref<80x128xi32, #tpu.memory_space<vmem>> -> memref<1x128xi32, #tpu.memory_space<vmem>>
      %dma_start3A_125 = tpu.memref_squeeze %dma_start3A_124 : memref<1x128xi32, #tpu.memory_space<vmem>> -> memref<128xi32, #tpu.memory_space<vmem>>
      %dma_start3A_126 = arith.constant 0 : i32
      %dma_start3A_127 = tpu.memref_slice %arg9[%dma_start3A_126] : memref<12288xf32, #tpu.memory_space<vmem_shared>> -> memref<12288xf32, #tpu.memory_space<vmem_shared>>
      tpu.enqueue_indirect_dma source(%arg7 : memref<128xf32, #tpu.memory_space<vmem>>) target(%dma_start3A_127 : memref<12288xf32, #tpu.memory_space<vmem_shared>>) offsets(%dma_start3A_125 : memref<128xi32, #tpu.memory_space<vmem>>) semaphore(%arg10 : memref<!tpu.dma_semaphore, #tpu.memory_space<semaphore_mem>>) {add = true}
      %mul3A_128 = arith.constant 16 : i32
      %mul3A_129 = arith.muli %scan3A_11, %mul3A_128 : i32
      %add3A_130 = arith.constant 13 : i32
      %add3A_131 = arith.addi %mul3A_129, %add3A_130 : i32
      %dma_start3A_132 = arith.constant 0 : i32
      %dma_start3A_133 = tpu.memref_slice %arg6[%add3A_131, %dma_start3A_132] : memref<80x128xi32, #tpu.memory_space<vmem>> -> memref<1x128xi32, #tpu.memory_space<vmem>>
      %dma_start3A_134 = tpu.memref_squeeze %dma_start3A_133 : memref<1x128xi32, #tpu.memory_space<vmem>> -> memref<128xi32, #tpu.memory_space<vmem>>
      %dma_start3A_135 = arith.constant 0 : i32
      %dma_start3A_136 = tpu.memref_slice %arg9[%dma_start3A_135] : memref<12288xf32, #tpu.memory_space<vmem_shared>> -> memref<12288xf32, #tpu.memory_space<vmem_shared>>
      tpu.enqueue_indirect_dma source(%arg7 : memref<128xf32, #tpu.memory_space<vmem>>) target(%dma_start3A_136 : memref<12288xf32, #tpu.memory_space<vmem_shared>>) offsets(%dma_start3A_134 : memref<128xi32, #tpu.memory_space<vmem>>) semaphore(%arg10 : memref<!tpu.dma_semaphore, #tpu.memory_space<semaphore_mem>>) {add = true}
      %mul3A_137 = arith.constant 16 : i32
      %mul3A_138 = arith.muli %scan3A_11, %mul3A_137 : i32
      %add3A_139 = arith.constant 14 : i32
      %add3A_140 = arith.addi %mul3A_138, %add3A_139 : i32
      %dma_start3A_141 = arith.constant 0 : i32
      %dma_start3A_142 = tpu.memref_slice %arg6[%add3A_140, %dma_start3A_141] : memref<80x128xi32, #tpu.memory_space<vmem>> -> memref<1x128xi32, #tpu.memory_space<vmem>>
      %dma_start3A_143 = tpu.memref_squeeze %dma_start3A_142 : memref<1x128xi32, #tpu.memory_space<vmem>> -> memref<128xi32, #tpu.memory_space<vmem>>
      %dma_start3A_144 = arith.constant 0 : i32
      %dma_start3A_145 = tpu.memref_slice %arg9[%dma_start3A_144] : memref<12288xf32, #tpu.memory_space<vmem_shared>> -> memref<12288xf32, #tpu.memory_space<vmem_shared>>
      tpu.enqueue_indirect_dma source(%arg7 : memref<128xf32, #tpu.memory_space<vmem>>) target(%dma_start3A_145 : memref<12288xf32, #tpu.memory_space<vmem_shared>>) offsets(%dma_start3A_143 : memref<128xi32, #tpu.memory_space<vmem>>) semaphore(%arg10 : memref<!tpu.dma_semaphore, #tpu.memory_space<semaphore_mem>>) {add = true}
      %mul3A_146 = arith.constant 16 : i32
      %mul3A_147 = arith.muli %scan3A_11, %mul3A_146 : i32
      %add3A_148 = arith.constant 15 : i32
      %add3A_149 = arith.addi %mul3A_147, %add3A_148 : i32
      %dma_start3A_150 = arith.constant 0 : i32
      %dma_start3A_151 = tpu.memref_slice %arg6[%add3A_149, %dma_start3A_150] : memref<80x128xi32, #tpu.memory_space<vmem>> -> memref<1x128xi32, #tpu.memory_space<vmem>>
      %dma_start3A_152 = tpu.memref_squeeze %dma_start3A_151 : memref<1x128xi32, #tpu.memory_space<vmem>> -> memref<128xi32, #tpu.memory_space<vmem>>
      %dma_start3A_153 = arith.constant 0 : i32
      %dma_start3A_154 = tpu.memref_slice %arg9[%dma_start3A_153] : memref<12288xf32, #tpu.memory_space<vmem_shared>> -> memref<12288xf32, #tpu.memory_space<vmem_shared>>
      tpu.enqueue_indirect_dma source(%arg7 : memref<128xf32, #tpu.memory_space<vmem>>) target(%dma_start3A_154 : memref<12288xf32, #tpu.memory_space<vmem_shared>>) offsets(%dma_start3A_152 : memref<128xi32, #tpu.memory_space<vmem>>) semaphore(%arg10 : memref<!tpu.dma_semaphore, #tpu.memory_space<semaphore_mem>>) {add = true}
      %mul3A_155 = arith.constant 16 : i32
      %mul3A_156 = arith.muli %scan3A_11, %mul3A_155 : i32
      %add3A_157 = arith.constant 0 : i32
      %add3A_158 = arith.addi %mul3A_156, %add3A_157 : i32
      %dma_wait3A = arith.constant 0 : i32
      %dma_wait3A_159 = tpu.memref_slice %arg6[%add3A_158, %dma_wait3A] : memref<80x128xi32, #tpu.memory_space<vmem>> -> memref<1x128xi32, #tpu.memory_space<vmem>>
      %dma_wait3A_160 = tpu.memref_squeeze %dma_wait3A_159 : memref<1x128xi32, #tpu.memory_space<vmem>> -> memref<128xi32, #tpu.memory_space<vmem>>
      %dma_wait3A_161 = arith.constant 0 : i32
      %dma_wait3A_162 = tpu.memref_slice %arg9[%dma_wait3A_161] : memref<12288xf32, #tpu.memory_space<vmem_shared>> -> memref<12288xf32, #tpu.memory_space<vmem_shared>>
      tpu.wait_indirect_dma semaphore(%arg10 : memref<!tpu.dma_semaphore, #tpu.memory_space<semaphore_mem>>) src(%arg7 : memref<128xf32, #tpu.memory_space<vmem>>) dst(%dma_wait3A_162 : memref<12288xf32, #tpu.memory_space<vmem_shared>>)
      %mul3A_163 = arith.constant 16 : i32
      %mul3A_164 = arith.muli %scan3A_11, %mul3A_163 : i32
      %add3A_165 = arith.constant 1 : i32
      %add3A_166 = arith.addi %mul3A_164, %add3A_165 : i32
      %dma_wait3A_167 = arith.constant 0 : i32
      %dma_wait3A_168 = tpu.memref_slice %arg6[%add3A_166, %dma_wait3A_167] : memref<80x128xi32, #tpu.memory_space<vmem>> -> memref<1x128xi32, #tpu.memory_space<vmem>>
      %dma_wait3A_169 = tpu.memref_squeeze %dma_wait3A_168 : memref<1x128xi32, #tpu.memory_space<vmem>> -> memref<128xi32, #tpu.memory_space<vmem>>
      %dma_wait3A_170 = arith.constant 0 : i32
      %dma_wait3A_171 = tpu.memref_slice %arg9[%dma_wait3A_170] : memref<12288xf32, #tpu.memory_space<vmem_shared>> -> memref<12288xf32, #tpu.memory_space<vmem_shared>>
      tpu.wait_indirect_dma semaphore(%arg10 : memref<!tpu.dma_semaphore, #tpu.memory_space<semaphore_mem>>) src(%arg7 : memref<128xf32, #tpu.memory_space<vmem>>) dst(%dma_wait3A_171 : memref<12288xf32, #tpu.memory_space<vmem_shared>>)
      %mul3A_172 = arith.constant 16 : i32
      %mul3A_173 = arith.muli %scan3A_11, %mul3A_172 : i32
      %add3A_174 = arith.constant 2 : i32
      %add3A_175 = arith.addi %mul3A_173, %add3A_174 : i32
      %dma_wait3A_176 = arith.constant 0 : i32
      %dma_wait3A_177 = tpu.memref_slice %arg6[%add3A_175, %dma_wait3A_176] : memref<80x128xi32, #tpu.memory_space<vmem>> -> memref<1x128xi32, #tpu.memory_space<vmem>>
      %dma_wait3A_178 = tpu.memref_squeeze %dma_wait3A_177 : memref<1x128xi32, #tpu.memory_space<vmem>> -> memref<128xi32, #tpu.memory_space<vmem>>
      %dma_wait3A_179 = arith.constant 0 : i32
      %dma_wait3A_180 = tpu.memref_slice %arg9[%dma_wait3A_179] : memref<12288xf32, #tpu.memory_space<vmem_shared>> -> memref<12288xf32, #tpu.memory_space<vmem_shared>>
      tpu.wait_indirect_dma semaphore(%arg10 : memref<!tpu.dma_semaphore, #tpu.memory_space<semaphore_mem>>) src(%arg7 : memref<128xf32, #tpu.memory_space<vmem>>) dst(%dma_wait3A_180 : memref<12288xf32, #tpu.memory_space<vmem_shared>>)
      %mul3A_181 = arith.constant 16 : i32
      %mul3A_182 = arith.muli %scan3A_11, %mul3A_181 : i32
      %add3A_183 = arith.constant 3 : i32
      %add3A_184 = arith.addi %mul3A_182, %add3A_183 : i32
      %dma_wait3A_185 = arith.constant 0 : i32
      %dma_wait3A_186 = tpu.memref_slice %arg6[%add3A_184, %dma_wait3A_185] : memref<80x128xi32, #tpu.memory_space<vmem>> -> memref<1x128xi32, #tpu.memory_space<vmem>>
      %dma_wait3A_187 = tpu.memref_squeeze %dma_wait3A_186 : memref<1x128xi32, #tpu.memory_space<vmem>> -> memref<128xi32, #tpu.memory_space<vmem>>
      %dma_wait3A_188 = arith.constant 0 : i32
      %dma_wait3A_189 = tpu.memref_slice %arg9[%dma_wait3A_188] : memref<12288xf32, #tpu.memory_space<vmem_shared>> -> memref<12288xf32, #tpu.memory_space<vmem_shared>>
      tpu.wait_indirect_dma semaphore(%arg10 : memref<!tpu.dma_semaphore, #tpu.memory_space<semaphore_mem>>) src(%arg7 : memref<128xf32, #tpu.memory_space<vmem>>) dst(%dma_wait3A_189 : memref<12288xf32, #tpu.memory_space<vmem_shared>>)
      %mul3A_190 = arith.constant 16 : i32
      %mul3A_191 = arith.muli %scan3A_11, %mul3A_190 : i32
      %add3A_192 = arith.constant 4 : i32
      %add3A_193 = arith.addi %mul3A_191, %add3A_192 : i32
      %dma_wait3A_194 = arith.constant 0 : i32
      %dma_wait3A_195 = tpu.memref_slice %arg6[%add3A_193, %dma_wait3A_194] : memref<80x128xi32, #tpu.memory_space<vmem>> -> memref<1x128xi32, #tpu.memory_space<vmem>>
      %dma_wait3A_196 = tpu.memref_squeeze %dma_wait3A_195 : memref<1x128xi32, #tpu.memory_space<vmem>> -> memref<128xi32, #tpu.memory_space<vmem>>
      %dma_wait3A_197 = arith.constant 0 : i32
      %dma_wait3A_198 = tpu.memref_slice %arg9[%dma_wait3A_197] : memref<12288xf32, #tpu.memory_space<vmem_shared>> -> memref<12288xf32, #tpu.memory_space<vmem_shared>>
      tpu.wait_indirect_dma semaphore(%arg10 : memref<!tpu.dma_semaphore, #tpu.memory_space<semaphore_mem>>) src(%arg7 : memref<128xf32, #tpu.memory_space<vmem>>) dst(%dma_wait3A_198 : memref<12288xf32, #tpu.memory_space<vmem_shared>>)
      %mul3A_199 = arith.constant 16 : i32
      %mul3A_200 = arith.muli %scan3A_11, %mul3A_199 : i32
      %add3A_201 = arith.constant 5 : i32
      %add3A_202 = arith.addi %mul3A_200, %add3A_201 : i32
      %dma_wait3A_203 = arith.constant 0 : i32
      %dma_wait3A_204 = tpu.memref_slice %arg6[%add3A_202, %dma_wait3A_203] : memref<80x128xi32, #tpu.memory_space<vmem>> -> memref<1x128xi32, #tpu.memory_space<vmem>>
      %dma_wait3A_205 = tpu.memref_squeeze %dma_wait3A_204 : memref<1x128xi32, #tpu.memory_space<vmem>> -> memref<128xi32, #tpu.memory_space<vmem>>
      %dma_wait3A_206 = arith.constant 0 : i32
      %dma_wait3A_207 = tpu.memref_slice %arg9[%dma_wait3A_206] : memref<12288xf32, #tpu.memory_space<vmem_shared>> -> memref<12288xf32, #tpu.memory_space<vmem_shared>>
      tpu.wait_indirect_dma semaphore(%arg10 : memref<!tpu.dma_semaphore, #tpu.memory_space<semaphore_mem>>) src(%arg7 : memref<128xf32, #tpu.memory_space<vmem>>) dst(%dma_wait3A_207 : memref<12288xf32, #tpu.memory_space<vmem_shared>>)
      %mul3A_208 = arith.constant 16 : i32
      %mul3A_209 = arith.muli %scan3A_11, %mul3A_208 : i32
      %add3A_210 = arith.constant 6 : i32
      %add3A_211 = arith.addi %mul3A_209, %add3A_210 : i32
      %dma_wait3A_212 = arith.constant 0 : i32
      %dma_wait3A_213 = tpu.memref_slice %arg6[%add3A_211, %dma_wait3A_212] : memref<80x128xi32, #tpu.memory_space<vmem>> -> memref<1x128xi32, #tpu.memory_space<vmem>>
      %dma_wait3A_214 = tpu.memref_squeeze %dma_wait3A_213 : memref<1x128xi32, #tpu.memory_space<vmem>> -> memref<128xi32, #tpu.memory_space<vmem>>
      %dma_wait3A_215 = arith.constant 0 : i32
      %dma_wait3A_216 = tpu.memref_slice %arg9[%dma_wait3A_215] : memref<12288xf32, #tpu.memory_space<vmem_shared>> -> memref<12288xf32, #tpu.memory_space<vmem_shared>>
      tpu.wait_indirect_dma semaphore(%arg10 : memref<!tpu.dma_semaphore, #tpu.memory_space<semaphore_mem>>) src(%arg7 : memref<128xf32, #tpu.memory_space<vmem>>) dst(%dma_wait3A_216 : memref<12288xf32, #tpu.memory_space<vmem_shared>>)
      %mul3A_217 = arith.constant 16 : i32
      %mul3A_218 = arith.muli %scan3A_11, %mul3A_217 : i32
      %add3A_219 = arith.constant 7 : i32
      %add3A_220 = arith.addi %mul3A_218, %add3A_219 : i32
      %dma_wait3A_221 = arith.constant 0 : i32
      %dma_wait3A_222 = tpu.memref_slice %arg6[%add3A_220, %dma_wait3A_221] : memref<80x128xi32, #tpu.memory_space<vmem>> -> memref<1x128xi32, #tpu.memory_space<vmem>>
      %dma_wait3A_223 = tpu.memref_squeeze %dma_wait3A_222 : memref<1x128xi32, #tpu.memory_space<vmem>> -> memref<128xi32, #tpu.memory_space<vmem>>
      %dma_wait3A_224 = arith.constant 0 : i32
      %dma_wait3A_225 = tpu.memref_slice %arg9[%dma_wait3A_224] : memref<12288xf32, #tpu.memory_space<vmem_shared>> -> memref<12288xf32, #tpu.memory_space<vmem_shared>>
      tpu.wait_indirect_dma semaphore(%arg10 : memref<!tpu.dma_semaphore, #tpu.memory_space<semaphore_mem>>) src(%arg7 : memref<128xf32, #tpu.memory_space<vmem>>) dst(%dma_wait3A_225 : memref<12288xf32, #tpu.memory_space<vmem_shared>>)
      %mul3A_226 = arith.constant 16 : i32
      %mul3A_227 = arith.muli %scan3A_11, %mul3A_226 : i32
      %add3A_228 = arith.constant 8 : i32
      %add3A_229 = arith.addi %mul3A_227, %add3A_228 : i32
      %dma_wait3A_230 = arith.constant 0 : i32
      %dma_wait3A_231 = tpu.memref_slice %arg6[%add3A_229, %dma_wait3A_230] : memref<80x128xi32, #tpu.memory_space<vmem>> -> memref<1x128xi32, #tpu.memory_space<vmem>>
      %dma_wait3A_232 = tpu.memref_squeeze %dma_wait3A_231 : memref<1x128xi32, #tpu.memory_space<vmem>> -> memref<128xi32, #tpu.memory_space<vmem>>
      %dma_wait3A_233 = arith.constant 0 : i32
      %dma_wait3A_234 = tpu.memref_slice %arg9[%dma_wait3A_233] : memref<12288xf32, #tpu.memory_space<vmem_shared>> -> memref<12288xf32, #tpu.memory_space<vmem_shared>>
      tpu.wait_indirect_dma semaphore(%arg10 : memref<!tpu.dma_semaphore, #tpu.memory_space<semaphore_mem>>) src(%arg7 : memref<128xf32, #tpu.memory_space<vmem>>) dst(%dma_wait3A_234 : memref<12288xf32, #tpu.memory_space<vmem_shared>>)
      %mul3A_235 = arith.constant 16 : i32
      %mul3A_236 = arith.muli %scan3A_11, %mul3A_235 : i32
      %add3A_237 = arith.constant 9 : i32
      %add3A_238 = arith.addi %mul3A_236, %add3A_237 : i32
      %dma_wait3A_239 = arith.constant 0 : i32
      %dma_wait3A_240 = tpu.memref_slice %arg6[%add3A_238, %dma_wait3A_239] : memref<80x128xi32, #tpu.memory_space<vmem>> -> memref<1x128xi32, #tpu.memory_space<vmem>>
      %dma_wait3A_241 = tpu.memref_squeeze %dma_wait3A_240 : memref<1x128xi32, #tpu.memory_space<vmem>> -> memref<128xi32, #tpu.memory_space<vmem>>
      %dma_wait3A_242 = arith.constant 0 : i32
      %dma_wait3A_243 = tpu.memref_slice %arg9[%dma_wait3A_242] : memref<12288xf32, #tpu.memory_space<vmem_shared>> -> memref<12288xf32, #tpu.memory_space<vmem_shared>>
      tpu.wait_indirect_dma semaphore(%arg10 : memref<!tpu.dma_semaphore, #tpu.memory_space<semaphore_mem>>) src(%arg7 : memref<128xf32, #tpu.memory_space<vmem>>) dst(%dma_wait3A_243 : memref<12288xf32, #tpu.memory_space<vmem_shared>>)
      %mul3A_244 = arith.constant 16 : i32
      %mul3A_245 = arith.muli %scan3A_11, %mul3A_244 : i32
      %add3A_246 = arith.constant 10 : i32
      %add3A_247 = arith.addi %mul3A_245, %add3A_246 : i32
      %dma_wait3A_248 = arith.constant 0 : i32
      %dma_wait3A_249 = tpu.memref_slice %arg6[%add3A_247, %dma_wait3A_248] : memref<80x128xi32, #tpu.memory_space<vmem>> -> memref<1x128xi32, #tpu.memory_space<vmem>>
      %dma_wait3A_250 = tpu.memref_squeeze %dma_wait3A_249 : memref<1x128xi32, #tpu.memory_space<vmem>> -> memref<128xi32, #tpu.memory_space<vmem>>
      %dma_wait3A_251 = arith.constant 0 : i32
      %dma_wait3A_252 = tpu.memref_slice %arg9[%dma_wait3A_251] : memref<12288xf32, #tpu.memory_space<vmem_shared>> -> memref<12288xf32, #tpu.memory_space<vmem_shared>>
      tpu.wait_indirect_dma semaphore(%arg10 : memref<!tpu.dma_semaphore, #tpu.memory_space<semaphore_mem>>) src(%arg7 : memref<128xf32, #tpu.memory_space<vmem>>) dst(%dma_wait3A_252 : memref<12288xf32, #tpu.memory_space<vmem_shared>>)
      %mul3A_253 = arith.constant 16 : i32
      %mul3A_254 = arith.muli %scan3A_11, %mul3A_253 : i32
      %add3A_255 = arith.constant 11 : i32
      %add3A_256 = arith.addi %mul3A_254, %add3A_255 : i32
      %dma_wait3A_257 = arith.constant 0 : i32
      %dma_wait3A_258 = tpu.memref_slice %arg6[%add3A_256, %dma_wait3A_257] : memref<80x128xi32, #tpu.memory_space<vmem>> -> memref<1x128xi32, #tpu.memory_space<vmem>>
      %dma_wait3A_259 = tpu.memref_squeeze %dma_wait3A_258 : memref<1x128xi32, #tpu.memory_space<vmem>> -> memref<128xi32, #tpu.memory_space<vmem>>
      %dma_wait3A_260 = arith.constant 0 : i32
      %dma_wait3A_261 = tpu.memref_slice %arg9[%dma_wait3A_260] : memref<12288xf32, #tpu.memory_space<vmem_shared>> -> memref<12288xf32, #tpu.memory_space<vmem_shared>>
      tpu.wait_indirect_dma semaphore(%arg10 : memref<!tpu.dma_semaphore, #tpu.memory_space<semaphore_mem>>) src(%arg7 : memref<128xf32, #tpu.memory_space<vmem>>) dst(%dma_wait3A_261 : memref<12288xf32, #tpu.memory_space<vmem_shared>>)
      %mul3A_262 = arith.constant 16 : i32
      %mul3A_263 = arith.muli %scan3A_11, %mul3A_262 : i32
      %add3A_264 = arith.constant 12 : i32
      %add3A_265 = arith.addi %mul3A_263, %add3A_264 : i32
      %dma_wait3A_266 = arith.constant 0 : i32
      %dma_wait3A_267 = tpu.memref_slice %arg6[%add3A_265, %dma_wait3A_266] : memref<80x128xi32, #tpu.memory_space<vmem>> -> memref<1x128xi32, #tpu.memory_space<vmem>>
      %dma_wait3A_268 = tpu.memref_squeeze %dma_wait3A_267 : memref<1x128xi32, #tpu.memory_space<vmem>> -> memref<128xi32, #tpu.memory_space<vmem>>
      %dma_wait3A_269 = arith.constant 0 : i32
      %dma_wait3A_270 = tpu.memref_slice %arg9[%dma_wait3A_269] : memref<12288xf32, #tpu.memory_space<vmem_shared>> -> memref<12288xf32, #tpu.memory_space<vmem_shared>>
      tpu.wait_indirect_dma semaphore(%arg10 : memref<!tpu.dma_semaphore, #tpu.memory_space<semaphore_mem>>) src(%arg7 : memref<128xf32, #tpu.memory_space<vmem>>) dst(%dma_wait3A_270 : memref<12288xf32, #tpu.memory_space<vmem_shared>>)
      %mul3A_271 = arith.constant 16 : i32
      %mul3A_272 = arith.muli %scan3A_11, %mul3A_271 : i32
      %add3A_273 = arith.constant 13 : i32
      %add3A_274 = arith.addi %mul3A_272, %add3A_273 : i32
      %dma_wait3A_275 = arith.constant 0 : i32
      %dma_wait3A_276 = tpu.memref_slice %arg6[%add3A_274, %dma_wait3A_275] : memref<80x128xi32, #tpu.memory_space<vmem>> -> memref<1x128xi32, #tpu.memory_space<vmem>>
      %dma_wait3A_277 = tpu.memref_squeeze %dma_wait3A_276 : memref<1x128xi32, #tpu.memory_space<vmem>> -> memref<128xi32, #tpu.memory_space<vmem>>
      %dma_wait3A_278 = arith.constant 0 : i32
      %dma_wait3A_279 = tpu.memref_slice %arg9[%dma_wait3A_278] : memref<12288xf32, #tpu.memory_space<vmem_shared>> -> memref<12288xf32, #tpu.memory_space<vmem_shared>>
      tpu.wait_indirect_dma semaphore(%arg10 : memref<!tpu.dma_semaphore, #tpu.memory_space<semaphore_mem>>) src(%arg7 : memref<128xf32, #tpu.memory_space<vmem>>) dst(%dma_wait3A_279 : memref<12288xf32, #tpu.memory_space<vmem_shared>>)
      %mul3A_280 = arith.constant 16 : i32
      %mul3A_281 = arith.muli %scan3A_11, %mul3A_280 : i32
      %add3A_282 = arith.constant 14 : i32
      %add3A_283 = arith.addi %mul3A_281, %add3A_282 : i32
      %dma_wait3A_284 = arith.constant 0 : i32
      %dma_wait3A_285 = tpu.memref_slice %arg6[%add3A_283, %dma_wait3A_284] : memref<80x128xi32, #tpu.memory_space<vmem>> -> memref<1x128xi32, #tpu.memory_space<vmem>>
      %dma_wait3A_286 = tpu.memref_squeeze %dma_wait3A_285 : memref<1x128xi32, #tpu.memory_space<vmem>> -> memref<128xi32, #tpu.memory_space<vmem>>
      %dma_wait3A_287 = arith.constant 0 : i32
      %dma_wait3A_288 = tpu.memref_slice %arg9[%dma_wait3A_287] : memref<12288xf32, #tpu.memory_space<vmem_shared>> -> memref<12288xf32, #tpu.memory_space<vmem_shared>>
      tpu.wait_indirect_dma semaphore(%arg10 : memref<!tpu.dma_semaphore, #tpu.memory_space<semaphore_mem>>) src(%arg7 : memref<128xf32, #tpu.memory_space<vmem>>) dst(%dma_wait3A_288 : memref<12288xf32, #tpu.memory_space<vmem_shared>>)
      %mul3A_289 = arith.constant 16 : i32
      %mul3A_290 = arith.muli %scan3A_11, %mul3A_289 : i32
      %add3A_291 = arith.constant 15 : i32
      %add3A_292 = arith.addi %mul3A_290, %add3A_291 : i32
      %dma_wait3A_293 = arith.constant 0 : i32
      %dma_wait3A_294 = tpu.memref_slice %arg6[%add3A_292, %dma_wait3A_293] : memref<80x128xi32, #tpu.memory_space<vmem>> -> memref<1x128xi32, #tpu.memory_space<vmem>>
      %dma_wait3A_295 = tpu.memref_squeeze %dma_wait3A_294 : memref<1x128xi32, #tpu.memory_space<vmem>> -> memref<128xi32, #tpu.memory_space<vmem>>
      %dma_wait3A_296 = arith.constant 0 : i32
      %dma_wait3A_297 = tpu.memref_slice %arg9[%dma_wait3A_296] : memref<12288xf32, #tpu.memory_space<vmem_shared>> -> memref<12288xf32, #tpu.memory_space<vmem_shared>>
      tpu.wait_indirect_dma semaphore(%arg10 : memref<!tpu.dma_semaphore, #tpu.memory_space<semaphore_mem>>) src(%arg7 : memref<128xf32, #tpu.memory_space<vmem>>) dst(%dma_wait3A_297 : memref<12288xf32, #tpu.memory_space<vmem_shared>>)
    }
    %scan3A_7 = arith.constant 5 : i32
    %barrier3A_8 = arith.constant 0 : index
    tpu.barrier barrier_id(%barrier3A_8)
    %lt3A = arith.constant 10 : i32
    %lt3A_9 = arith.cmpi slt, %arg1, %lt3A : i32
    %convert_element_type3A = arith.extui %lt3A_9 : i1 to i32
    %cond3A = arith.constant 0 : i32
    %cond3A_10 = arith.cmpi ne, %convert_element_type3A, %cond3A : i32
    scf.if %cond3A_10 {
      %mul3A_11 = arith.constant 1000 : i32
      %mul3A_12 = arith.muli %arg1, %mul3A_11 : i32
      "tpu.region"() ({
        %run_scoped3A = tpu.sem_alloc : memref<!tpu.dma_semaphore, #tpu.memory_space<semaphore_mem>>
        %dma_start3A = arith.constant 0 : i32
        %dma_start3A_18 = tpu.memref_slice %arg8[%dma_start3A] : memref<1024xf32, #tpu.memory_space<vmem>> -> memref<1000xf32, #tpu.memory_space<vmem>>
        %dma_start3A_19 = tpu.memref_slice %arg9[%mul3A_12] : memref<12288xf32, #tpu.memory_space<vmem_shared>> -> memref<1000xf32, #tpu.memory_space<vmem_shared>>
        %dma_start3A_20 = arith.constant 0 : i32
        %dma_start3A_21 = tpu.memref_slice %arg8[%dma_start3A_20] : memref<1024xf32, #tpu.memory_space<vmem>> -> memref<1000xf32, #tpu.memory_space<vmem>>
        %dma_start3A_22 = tpu.memref_slice %arg9[%mul3A_12] : memref<12288xf32, #tpu.memory_space<vmem_shared>> -> memref<1000xf32, #tpu.memory_space<vmem_shared>>
        tpu.enqueue_dma source(%dma_start3A_22 : memref<1000xf32, #tpu.memory_space<vmem_shared>>) target(%dma_start3A_21 : memref<1000xf32, #tpu.memory_space<vmem>>) target_semaphore(%run_scoped3A : memref<!tpu.dma_semaphore, #tpu.memory_space<semaphore_mem>>)
        %dma_wait3A = arith.constant 0 : i32
        %dma_wait3A_23 = tpu.memref_slice %arg8[%dma_wait3A] : memref<1024xf32, #tpu.memory_space<vmem>> -> memref<1000xf32, #tpu.memory_space<vmem>>
        %dma_wait3A_24 = tpu.memref_slice %arg9[%mul3A_12] : memref<12288xf32, #tpu.memory_space<vmem_shared>> -> memref<1000xf32, #tpu.memory_space<vmem_shared>>
        %dma_wait3A_25 = arith.constant 0 : i32
        %dma_wait3A_26 = tpu.memref_slice %arg8[%dma_wait3A_25] : memref<1024xf32, #tpu.memory_space<vmem>> -> memref<1000xf32, #tpu.memory_space<vmem>>
        %dma_wait3A_27 = tpu.memref_slice %arg9[%mul3A_12] : memref<12288xf32, #tpu.memory_space<vmem_shared>> -> memref<1000xf32, #tpu.memory_space<vmem_shared>>
        tpu.wait_dma2 semaphore(%run_scoped3A : memref<!tpu.dma_semaphore, #tpu.memory_space<semaphore_mem>>) src(%dma_wait3A_27 : memref<1000xf32, #tpu.memory_space<vmem_shared>>) dst(%dma_wait3A_26 : memref<1000xf32, #tpu.memory_space<vmem>>)
        tpu.yield
      }) : () -> ()
      %mul3A_13 = arith.constant 10000 : i32
      %mul3A_14 = arith.muli %arg0, %mul3A_13 : i32
      %mul3A_15 = arith.constant 1000 : i32
      %mul3A_16 = arith.muli %arg1, %mul3A_15 : i32
      %add3A_17 = arith.addi %mul3A_14, %mul3A_16 : i32
      "tpu.region"() ({
        %run_scoped3A = tpu.sem_alloc : memref<!tpu.dma_semaphore, #tpu.memory_space<semaphore_mem>>
        %dma_start3A = arith.constant 0 : i32
        %dma_start3A_18 = tpu.memref_slice %arg8[%dma_start3A] : memref<1024xf32, #tpu.memory_space<vmem>> -> memref<1000xf32, #tpu.memory_space<vmem>>
        %dma_start3A_19 = tpu.memref_slice %arg5[%add3A_17] : memref<20000xf32, #tpu.memory_space<hbm>> -> memref<1000xf32, #tpu.memory_space<hbm>>
        %dma_start3A_20 = tpu.memref_slice %arg5[%add3A_17] : memref<20000xf32, #tpu.memory_space<hbm>> -> memref<1000xf32, #tpu.memory_space<hbm>>
        %dma_start3A_21 = arith.constant 0 : i32
        %dma_start3A_22 = tpu.memref_slice %arg8[%dma_start3A_21] : memref<1024xf32, #tpu.memory_space<vmem>> -> memref<1000xf32, #tpu.memory_space<vmem>>
        tpu.enqueue_dma source(%dma_start3A_22 : memref<1000xf32, #tpu.memory_space<vmem>>) target(%dma_start3A_20 : memref<1000xf32, #tpu.memory_space<hbm>>) target_semaphore(%run_scoped3A : memref<!tpu.dma_semaphore, #tpu.memory_space<semaphore_mem>>)
        %dma_wait3A = arith.constant 0 : i32
        %dma_wait3A_23 = tpu.memref_slice %arg8[%dma_wait3A] : memref<1024xf32, #tpu.memory_space<vmem>> -> memref<1000xf32, #tpu.memory_space<vmem>>
        %dma_wait3A_24 = tpu.memref_slice %arg5[%add3A_17] : memref<20000xf32, #tpu.memory_space<hbm>> -> memref<1000xf32, #tpu.memory_space<hbm>>
        %dma_wait3A_25 = tpu.memref_slice %arg5[%add3A_17] : memref<20000xf32, #tpu.memory_space<hbm>> -> memref<1000xf32, #tpu.memory_space<hbm>>
        %dma_wait3A_26 = arith.constant 0 : i32
        %dma_wait3A_27 = tpu.memref_slice %arg8[%dma_wait3A_26] : memref<1024xf32, #tpu.memory_space<vmem>> -> memref<1000xf32, #tpu.memory_space<vmem>>
        tpu.wait_dma2 semaphore(%run_scoped3A : memref<!tpu.dma_semaphore, #tpu.memory_space<semaphore_mem>>) src(%dma_wait3A_27 : memref<1000xf32, #tpu.memory_space<vmem>>) dst(%dma_wait3A_25 : memref<1000xf32, #tpu.memory_space<hbm>>)
        tpu.yield
      }) : () -> ()
    } else {
    }
    return
  }
}

#map = affine_map<(d0, d1) -> (0, 0)>
#map1 = affine_map<(d0, d1) -> (0, 0, 0)>
module attributes {stable_mosaic.version = 14 : i64} {
  func.func @_sc_scatter(%arg0: i32, %arg1: i32, %arg2: memref<10000x128xf32, #tpu.memory_space<hbm>>, %arg3: memref<32x80x128xi32, #tpu.memory_space<hbm>>, %arg4: memref<32x80x128xi32, #tpu.memory_space<hbm>>, %arg5: memref<128x128xf32, #tpu.memory_space<hbm>>, %arg6: memref<2x10240x128xf32, #tpu.memory_space<hbm>>, %arg7: memref<40x128xi32, #tpu.memory_space<vmem>>, %arg8: memref<40x128xi32, #tpu.memory_space<vmem>>, %arg9: memref<128x128xf32, #tpu.memory_space<vmem>>, %arg10: memref<128x128xf32, #tpu.memory_space<vmem>>, %arg11: memref<10240x128xf32, #tpu.memory_space<vmem_shared>>, %arg12: memref<!tpu.dma_semaphore, #tpu.memory_space<semaphore_mem>>, %arg13: memref<!tpu.dma_semaphore, #tpu.memory_space<semaphore_mem>>, %arg14: memref<!tpu.dma_semaphore, #tpu.memory_space<semaphore_mem>>, %arg15: memref<!tpu.dma_semaphore, #tpu.memory_space<semaphore_mem>>) attributes {dimension_semantics = [#tpu.dimension_semantics<core_parallel>, #tpu.dimension_semantics<subcore_parallel>], iteration_bounds = array<i64: 2, 16>, scalar_prefetch = 0 : i64, scratch_operands = 9 : i64, tpu.core_type = #tpu.core_type<sc_vector_subcore>, window_params = [{transform_indices = #map}, {transform_indices = #map1}, {transform_indices = #map1}, {transform_indices = #map}, {transform_indices = #map1}]} {
    %mul3A = arith.constant 2 : i32
    %mul3A_0 = arith.muli %arg1, %mul3A : i32
    %add3A = arith.addi %mul3A_0, %arg0 : i32
    "tpu.region"() ({
      %run_scoped3A_130 = tpu.sem_alloc : memref<!tpu.dma_semaphore, #tpu.memory_space<semaphore_mem>>
      tpu.enqueue_dma source(%arg5 : memref<128x128xf32, #tpu.memory_space<hbm>>) target(%arg9 : memref<128x128xf32, #tpu.memory_space<vmem>>) target_semaphore(%run_scoped3A_130 : memref<!tpu.dma_semaphore, #tpu.memory_space<semaphore_mem>>)
      tpu.wait_dma2 semaphore(%run_scoped3A_130 : memref<!tpu.dma_semaphore, #tpu.memory_space<semaphore_mem>>) src(%arg5 : memref<128x128xf32, #tpu.memory_space<hbm>>) dst(%arg9 : memref<128x128xf32, #tpu.memory_space<vmem>>)
      tpu.yield
    }) : () -> ()
    %mul3A_1 = arith.constant 640 : i32
    %mul3A_2 = arith.muli %arg1, %mul3A_1 : i32
    %add3A_3 = arith.constant 0 : i32
    %add3A_4 = arith.addi %mul3A_2, %add3A_3 : i32
    "tpu.region"() ({
      %run_scoped3A_130 = tpu.sem_alloc : memref<!tpu.dma_semaphore, #tpu.memory_space<semaphore_mem>>
      %dma_start3A_131 = arith.constant 0 : i32
      %dma_start3A_132 = tpu.memref_slice %arg11[%add3A_4, %dma_start3A_131] : memref<10240x128xf32, #tpu.memory_space<vmem_shared>> -> memref<128x128xf32, #tpu.memory_space<vmem_shared>>
      %dma_start3A_133 = arith.constant 0 : i32
      %dma_start3A_134 = tpu.memref_slice %arg11[%add3A_4, %dma_start3A_133] : memref<10240x128xf32, #tpu.memory_space<vmem_shared>> -> memref<128x128xf32, #tpu.memory_space<vmem_shared>>
      tpu.enqueue_dma source(%arg9 : memref<128x128xf32, #tpu.memory_space<vmem>>) target(%dma_start3A_134 : memref<128x128xf32, #tpu.memory_space<vmem_shared>>) target_semaphore(%run_scoped3A_130 : memref<!tpu.dma_semaphore, #tpu.memory_space<semaphore_mem>>)
      %dma_wait3A_135 = arith.constant 0 : i32
      %dma_wait3A_136 = tpu.memref_slice %arg11[%add3A_4, %dma_wait3A_135] : memref<10240x128xf32, #tpu.memory_space<vmem_shared>> -> memref<128x128xf32, #tpu.memory_space<vmem_shared>>
      %dma_wait3A_137 = arith.constant 0 : i32
      %dma_wait3A_138 = tpu.memref_slice %arg11[%add3A_4, %dma_wait3A_137] : memref<10240x128xf32, #tpu.memory_space<vmem_shared>> -> memref<128x128xf32, #tpu.memory_space<vmem_shared>>
      tpu.wait_dma2 semaphore(%run_scoped3A_130 : memref<!tpu.dma_semaphore, #tpu.memory_space<semaphore_mem>>) src(%arg9 : memref<128x128xf32, #tpu.memory_space<vmem>>) dst(%dma_wait3A_138 : memref<128x128xf32, #tpu.memory_space<vmem_shared>>)
      tpu.yield
    }) : () -> ()
    %mul3A_5 = arith.constant 640 : i32
    %mul3A_6 = arith.muli %arg1, %mul3A_5 : i32
    %add3A_7 = arith.constant 128 : i32
    %add3A_8 = arith.addi %mul3A_6, %add3A_7 : i32
    "tpu.region"() ({
      %run_scoped3A_130 = tpu.sem_alloc : memref<!tpu.dma_semaphore, #tpu.memory_space<semaphore_mem>>
      %dma_start3A_131 = arith.constant 0 : i32
      %dma_start3A_132 = tpu.memref_slice %arg11[%add3A_8, %dma_start3A_131] : memref<10240x128xf32, #tpu.memory_space<vmem_shared>> -> memref<128x128xf32, #tpu.memory_space<vmem_shared>>
      %dma_start3A_133 = arith.constant 0 : i32
      %dma_start3A_134 = tpu.memref_slice %arg11[%add3A_8, %dma_start3A_133] : memref<10240x128xf32, #tpu.memory_space<vmem_shared>> -> memref<128x128xf32, #tpu.memory_space<vmem_shared>>
      tpu.enqueue_dma source(%arg9 : memref<128x128xf32, #tpu.memory_space<vmem>>) target(%dma_start3A_134 : memref<128x128xf32, #tpu.memory_space<vmem_shared>>) target_semaphore(%run_scoped3A_130 : memref<!tpu.dma_semaphore, #tpu.memory_space<semaphore_mem>>)
      %dma_wait3A_135 = arith.constant 0 : i32
      %dma_wait3A_136 = tpu.memref_slice %arg11[%add3A_8, %dma_wait3A_135] : memref<10240x128xf32, #tpu.memory_space<vmem_shared>> -> memref<128x128xf32, #tpu.memory_space<vmem_shared>>
      %dma_wait3A_137 = arith.constant 0 : i32
      %dma_wait3A_138 = tpu.memref_slice %arg11[%add3A_8, %dma_wait3A_137] : memref<10240x128xf32, #tpu.memory_space<vmem_shared>> -> memref<128x128xf32, #tpu.memory_space<vmem_shared>>
      tpu.wait_dma2 semaphore(%run_scoped3A_130 : memref<!tpu.dma_semaphore, #tpu.memory_space<semaphore_mem>>) src(%arg9 : memref<128x128xf32, #tpu.memory_space<vmem>>) dst(%dma_wait3A_138 : memref<128x128xf32, #tpu.memory_space<vmem_shared>>)
      tpu.yield
    }) : () -> ()
    %mul3A_9 = arith.constant 640 : i32
    %mul3A_10 = arith.muli %arg1, %mul3A_9 : i32
    %add3A_11 = arith.constant 256 : i32
    %add3A_12 = arith.addi %mul3A_10, %add3A_11 : i32
    "tpu.region"() ({
      %run_scoped3A_130 = tpu.sem_alloc : memref<!tpu.dma_semaphore, #tpu.memory_space<semaphore_mem>>
      %dma_start3A_131 = arith.constant 0 : i32
      %dma_start3A_132 = tpu.memref_slice %arg11[%add3A_12, %dma_start3A_131] : memref<10240x128xf32, #tpu.memory_space<vmem_shared>> -> memref<128x128xf32, #tpu.memory_space<vmem_shared>>
      %dma_start3A_133 = arith.constant 0 : i32
      %dma_start3A_134 = tpu.memref_slice %arg11[%add3A_12, %dma_start3A_133] : memref<10240x128xf32, #tpu.memory_space<vmem_shared>> -> memref<128x128xf32, #tpu.memory_space<vmem_shared>>
      tpu.enqueue_dma source(%arg9 : memref<128x128xf32, #tpu.memory_space<vmem>>) target(%dma_start3A_134 : memref<128x128xf32, #tpu.memory_space<vmem_shared>>) target_semaphore(%run_scoped3A_130 : memref<!tpu.dma_semaphore, #tpu.memory_space<semaphore_mem>>)
      %dma_wait3A_135 = arith.constant 0 : i32
      %dma_wait3A_136 = tpu.memref_slice %arg11[%add3A_12, %dma_wait3A_135] : memref<10240x128xf32, #tpu.memory_space<vmem_shared>> -> memref<128x128xf32, #tpu.memory_space<vmem_shared>>
      %dma_wait3A_137 = arith.constant 0 : i32
      %dma_wait3A_138 = tpu.memref_slice %arg11[%add3A_12, %dma_wait3A_137] : memref<10240x128xf32, #tpu.memory_space<vmem_shared>> -> memref<128x128xf32, #tpu.memory_space<vmem_shared>>
      tpu.wait_dma2 semaphore(%run_scoped3A_130 : memref<!tpu.dma_semaphore, #tpu.memory_space<semaphore_mem>>) src(%arg9 : memref<128x128xf32, #tpu.memory_space<vmem>>) dst(%dma_wait3A_138 : memref<128x128xf32, #tpu.memory_space<vmem_shared>>)
      tpu.yield
    }) : () -> ()
    %mul3A_13 = arith.constant 640 : i32
    %mul3A_14 = arith.muli %arg1, %mul3A_13 : i32
    %add3A_15 = arith.constant 384 : i32
    %add3A_16 = arith.addi %mul3A_14, %add3A_15 : i32
    "tpu.region"() ({
      %run_scoped3A_130 = tpu.sem_alloc : memref<!tpu.dma_semaphore, #tpu.memory_space<semaphore_mem>>
      %dma_start3A_131 = arith.constant 0 : i32
      %dma_start3A_132 = tpu.memref_slice %arg11[%add3A_16, %dma_start3A_131] : memref<10240x128xf32, #tpu.memory_space<vmem_shared>> -> memref<128x128xf32, #tpu.memory_space<vmem_shared>>
      %dma_start3A_133 = arith.constant 0 : i32
      %dma_start3A_134 = tpu.memref_slice %arg11[%add3A_16, %dma_start3A_133] : memref<10240x128xf32, #tpu.memory_space<vmem_shared>> -> memref<128x128xf32, #tpu.memory_space<vmem_shared>>
      tpu.enqueue_dma source(%arg9 : memref<128x128xf32, #tpu.memory_space<vmem>>) target(%dma_start3A_134 : memref<128x128xf32, #tpu.memory_space<vmem_shared>>) target_semaphore(%run_scoped3A_130 : memref<!tpu.dma_semaphore, #tpu.memory_space<semaphore_mem>>)
      %dma_wait3A_135 = arith.constant 0 : i32
      %dma_wait3A_136 = tpu.memref_slice %arg11[%add3A_16, %dma_wait3A_135] : memref<10240x128xf32, #tpu.memory_space<vmem_shared>> -> memref<128x128xf32, #tpu.memory_space<vmem_shared>>
      %dma_wait3A_137 = arith.constant 0 : i32
      %dma_wait3A_138 = tpu.memref_slice %arg11[%add3A_16, %dma_wait3A_137] : memref<10240x128xf32, #tpu.memory_space<vmem_shared>> -> memref<128x128xf32, #tpu.memory_space<vmem_shared>>
      tpu.wait_dma2 semaphore(%run_scoped3A_130 : memref<!tpu.dma_semaphore, #tpu.memory_space<semaphore_mem>>) src(%arg9 : memref<128x128xf32, #tpu.memory_space<vmem>>) dst(%dma_wait3A_138 : memref<128x128xf32, #tpu.memory_space<vmem_shared>>)
      tpu.yield
    }) : () -> ()
    %mul3A_17 = arith.constant 640 : i32
    %mul3A_18 = arith.muli %arg1, %mul3A_17 : i32
    %add3A_19 = arith.constant 512 : i32
    %add3A_20 = arith.addi %mul3A_18, %add3A_19 : i32
    "tpu.region"() ({
      %run_scoped3A_130 = tpu.sem_alloc : memref<!tpu.dma_semaphore, #tpu.memory_space<semaphore_mem>>
      %dma_start3A_131 = arith.constant 0 : i32
      %dma_start3A_132 = tpu.memref_slice %arg11[%add3A_20, %dma_start3A_131] : memref<10240x128xf32, #tpu.memory_space<vmem_shared>> -> memref<128x128xf32, #tpu.memory_space<vmem_shared>>
      %dma_start3A_133 = arith.constant 0 : i32
      %dma_start3A_134 = tpu.memref_slice %arg11[%add3A_20, %dma_start3A_133] : memref<10240x128xf32, #tpu.memory_space<vmem_shared>> -> memref<128x128xf32, #tpu.memory_space<vmem_shared>>
      tpu.enqueue_dma source(%arg9 : memref<128x128xf32, #tpu.memory_space<vmem>>) target(%dma_start3A_134 : memref<128x128xf32, #tpu.memory_space<vmem_shared>>) target_semaphore(%run_scoped3A_130 : memref<!tpu.dma_semaphore, #tpu.memory_space<semaphore_mem>>)
      %dma_wait3A_135 = arith.constant 0 : i32
      %dma_wait3A_136 = tpu.memref_slice %arg11[%add3A_20, %dma_wait3A_135] : memref<10240x128xf32, #tpu.memory_space<vmem_shared>> -> memref<128x128xf32, #tpu.memory_space<vmem_shared>>
      %dma_wait3A_137 = arith.constant 0 : i32
      %dma_wait3A_138 = tpu.memref_slice %arg11[%add3A_20, %dma_wait3A_137] : memref<10240x128xf32, #tpu.memory_space<vmem_shared>> -> memref<128x128xf32, #tpu.memory_space<vmem_shared>>
      tpu.wait_dma2 semaphore(%run_scoped3A_130 : memref<!tpu.dma_semaphore, #tpu.memory_space<semaphore_mem>>) src(%arg9 : memref<128x128xf32, #tpu.memory_space<vmem>>) dst(%dma_wait3A_138 : memref<128x128xf32, #tpu.memory_space<vmem_shared>>)
      tpu.yield
    }) : () -> ()
    %barrier3A = arith.constant 0 : index
    tpu.barrier barrier_id(%barrier3A)
    "tpu.region"() ({
      %run_scoped3A_130 = tpu.sem_alloc : memref<!tpu.dma_semaphore, #tpu.memory_space<semaphore_mem>>
      %dma_start3A_131 = arith.constant 0 : i32
      %dma_start3A_132 = arith.constant 0 : i32
      %dma_start3A_133 = tpu.memref_slice %arg3[%add3A, %dma_start3A_131, %dma_start3A_132] : memref<32x80x128xi32, #tpu.memory_space<hbm>> -> memref<1x40x128xi32, #tpu.memory_space<hbm>>
      %dma_start3A_134 = tpu.memref_squeeze %dma_start3A_133 : memref<1x40x128xi32, #tpu.memory_space<hbm>> -> memref<40x128xi32, #tpu.memory_space<hbm>>
      %dma_start3A_135 = arith.constant 0 : i32
      %dma_start3A_136 = arith.constant 0 : i32
      %dma_start3A_137 = tpu.memref_slice %arg3[%add3A, %dma_start3A_135, %dma_start3A_136] : memref<32x80x128xi32, #tpu.memory_space<hbm>> -> memref<1x40x128xi32, #tpu.memory_space<hbm>>
      %dma_start3A_138 = tpu.memref_squeeze %dma_start3A_137 : memref<1x40x128xi32, #tpu.memory_space<hbm>> -> memref<40x128xi32, #tpu.memory_space<hbm>>
      tpu.enqueue_dma source(%dma_start3A_138 : memref<40x128xi32, #tpu.memory_space<hbm>>) target(%arg7 : memref<40x128xi32, #tpu.memory_space<vmem>>) target_semaphore(%run_scoped3A_130 : memref<!tpu.dma_semaphore, #tpu.memory_space<semaphore_mem>>)
      %dma_wait3A_139 = arith.constant 0 : i32
      %dma_wait3A_140 = arith.constant 0 : i32
      %dma_wait3A_141 = tpu.memref_slice %arg3[%add3A, %dma_wait3A_139, %dma_wait3A_140] : memref<32x80x128xi32, #tpu.memory_space<hbm>> -> memref<1x40x128xi32, #tpu.memory_space<hbm>>
      %dma_wait3A_142 = tpu.memref_squeeze %dma_wait3A_141 : memref<1x40x128xi32, #tpu.memory_space<hbm>> -> memref<40x128xi32, #tpu.memory_space<hbm>>
      %dma_wait3A_143 = arith.constant 0 : i32
      %dma_wait3A_144 = arith.constant 0 : i32
      %dma_wait3A_145 = tpu.memref_slice %arg3[%add3A, %dma_wait3A_143, %dma_wait3A_144] : memref<32x80x128xi32, #tpu.memory_space<hbm>> -> memref<1x40x128xi32, #tpu.memory_space<hbm>>
      %dma_wait3A_146 = tpu.memref_squeeze %dma_wait3A_145 : memref<1x40x128xi32, #tpu.memory_space<hbm>> -> memref<40x128xi32, #tpu.memory_space<hbm>>
      tpu.wait_dma2 semaphore(%run_scoped3A_130 : memref<!tpu.dma_semaphore, #tpu.memory_space<semaphore_mem>>) src(%dma_wait3A_146 : memref<40x128xi32, #tpu.memory_space<hbm>>) dst(%arg7 : memref<40x128xi32, #tpu.memory_space<vmem>>)
      tpu.yield
    }) : () -> ()
    "tpu.region"() ({
      %run_scoped3A_130 = tpu.sem_alloc : memref<!tpu.dma_semaphore, #tpu.memory_space<semaphore_mem>>
      %dma_start3A_131 = arith.constant 0 : i32
      %dma_start3A_132 = arith.constant 0 : i32
      %dma_start3A_133 = tpu.memref_slice %arg4[%add3A, %dma_start3A_131, %dma_start3A_132] : memref<32x80x128xi32, #tpu.memory_space<hbm>> -> memref<1x40x128xi32, #tpu.memory_space<hbm>>
      %dma_start3A_134 = tpu.memref_squeeze %dma_start3A_133 : memref<1x40x128xi32, #tpu.memory_space<hbm>> -> memref<40x128xi32, #tpu.memory_space<hbm>>
      %dma_start3A_135 = arith.constant 0 : i32
      %dma_start3A_136 = arith.constant 0 : i32
      %dma_start3A_137 = tpu.memref_slice %arg4[%add3A, %dma_start3A_135, %dma_start3A_136] : memref<32x80x128xi32, #tpu.memory_space<hbm>> -> memref<1x40x128xi32, #tpu.memory_space<hbm>>
      %dma_start3A_138 = tpu.memref_squeeze %dma_start3A_137 : memref<1x40x128xi32, #tpu.memory_space<hbm>> -> memref<40x128xi32, #tpu.memory_space<hbm>>
      tpu.enqueue_dma source(%dma_start3A_138 : memref<40x128xi32, #tpu.memory_space<hbm>>) target(%arg8 : memref<40x128xi32, #tpu.memory_space<vmem>>) target_semaphore(%run_scoped3A_130 : memref<!tpu.dma_semaphore, #tpu.memory_space<semaphore_mem>>)
      %dma_wait3A_139 = arith.constant 0 : i32
      %dma_wait3A_140 = arith.constant 0 : i32
      %dma_wait3A_141 = tpu.memref_slice %arg4[%add3A, %dma_wait3A_139, %dma_wait3A_140] : memref<32x80x128xi32, #tpu.memory_space<hbm>> -> memref<1x40x128xi32, #tpu.memory_space<hbm>>
      %dma_wait3A_142 = tpu.memref_squeeze %dma_wait3A_141 : memref<1x40x128xi32, #tpu.memory_space<hbm>> -> memref<40x128xi32, #tpu.memory_space<hbm>>
      %dma_wait3A_143 = arith.constant 0 : i32
      %dma_wait3A_144 = arith.constant 0 : i32
      %dma_wait3A_145 = tpu.memref_slice %arg4[%add3A, %dma_wait3A_143, %dma_wait3A_144] : memref<32x80x128xi32, #tpu.memory_space<hbm>> -> memref<1x40x128xi32, #tpu.memory_space<hbm>>
      %dma_wait3A_146 = tpu.memref_squeeze %dma_wait3A_145 : memref<1x40x128xi32, #tpu.memory_space<hbm>> -> memref<40x128xi32, #tpu.memory_space<hbm>>
      tpu.wait_dma2 semaphore(%run_scoped3A_130 : memref<!tpu.dma_semaphore, #tpu.memory_space<semaphore_mem>>) src(%dma_wait3A_146 : memref<40x128xi32, #tpu.memory_space<hbm>>) dst(%arg8 : memref<40x128xi32, #tpu.memory_space<vmem>>)
      tpu.yield
    }) : () -> ()
    %dma_start3A = arith.constant 0 : i32
    %dma_start3A_21 = arith.constant 0 : i32
    %dma_start3A_22 = tpu.memref_slice %arg7[%dma_start3A, %dma_start3A_21] : memref<40x128xi32, #tpu.memory_space<vmem>> -> memref<1x128xi32, #tpu.memory_space<vmem>>
    %dma_start3A_23 = tpu.memref_squeeze %dma_start3A_22 : memref<1x128xi32, #tpu.memory_space<vmem>> -> memref<128xi32, #tpu.memory_space<vmem>>
    %dma_start3A_24 = arith.constant 0 : i32
    %dma_start3A_25 = arith.constant 0 : i32
    %dma_start3A_26 = tpu.memref_slice %arg2[%dma_start3A_24, %dma_start3A_25] : memref<10000x128xf32, #tpu.memory_space<hbm>> -> memref<10000x128xf32, #tpu.memory_space<hbm>>
    tpu.enqueue_indirect_dma source(%dma_start3A_26 : memref<10000x128xf32, #tpu.memory_space<hbm>>) target(%arg9 : memref<128x128xf32, #tpu.memory_space<vmem>>) offsets(%dma_start3A_23 : memref<128xi32, #tpu.memory_space<vmem>>) semaphore(%arg12 : memref<!tpu.dma_semaphore, #tpu.memory_space<semaphore_mem>>)
    %dma_start3A_27 = arith.constant 1 : i32
    %dma_start3A_28 = arith.constant 0 : i32
    %dma_start3A_29 = tpu.memref_slice %arg7[%dma_start3A_27, %dma_start3A_28] : memref<40x128xi32, #tpu.memory_space<vmem>> -> memref<1x128xi32, #tpu.memory_space<vmem>>
    %dma_start3A_30 = tpu.memref_squeeze %dma_start3A_29 : memref<1x128xi32, #tpu.memory_space<vmem>> -> memref<128xi32, #tpu.memory_space<vmem>>
    %dma_start3A_31 = arith.constant 0 : i32
    %dma_start3A_32 = arith.constant 0 : i32
    %dma_start3A_33 = tpu.memref_slice %arg2[%dma_start3A_31, %dma_start3A_32] : memref<10000x128xf32, #tpu.memory_space<hbm>> -> memref<10000x128xf32, #tpu.memory_space<hbm>>
    tpu.enqueue_indirect_dma source(%dma_start3A_33 : memref<10000x128xf32, #tpu.memory_space<hbm>>) target(%arg10 : memref<128x128xf32, #tpu.memory_space<vmem>>) offsets(%dma_start3A_30 : memref<128xi32, #tpu.memory_space<vmem>>) semaphore(%arg13 : memref<!tpu.dma_semaphore, #tpu.memory_space<semaphore_mem>>)
    %scan3A = arith.constant 0 : i32
    %scan3A_34 = arith.constant 0 : i32
    %scan3A_35 = arith.constant 19 : i32
    %scan3A_36 = arith.addi %scan3A_34, %scan3A_35 : i32
    %scan3A_37 = arith.constant 1 : i32
    scf.for %scan3A_130 = %scan3A_34 to %scan3A_36 step %scan3A_37  : i32 {
      %mul3A_131 = arith.constant 2 : i32
      %mul3A_132 = arith.muli %mul3A_131, %scan3A_130 : i32
      %dma_wait3A_133 = arith.constant 0 : i32
      %dma_wait3A_134 = tpu.memref_slice %arg7[%mul3A_132, %dma_wait3A_133] : memref<40x128xi32, #tpu.memory_space<vmem>> -> memref<1x128xi32, #tpu.memory_space<vmem>>
      %dma_wait3A_135 = tpu.memref_squeeze %dma_wait3A_134 : memref<1x128xi32, #tpu.memory_space<vmem>> -> memref<128xi32, #tpu.memory_space<vmem>>
      %dma_wait3A_136 = arith.constant 0 : i32
      %dma_wait3A_137 = arith.constant 0 : i32
      %dma_wait3A_138 = tpu.memref_slice %arg2[%dma_wait3A_136, %dma_wait3A_137] : memref<10000x128xf32, #tpu.memory_space<hbm>> -> memref<10000x128xf32, #tpu.memory_space<hbm>>
      tpu.wait_indirect_dma semaphore(%arg12 : memref<!tpu.dma_semaphore, #tpu.memory_space<semaphore_mem>>) src(%dma_wait3A_138 : memref<10000x128xf32, #tpu.memory_space<hbm>>) dst(%arg9 : memref<128x128xf32, #tpu.memory_space<vmem>>)
      "tpu.region"() ({
        %run_scoped3A_165 = tpu.sem_alloc : memref<!tpu.dma_semaphore, #tpu.memory_space<semaphore_mem>>
        %dma_start3A_166 = arith.constant 0 : i32
        %dma_start3A_167 = tpu.memref_slice %arg8[%mul3A_132, %dma_start3A_166] : memref<40x128xi32, #tpu.memory_space<vmem>> -> memref<1x128xi32, #tpu.memory_space<vmem>>
        %dma_start3A_168 = tpu.memref_squeeze %dma_start3A_167 : memref<1x128xi32, #tpu.memory_space<vmem>> -> memref<128xi32, #tpu.memory_space<vmem>>
        %dma_start3A_169 = arith.constant 0 : i32
        %dma_start3A_170 = arith.constant 0 : i32
        %dma_start3A_171 = tpu.memref_slice %arg11[%dma_start3A_169, %dma_start3A_170] : memref<10240x128xf32, #tpu.memory_space<vmem_shared>> -> memref<10240x128xf32, #tpu.memory_space<vmem_shared>>
        tpu.enqueue_indirect_dma source(%arg9 : memref<128x128xf32, #tpu.memory_space<vmem>>) target(%dma_start3A_171 : memref<10240x128xf32, #tpu.memory_space<vmem_shared>>) offsets(%dma_start3A_168 : memref<128xi32, #tpu.memory_space<vmem>>) semaphore(%run_scoped3A_165 : memref<!tpu.dma_semaphore, #tpu.memory_space<semaphore_mem>>) {add = true}
        %dma_wait3A_172 = arith.constant 0 : i32
        %dma_wait3A_173 = tpu.memref_slice %arg8[%mul3A_132, %dma_wait3A_172] : memref<40x128xi32, #tpu.memory_space<vmem>> -> memref<1x128xi32, #tpu.memory_space<vmem>>
        %dma_wait3A_174 = tpu.memref_squeeze %dma_wait3A_173 : memref<1x128xi32, #tpu.memory_space<vmem>> -> memref<128xi32, #tpu.memory_space<vmem>>
        %dma_wait3A_175 = arith.constant 0 : i32
        %dma_wait3A_176 = arith.constant 0 : i32
        %dma_wait3A_177 = tpu.memref_slice %arg11[%dma_wait3A_175, %dma_wait3A_176] : memref<10240x128xf32, #tpu.memory_space<vmem_shared>> -> memref<10240x128xf32, #tpu.memory_space<vmem_shared>>
        tpu.wait_indirect_dma semaphore(%run_scoped3A_165 : memref<!tpu.dma_semaphore, #tpu.memory_space<semaphore_mem>>) src(%arg9 : memref<128x128xf32, #tpu.memory_space<vmem>>) dst(%dma_wait3A_177 : memref<10240x128xf32, #tpu.memory_space<vmem_shared>>)
        tpu.yield
      }) : () -> ()
      %add3A_139 = arith.constant 2 : i32
      %add3A_140 = arith.addi %mul3A_132, %add3A_139 : i32
      %dma_start3A_141 = arith.constant 0 : i32
      %dma_start3A_142 = tpu.memref_slice %arg7[%add3A_140, %dma_start3A_141] : memref<40x128xi32, #tpu.memory_space<vmem>> -> memref<1x128xi32, #tpu.memory_space<vmem>>
      %dma_start3A_143 = tpu.memref_squeeze %dma_start3A_142 : memref<1x128xi32, #tpu.memory_space<vmem>> -> memref<128xi32, #tpu.memory_space<vmem>>
      %dma_start3A_144 = arith.constant 0 : i32
      %dma_start3A_145 = arith.constant 0 : i32
      %dma_start3A_146 = tpu.memref_slice %arg2[%dma_start3A_144, %dma_start3A_145] : memref<10000x128xf32, #tpu.memory_space<hbm>> -> memref<10000x128xf32, #tpu.memory_space<hbm>>
      tpu.enqueue_indirect_dma source(%dma_start3A_146 : memref<10000x128xf32, #tpu.memory_space<hbm>>) target(%arg9 : memref<128x128xf32, #tpu.memory_space<vmem>>) offsets(%dma_start3A_143 : memref<128xi32, #tpu.memory_space<vmem>>) semaphore(%arg12 : memref<!tpu.dma_semaphore, #tpu.memory_space<semaphore_mem>>)
      %add3A_147 = arith.constant 1 : i32
      %add3A_148 = arith.addi %mul3A_132, %add3A_147 : i32
      %dma_wait3A_149 = arith.constant 0 : i32
      %dma_wait3A_150 = tpu.memref_slice %arg7[%add3A_148, %dma_wait3A_149] : memref<40x128xi32, #tpu.memory_space<vmem>> -> memref<1x128xi32, #tpu.memory_space<vmem>>
      %dma_wait3A_151 = tpu.memref_squeeze %dma_wait3A_150 : memref<1x128xi32, #tpu.memory_space<vmem>> -> memref<128xi32, #tpu.memory_space<vmem>>
      %dma_wait3A_152 = arith.constant 0 : i32
      %dma_wait3A_153 = arith.constant 0 : i32
      %dma_wait3A_154 = tpu.memref_slice %arg2[%dma_wait3A_152, %dma_wait3A_153] : memref<10000x128xf32, #tpu.memory_space<hbm>> -> memref<10000x128xf32, #tpu.memory_space<hbm>>
      tpu.wait_indirect_dma semaphore(%arg13 : memref<!tpu.dma_semaphore, #tpu.memory_space<semaphore_mem>>) src(%dma_wait3A_154 : memref<10000x128xf32, #tpu.memory_space<hbm>>) dst(%arg10 : memref<128x128xf32, #tpu.memory_space<vmem>>)
      %add3A_155 = arith.constant 1 : i32
      %add3A_156 = arith.addi %mul3A_132, %add3A_155 : i32
      "tpu.region"() ({
        %run_scoped3A_165 = tpu.sem_alloc : memref<!tpu.dma_semaphore, #tpu.memory_space<semaphore_mem>>
        %dma_start3A_166 = arith.constant 0 : i32
        %dma_start3A_167 = tpu.memref_slice %arg8[%add3A_156, %dma_start3A_166] : memref<40x128xi32, #tpu.memory_space<vmem>> -> memref<1x128xi32, #tpu.memory_space<vmem>>
        %dma_start3A_168 = tpu.memref_squeeze %dma_start3A_167 : memref<1x128xi32, #tpu.memory_space<vmem>> -> memref<128xi32, #tpu.memory_space<vmem>>
        %dma_start3A_169 = arith.constant 0 : i32
        %dma_start3A_170 = arith.constant 0 : i32
        %dma_start3A_171 = tpu.memref_slice %arg11[%dma_start3A_169, %dma_start3A_170] : memref<10240x128xf32, #tpu.memory_space<vmem_shared>> -> memref<10240x128xf32, #tpu.memory_space<vmem_shared>>
        tpu.enqueue_indirect_dma source(%arg10 : memref<128x128xf32, #tpu.memory_space<vmem>>) target(%dma_start3A_171 : memref<10240x128xf32, #tpu.memory_space<vmem_shared>>) offsets(%dma_start3A_168 : memref<128xi32, #tpu.memory_space<vmem>>) semaphore(%run_scoped3A_165 : memref<!tpu.dma_semaphore, #tpu.memory_space<semaphore_mem>>) {add = true}
        %dma_wait3A_172 = arith.constant 0 : i32
        %dma_wait3A_173 = tpu.memref_slice %arg8[%add3A_156, %dma_wait3A_172] : memref<40x128xi32, #tpu.memory_space<vmem>> -> memref<1x128xi32, #tpu.memory_space<vmem>>
        %dma_wait3A_174 = tpu.memref_squeeze %dma_wait3A_173 : memref<1x128xi32, #tpu.memory_space<vmem>> -> memref<128xi32, #tpu.memory_space<vmem>>
        %dma_wait3A_175 = arith.constant 0 : i32
        %dma_wait3A_176 = arith.constant 0 : i32
        %dma_wait3A_177 = tpu.memref_slice %arg11[%dma_wait3A_175, %dma_wait3A_176] : memref<10240x128xf32, #tpu.memory_space<vmem_shared>> -> memref<10240x128xf32, #tpu.memory_space<vmem_shared>>
        tpu.wait_indirect_dma semaphore(%run_scoped3A_165 : memref<!tpu.dma_semaphore, #tpu.memory_space<semaphore_mem>>) src(%arg10 : memref<128x128xf32, #tpu.memory_space<vmem>>) dst(%dma_wait3A_177 : memref<10240x128xf32, #tpu.memory_space<vmem_shared>>)
        tpu.yield
      }) : () -> ()
      %add3A_157 = arith.constant 3 : i32
      %add3A_158 = arith.addi %mul3A_132, %add3A_157 : i32
      %dma_start3A_159 = arith.constant 0 : i32
      %dma_start3A_160 = tpu.memref_slice %arg7[%add3A_158, %dma_start3A_159] : memref<40x128xi32, #tpu.memory_space<vmem>> -> memref<1x128xi32, #tpu.memory_space<vmem>>
      %dma_start3A_161 = tpu.memref_squeeze %dma_start3A_160 : memref<1x128xi32, #tpu.memory_space<vmem>> -> memref<128xi32, #tpu.memory_space<vmem>>
      %dma_start3A_162 = arith.constant 0 : i32
      %dma_start3A_163 = arith.constant 0 : i32
      %dma_start3A_164 = tpu.memref_slice %arg2[%dma_start3A_162, %dma_start3A_163] : memref<10000x128xf32, #tpu.memory_space<hbm>> -> memref<10000x128xf32, #tpu.memory_space<hbm>>
      tpu.enqueue_indirect_dma source(%dma_start3A_164 : memref<10000x128xf32, #tpu.memory_space<hbm>>) target(%arg10 : memref<128x128xf32, #tpu.memory_space<vmem>>) offsets(%dma_start3A_161 : memref<128xi32, #tpu.memory_space<vmem>>) semaphore(%arg13 : memref<!tpu.dma_semaphore, #tpu.memory_space<semaphore_mem>>)
    }
    %scan3A_38 = arith.constant 19 : i32
    %dma_wait3A = arith.constant 38 : i32
    %dma_wait3A_39 = arith.constant 0 : i32
    %dma_wait3A_40 = tpu.memref_slice %arg7[%dma_wait3A, %dma_wait3A_39] : memref<40x128xi32, #tpu.memory_space<vmem>> -> memref<1x128xi32, #tpu.memory_space<vmem>>
    %dma_wait3A_41 = tpu.memref_squeeze %dma_wait3A_40 : memref<1x128xi32, #tpu.memory_space<vmem>> -> memref<128xi32, #tpu.memory_space<vmem>>
    %dma_wait3A_42 = arith.constant 0 : i32
    %dma_wait3A_43 = arith.constant 0 : i32
    %dma_wait3A_44 = tpu.memref_slice %arg2[%dma_wait3A_42, %dma_wait3A_43] : memref<10000x128xf32, #tpu.memory_space<hbm>> -> memref<10000x128xf32, #tpu.memory_space<hbm>>
    tpu.wait_indirect_dma semaphore(%arg12 : memref<!tpu.dma_semaphore, #tpu.memory_space<semaphore_mem>>) src(%dma_wait3A_44 : memref<10000x128xf32, #tpu.memory_space<hbm>>) dst(%arg9 : memref<128x128xf32, #tpu.memory_space<vmem>>)
    %run_scoped3A = arith.constant 38 : i32
    "tpu.region"() ({
      %run_scoped3A_130 = tpu.sem_alloc : memref<!tpu.dma_semaphore, #tpu.memory_space<semaphore_mem>>
      %dma_start3A_131 = arith.constant 0 : i32
      %dma_start3A_132 = tpu.memref_slice %arg8[%run_scoped3A, %dma_start3A_131] : memref<40x128xi32, #tpu.memory_space<vmem>> -> memref<1x128xi32, #tpu.memory_space<vmem>>
      %dma_start3A_133 = tpu.memref_squeeze %dma_start3A_132 : memref<1x128xi32, #tpu.memory_space<vmem>> -> memref<128xi32, #tpu.memory_space<vmem>>
      %dma_start3A_134 = arith.constant 0 : i32
      %dma_start3A_135 = arith.constant 0 : i32
      %dma_start3A_136 = tpu.memref_slice %arg11[%dma_start3A_134, %dma_start3A_135] : memref<10240x128xf32, #tpu.memory_space<vmem_shared>> -> memref<10240x128xf32, #tpu.memory_space<vmem_shared>>
      tpu.enqueue_indirect_dma source(%arg9 : memref<128x128xf32, #tpu.memory_space<vmem>>) target(%dma_start3A_136 : memref<10240x128xf32, #tpu.memory_space<vmem_shared>>) offsets(%dma_start3A_133 : memref<128xi32, #tpu.memory_space<vmem>>) semaphore(%run_scoped3A_130 : memref<!tpu.dma_semaphore, #tpu.memory_space<semaphore_mem>>) {add = true}
      %dma_wait3A_137 = arith.constant 0 : i32
      %dma_wait3A_138 = tpu.memref_slice %arg8[%run_scoped3A, %dma_wait3A_137] : memref<40x128xi32, #tpu.memory_space<vmem>> -> memref<1x128xi32, #tpu.memory_space<vmem>>
      %dma_wait3A_139 = tpu.memref_squeeze %dma_wait3A_138 : memref<1x128xi32, #tpu.memory_space<vmem>> -> memref<128xi32, #tpu.memory_space<vmem>>
      %dma_wait3A_140 = arith.constant 0 : i32
      %dma_wait3A_141 = arith.constant 0 : i32
      %dma_wait3A_142 = tpu.memref_slice %arg11[%dma_wait3A_140, %dma_wait3A_141] : memref<10240x128xf32, #tpu.memory_space<vmem_shared>> -> memref<10240x128xf32, #tpu.memory_space<vmem_shared>>
      tpu.wait_indirect_dma semaphore(%run_scoped3A_130 : memref<!tpu.dma_semaphore, #tpu.memory_space<semaphore_mem>>) src(%arg9 : memref<128x128xf32, #tpu.memory_space<vmem>>) dst(%dma_wait3A_142 : memref<10240x128xf32, #tpu.memory_space<vmem_shared>>)
      tpu.yield
    }) : () -> ()
    %dma_wait3A_45 = arith.constant 39 : i32
    %dma_wait3A_46 = arith.constant 0 : i32
    %dma_wait3A_47 = tpu.memref_slice %arg7[%dma_wait3A_45, %dma_wait3A_46] : memref<40x128xi32, #tpu.memory_space<vmem>> -> memref<1x128xi32, #tpu.memory_space<vmem>>
    %dma_wait3A_48 = tpu.memref_squeeze %dma_wait3A_47 : memref<1x128xi32, #tpu.memory_space<vmem>> -> memref<128xi32, #tpu.memory_space<vmem>>
    %dma_wait3A_49 = arith.constant 0 : i32
    %dma_wait3A_50 = arith.constant 0 : i32
    %dma_wait3A_51 = tpu.memref_slice %arg2[%dma_wait3A_49, %dma_wait3A_50] : memref<10000x128xf32, #tpu.memory_space<hbm>> -> memref<10000x128xf32, #tpu.memory_space<hbm>>
    tpu.wait_indirect_dma semaphore(%arg13 : memref<!tpu.dma_semaphore, #tpu.memory_space<semaphore_mem>>) src(%dma_wait3A_51 : memref<10000x128xf32, #tpu.memory_space<hbm>>) dst(%arg10 : memref<128x128xf32, #tpu.memory_space<vmem>>)
    %run_scoped3A_52 = arith.constant 39 : i32
    "tpu.region"() ({
      %run_scoped3A_130 = tpu.sem_alloc : memref<!tpu.dma_semaphore, #tpu.memory_space<semaphore_mem>>
      %dma_start3A_131 = arith.constant 0 : i32
      %dma_start3A_132 = tpu.memref_slice %arg8[%run_scoped3A_52, %dma_start3A_131] : memref<40x128xi32, #tpu.memory_space<vmem>> -> memref<1x128xi32, #tpu.memory_space<vmem>>
      %dma_start3A_133 = tpu.memref_squeeze %dma_start3A_132 : memref<1x128xi32, #tpu.memory_space<vmem>> -> memref<128xi32, #tpu.memory_space<vmem>>
      %dma_start3A_134 = arith.constant 0 : i32
      %dma_start3A_135 = arith.constant 0 : i32
      %dma_start3A_136 = tpu.memref_slice %arg11[%dma_start3A_134, %dma_start3A_135] : memref<10240x128xf32, #tpu.memory_space<vmem_shared>> -> memref<10240x128xf32, #tpu.memory_space<vmem_shared>>
      tpu.enqueue_indirect_dma source(%arg10 : memref<128x128xf32, #tpu.memory_space<vmem>>) target(%dma_start3A_136 : memref<10240x128xf32, #tpu.memory_space<vmem_shared>>) offsets(%dma_start3A_133 : memref<128xi32, #tpu.memory_space<vmem>>) semaphore(%run_scoped3A_130 : memref<!tpu.dma_semaphore, #tpu.memory_space<semaphore_mem>>) {add = true}
      %dma_wait3A_137 = arith.constant 0 : i32
      %dma_wait3A_138 = tpu.memref_slice %arg8[%run_scoped3A_52, %dma_wait3A_137] : memref<40x128xi32, #tpu.memory_space<vmem>> -> memref<1x128xi32, #tpu.memory_space<vmem>>
      %dma_wait3A_139 = tpu.memref_squeeze %dma_wait3A_138 : memref<1x128xi32, #tpu.memory_space<vmem>> -> memref<128xi32, #tpu.memory_space<vmem>>
      %dma_wait3A_140 = arith.constant 0 : i32
      %dma_wait3A_141 = arith.constant 0 : i32
      %dma_wait3A_142 = tpu.memref_slice %arg11[%dma_wait3A_140, %dma_wait3A_141] : memref<10240x128xf32, #tpu.memory_space<vmem_shared>> -> memref<10240x128xf32, #tpu.memory_space<vmem_shared>>
      tpu.wait_indirect_dma semaphore(%run_scoped3A_130 : memref<!tpu.dma_semaphore, #tpu.memory_space<semaphore_mem>>) src(%arg10 : memref<128x128xf32, #tpu.memory_space<vmem>>) dst(%dma_wait3A_142 : memref<10240x128xf32, #tpu.memory_space<vmem_shared>>)
      tpu.yield
    }) : () -> ()
    "tpu.region"() ({
      %run_scoped3A_130 = tpu.sem_alloc : memref<!tpu.dma_semaphore, #tpu.memory_space<semaphore_mem>>
      %dma_start3A_131 = arith.constant 40 : i32
      %dma_start3A_132 = arith.constant 0 : i32
      %dma_start3A_133 = tpu.memref_slice %arg3[%add3A, %dma_start3A_131, %dma_start3A_132] : memref<32x80x128xi32, #tpu.memory_space<hbm>> -> memref<1x40x128xi32, #tpu.memory_space<hbm>>
      %dma_start3A_134 = tpu.memref_squeeze %dma_start3A_133 : memref<1x40x128xi32, #tpu.memory_space<hbm>> -> memref<40x128xi32, #tpu.memory_space<hbm>>
      %dma_start3A_135 = arith.constant 40 : i32
      %dma_start3A_136 = arith.constant 0 : i32
      %dma_start3A_137 = tpu.memref_slice %arg3[%add3A, %dma_start3A_135, %dma_start3A_136] : memref<32x80x128xi32, #tpu.memory_space<hbm>> -> memref<1x40x128xi32, #tpu.memory_space<hbm>>
      %dma_start3A_138 = tpu.memref_squeeze %dma_start3A_137 : memref<1x40x128xi32, #tpu.memory_space<hbm>> -> memref<40x128xi32, #tpu.memory_space<hbm>>
      tpu.enqueue_dma source(%dma_start3A_138 : memref<40x128xi32, #tpu.memory_space<hbm>>) target(%arg7 : memref<40x128xi32, #tpu.memory_space<vmem>>) target_semaphore(%run_scoped3A_130 : memref<!tpu.dma_semaphore, #tpu.memory_space<semaphore_mem>>)
      %dma_wait3A_139 = arith.constant 40 : i32
      %dma_wait3A_140 = arith.constant 0 : i32
      %dma_wait3A_141 = tpu.memref_slice %arg3[%add3A, %dma_wait3A_139, %dma_wait3A_140] : memref<32x80x128xi32, #tpu.memory_space<hbm>> -> memref<1x40x128xi32, #tpu.memory_space<hbm>>
      %dma_wait3A_142 = tpu.memref_squeeze %dma_wait3A_141 : memref<1x40x128xi32, #tpu.memory_space<hbm>> -> memref<40x128xi32, #tpu.memory_space<hbm>>
      %dma_wait3A_143 = arith.constant 40 : i32
      %dma_wait3A_144 = arith.constant 0 : i32
      %dma_wait3A_145 = tpu.memref_slice %arg3[%add3A, %dma_wait3A_143, %dma_wait3A_144] : memref<32x80x128xi32, #tpu.memory_space<hbm>> -> memref<1x40x128xi32, #tpu.memory_space<hbm>>
      %dma_wait3A_146 = tpu.memref_squeeze %dma_wait3A_145 : memref<1x40x128xi32, #tpu.memory_space<hbm>> -> memref<40x128xi32, #tpu.memory_space<hbm>>
      tpu.wait_dma2 semaphore(%run_scoped3A_130 : memref<!tpu.dma_semaphore, #tpu.memory_space<semaphore_mem>>) src(%dma_wait3A_146 : memref<40x128xi32, #tpu.memory_space<hbm>>) dst(%arg7 : memref<40x128xi32, #tpu.memory_space<vmem>>)
      tpu.yield
    }) : () -> ()
    "tpu.region"() ({
      %run_scoped3A_130 = tpu.sem_alloc : memref<!tpu.dma_semaphore, #tpu.memory_space<semaphore_mem>>
      %dma_start3A_131 = arith.constant 40 : i32
      %dma_start3A_132 = arith.constant 0 : i32
      %dma_start3A_133 = tpu.memref_slice %arg4[%add3A, %dma_start3A_131, %dma_start3A_132] : memref<32x80x128xi32, #tpu.memory_space<hbm>> -> memref<1x40x128xi32, #tpu.memory_space<hbm>>
      %dma_start3A_134 = tpu.memref_squeeze %dma_start3A_133 : memref<1x40x128xi32, #tpu.memory_space<hbm>> -> memref<40x128xi32, #tpu.memory_space<hbm>>
      %dma_start3A_135 = arith.constant 40 : i32
      %dma_start3A_136 = arith.constant 0 : i32
      %dma_start3A_137 = tpu.memref_slice %arg4[%add3A, %dma_start3A_135, %dma_start3A_136] : memref<32x80x128xi32, #tpu.memory_space<hbm>> -> memref<1x40x128xi32, #tpu.memory_space<hbm>>
      %dma_start3A_138 = tpu.memref_squeeze %dma_start3A_137 : memref<1x40x128xi32, #tpu.memory_space<hbm>> -> memref<40x128xi32, #tpu.memory_space<hbm>>
      tpu.enqueue_dma source(%dma_start3A_138 : memref<40x128xi32, #tpu.memory_space<hbm>>) target(%arg8 : memref<40x128xi32, #tpu.memory_space<vmem>>) target_semaphore(%run_scoped3A_130 : memref<!tpu.dma_semaphore, #tpu.memory_space<semaphore_mem>>)
      %dma_wait3A_139 = arith.constant 40 : i32
      %dma_wait3A_140 = arith.constant 0 : i32
      %dma_wait3A_141 = tpu.memref_slice %arg4[%add3A, %dma_wait3A_139, %dma_wait3A_140] : memref<32x80x128xi32, #tpu.memory_space<hbm>> -> memref<1x40x128xi32, #tpu.memory_space<hbm>>
      %dma_wait3A_142 = tpu.memref_squeeze %dma_wait3A_141 : memref<1x40x128xi32, #tpu.memory_space<hbm>> -> memref<40x128xi32, #tpu.memory_space<hbm>>
      %dma_wait3A_143 = arith.constant 40 : i32
      %dma_wait3A_144 = arith.constant 0 : i32
      %dma_wait3A_145 = tpu.memref_slice %arg4[%add3A, %dma_wait3A_143, %dma_wait3A_144] : memref<32x80x128xi32, #tpu.memory_space<hbm>> -> memref<1x40x128xi32, #tpu.memory_space<hbm>>
      %dma_wait3A_146 = tpu.memref_squeeze %dma_wait3A_145 : memref<1x40x128xi32, #tpu.memory_space<hbm>> -> memref<40x128xi32, #tpu.memory_space<hbm>>
      tpu.wait_dma2 semaphore(%run_scoped3A_130 : memref<!tpu.dma_semaphore, #tpu.memory_space<semaphore_mem>>) src(%dma_wait3A_146 : memref<40x128xi32, #tpu.memory_space<hbm>>) dst(%arg8 : memref<40x128xi32, #tpu.memory_space<vmem>>)
      tpu.yield
    }) : () -> ()
    %dma_start3A_53 = arith.constant 0 : i32
    %dma_start3A_54 = arith.constant 0 : i32
    %dma_start3A_55 = tpu.memref_slice %arg7[%dma_start3A_53, %dma_start3A_54] : memref<40x128xi32, #tpu.memory_space<vmem>> -> memref<1x128xi32, #tpu.memory_space<vmem>>
    %dma_start3A_56 = tpu.memref_squeeze %dma_start3A_55 : memref<1x128xi32, #tpu.memory_space<vmem>> -> memref<128xi32, #tpu.memory_space<vmem>>
    %dma_start3A_57 = arith.constant 0 : i32
    %dma_start3A_58 = arith.constant 0 : i32
    %dma_start3A_59 = tpu.memref_slice %arg2[%dma_start3A_57, %dma_start3A_58] : memref<10000x128xf32, #tpu.memory_space<hbm>> -> memref<10000x128xf32, #tpu.memory_space<hbm>>
    tpu.enqueue_indirect_dma source(%dma_start3A_59 : memref<10000x128xf32, #tpu.memory_space<hbm>>) target(%arg9 : memref<128x128xf32, #tpu.memory_space<vmem>>) offsets(%dma_start3A_56 : memref<128xi32, #tpu.memory_space<vmem>>) semaphore(%arg12 : memref<!tpu.dma_semaphore, #tpu.memory_space<semaphore_mem>>)
    %dma_start3A_60 = arith.constant 1 : i32
    %dma_start3A_61 = arith.constant 0 : i32
    %dma_start3A_62 = tpu.memref_slice %arg7[%dma_start3A_60, %dma_start3A_61] : memref<40x128xi32, #tpu.memory_space<vmem>> -> memref<1x128xi32, #tpu.memory_space<vmem>>
    %dma_start3A_63 = tpu.memref_squeeze %dma_start3A_62 : memref<1x128xi32, #tpu.memory_space<vmem>> -> memref<128xi32, #tpu.memory_space<vmem>>
    %dma_start3A_64 = arith.constant 0 : i32
    %dma_start3A_65 = arith.constant 0 : i32
    %dma_start3A_66 = tpu.memref_slice %arg2[%dma_start3A_64, %dma_start3A_65] : memref<10000x128xf32, #tpu.memory_space<hbm>> -> memref<10000x128xf32, #tpu.memory_space<hbm>>
    tpu.enqueue_indirect_dma source(%dma_start3A_66 : memref<10000x128xf32, #tpu.memory_space<hbm>>) target(%arg10 : memref<128x128xf32, #tpu.memory_space<vmem>>) offsets(%dma_start3A_63 : memref<128xi32, #tpu.memory_space<vmem>>) semaphore(%arg13 : memref<!tpu.dma_semaphore, #tpu.memory_space<semaphore_mem>>)
    %scan3A_67 = arith.constant 0 : i32
    %scan3A_68 = arith.constant 0 : i32
    %scan3A_69 = arith.constant 19 : i32
    %scan3A_70 = arith.addi %scan3A_68, %scan3A_69 : i32
    %scan3A_71 = arith.constant 1 : i32
    scf.for %scan3A_130 = %scan3A_68 to %scan3A_70 step %scan3A_71  : i32 {
      %mul3A_131 = arith.constant 2 : i32
      %mul3A_132 = arith.muli %mul3A_131, %scan3A_130 : i32
      %dma_wait3A_133 = arith.constant 0 : i32
      %dma_wait3A_134 = tpu.memref_slice %arg7[%mul3A_132, %dma_wait3A_133] : memref<40x128xi32, #tpu.memory_space<vmem>> -> memref<1x128xi32, #tpu.memory_space<vmem>>
      %dma_wait3A_135 = tpu.memref_squeeze %dma_wait3A_134 : memref<1x128xi32, #tpu.memory_space<vmem>> -> memref<128xi32, #tpu.memory_space<vmem>>
      %dma_wait3A_136 = arith.constant 0 : i32
      %dma_wait3A_137 = arith.constant 0 : i32
      %dma_wait3A_138 = tpu.memref_slice %arg2[%dma_wait3A_136, %dma_wait3A_137] : memref<10000x128xf32, #tpu.memory_space<hbm>> -> memref<10000x128xf32, #tpu.memory_space<hbm>>
      tpu.wait_indirect_dma semaphore(%arg12 : memref<!tpu.dma_semaphore, #tpu.memory_space<semaphore_mem>>) src(%dma_wait3A_138 : memref<10000x128xf32, #tpu.memory_space<hbm>>) dst(%arg9 : memref<128x128xf32, #tpu.memory_space<vmem>>)
      "tpu.region"() ({
        %run_scoped3A_165 = tpu.sem_alloc : memref<!tpu.dma_semaphore, #tpu.memory_space<semaphore_mem>>
        %dma_start3A_166 = arith.constant 0 : i32
        %dma_start3A_167 = tpu.memref_slice %arg8[%mul3A_132, %dma_start3A_166] : memref<40x128xi32, #tpu.memory_space<vmem>> -> memref<1x128xi32, #tpu.memory_space<vmem>>
        %dma_start3A_168 = tpu.memref_squeeze %dma_start3A_167 : memref<1x128xi32, #tpu.memory_space<vmem>> -> memref<128xi32, #tpu.memory_space<vmem>>
        %dma_start3A_169 = arith.constant 0 : i32
        %dma_start3A_170 = arith.constant 0 : i32
        %dma_start3A_171 = tpu.memref_slice %arg11[%dma_start3A_169, %dma_start3A_170] : memref<10240x128xf32, #tpu.memory_space<vmem_shared>> -> memref<10240x128xf32, #tpu.memory_space<vmem_shared>>
        tpu.enqueue_indirect_dma source(%arg9 : memref<128x128xf32, #tpu.memory_space<vmem>>) target(%dma_start3A_171 : memref<10240x128xf32, #tpu.memory_space<vmem_shared>>) offsets(%dma_start3A_168 : memref<128xi32, #tpu.memory_space<vmem>>) semaphore(%run_scoped3A_165 : memref<!tpu.dma_semaphore, #tpu.memory_space<semaphore_mem>>) {add = true}
        %dma_wait3A_172 = arith.constant 0 : i32
        %dma_wait3A_173 = tpu.memref_slice %arg8[%mul3A_132, %dma_wait3A_172] : memref<40x128xi32, #tpu.memory_space<vmem>> -> memref<1x128xi32, #tpu.memory_space<vmem>>
        %dma_wait3A_174 = tpu.memref_squeeze %dma_wait3A_173 : memref<1x128xi32, #tpu.memory_space<vmem>> -> memref<128xi32, #tpu.memory_space<vmem>>
        %dma_wait3A_175 = arith.constant 0 : i32
        %dma_wait3A_176 = arith.constant 0 : i32
        %dma_wait3A_177 = tpu.memref_slice %arg11[%dma_wait3A_175, %dma_wait3A_176] : memref<10240x128xf32, #tpu.memory_space<vmem_shared>> -> memref<10240x128xf32, #tpu.memory_space<vmem_shared>>
        tpu.wait_indirect_dma semaphore(%run_scoped3A_165 : memref<!tpu.dma_semaphore, #tpu.memory_space<semaphore_mem>>) src(%arg9 : memref<128x128xf32, #tpu.memory_space<vmem>>) dst(%dma_wait3A_177 : memref<10240x128xf32, #tpu.memory_space<vmem_shared>>)
        tpu.yield
      }) : () -> ()
      %add3A_139 = arith.constant 2 : i32
      %add3A_140 = arith.addi %mul3A_132, %add3A_139 : i32
      %dma_start3A_141 = arith.constant 0 : i32
      %dma_start3A_142 = tpu.memref_slice %arg7[%add3A_140, %dma_start3A_141] : memref<40x128xi32, #tpu.memory_space<vmem>> -> memref<1x128xi32, #tpu.memory_space<vmem>>
      %dma_start3A_143 = tpu.memref_squeeze %dma_start3A_142 : memref<1x128xi32, #tpu.memory_space<vmem>> -> memref<128xi32, #tpu.memory_space<vmem>>
      %dma_start3A_144 = arith.constant 0 : i32
      %dma_start3A_145 = arith.constant 0 : i32
      %dma_start3A_146 = tpu.memref_slice %arg2[%dma_start3A_144, %dma_start3A_145] : memref<10000x128xf32, #tpu.memory_space<hbm>> -> memref<10000x128xf32, #tpu.memory_space<hbm>>
      tpu.enqueue_indirect_dma source(%dma_start3A_146 : memref<10000x128xf32, #tpu.memory_space<hbm>>) target(%arg9 : memref<128x128xf32, #tpu.memory_space<vmem>>) offsets(%dma_start3A_143 : memref<128xi32, #tpu.memory_space<vmem>>) semaphore(%arg12 : memref<!tpu.dma_semaphore, #tpu.memory_space<semaphore_mem>>)
      %add3A_147 = arith.constant 1 : i32
      %add3A_148 = arith.addi %mul3A_132, %add3A_147 : i32
      %dma_wait3A_149 = arith.constant 0 : i32
      %dma_wait3A_150 = tpu.memref_slice %arg7[%add3A_148, %dma_wait3A_149] : memref<40x128xi32, #tpu.memory_space<vmem>> -> memref<1x128xi32, #tpu.memory_space<vmem>>
      %dma_wait3A_151 = tpu.memref_squeeze %dma_wait3A_150 : memref<1x128xi32, #tpu.memory_space<vmem>> -> memref<128xi32, #tpu.memory_space<vmem>>
      %dma_wait3A_152 = arith.constant 0 : i32
      %dma_wait3A_153 = arith.constant 0 : i32
      %dma_wait3A_154 = tpu.memref_slice %arg2[%dma_wait3A_152, %dma_wait3A_153] : memref<10000x128xf32, #tpu.memory_space<hbm>> -> memref<10000x128xf32, #tpu.memory_space<hbm>>
      tpu.wait_indirect_dma semaphore(%arg13 : memref<!tpu.dma_semaphore, #tpu.memory_space<semaphore_mem>>) src(%dma_wait3A_154 : memref<10000x128xf32, #tpu.memory_space<hbm>>) dst(%arg10 : memref<128x128xf32, #tpu.memory_space<vmem>>)
      %add3A_155 = arith.constant 1 : i32
      %add3A_156 = arith.addi %mul3A_132, %add3A_155 : i32
      "tpu.region"() ({
        %run_scoped3A_165 = tpu.sem_alloc : memref<!tpu.dma_semaphore, #tpu.memory_space<semaphore_mem>>
        %dma_start3A_166 = arith.constant 0 : i32
        %dma_start3A_167 = tpu.memref_slice %arg8[%add3A_156, %dma_start3A_166] : memref<40x128xi32, #tpu.memory_space<vmem>> -> memref<1x128xi32, #tpu.memory_space<vmem>>
        %dma_start3A_168 = tpu.memref_squeeze %dma_start3A_167 : memref<1x128xi32, #tpu.memory_space<vmem>> -> memref<128xi32, #tpu.memory_space<vmem>>
        %dma_start3A_169 = arith.constant 0 : i32
        %dma_start3A_170 = arith.constant 0 : i32
        %dma_start3A_171 = tpu.memref_slice %arg11[%dma_start3A_169, %dma_start3A_170] : memref<10240x128xf32, #tpu.memory_space<vmem_shared>> -> memref<10240x128xf32, #tpu.memory_space<vmem_shared>>
        tpu.enqueue_indirect_dma source(%arg10 : memref<128x128xf32, #tpu.memory_space<vmem>>) target(%dma_start3A_171 : memref<10240x128xf32, #tpu.memory_space<vmem_shared>>) offsets(%dma_start3A_168 : memref<128xi32, #tpu.memory_space<vmem>>) semaphore(%run_scoped3A_165 : memref<!tpu.dma_semaphore, #tpu.memory_space<semaphore_mem>>) {add = true}
        %dma_wait3A_172 = arith.constant 0 : i32
        %dma_wait3A_173 = tpu.memref_slice %arg8[%add3A_156, %dma_wait3A_172] : memref<40x128xi32, #tpu.memory_space<vmem>> -> memref<1x128xi32, #tpu.memory_space<vmem>>
        %dma_wait3A_174 = tpu.memref_squeeze %dma_wait3A_173 : memref<1x128xi32, #tpu.memory_space<vmem>> -> memref<128xi32, #tpu.memory_space<vmem>>
        %dma_wait3A_175 = arith.constant 0 : i32
        %dma_wait3A_176 = arith.constant 0 : i32
        %dma_wait3A_177 = tpu.memref_slice %arg11[%dma_wait3A_175, %dma_wait3A_176] : memref<10240x128xf32, #tpu.memory_space<vmem_shared>> -> memref<10240x128xf32, #tpu.memory_space<vmem_shared>>
        tpu.wait_indirect_dma semaphore(%run_scoped3A_165 : memref<!tpu.dma_semaphore, #tpu.memory_space<semaphore_mem>>) src(%arg10 : memref<128x128xf32, #tpu.memory_space<vmem>>) dst(%dma_wait3A_177 : memref<10240x128xf32, #tpu.memory_space<vmem_shared>>)
        tpu.yield
      }) : () -> ()
      %add3A_157 = arith.constant 3 : i32
      %add3A_158 = arith.addi %mul3A_132, %add3A_157 : i32
      %dma_start3A_159 = arith.constant 0 : i32
      %dma_start3A_160 = tpu.memref_slice %arg7[%add3A_158, %dma_start3A_159] : memref<40x128xi32, #tpu.memory_space<vmem>> -> memref<1x128xi32, #tpu.memory_space<vmem>>
      %dma_start3A_161 = tpu.memref_squeeze %dma_start3A_160 : memref<1x128xi32, #tpu.memory_space<vmem>> -> memref<128xi32, #tpu.memory_space<vmem>>
      %dma_start3A_162 = arith.constant 0 : i32
      %dma_start3A_163 = arith.constant 0 : i32
      %dma_start3A_164 = tpu.memref_slice %arg2[%dma_start3A_162, %dma_start3A_163] : memref<10000x128xf32, #tpu.memory_space<hbm>> -> memref<10000x128xf32, #tpu.memory_space<hbm>>
      tpu.enqueue_indirect_dma source(%dma_start3A_164 : memref<10000x128xf32, #tpu.memory_space<hbm>>) target(%arg10 : memref<128x128xf32, #tpu.memory_space<vmem>>) offsets(%dma_start3A_161 : memref<128xi32, #tpu.memory_space<vmem>>) semaphore(%arg13 : memref<!tpu.dma_semaphore, #tpu.memory_space<semaphore_mem>>)
    }
    %scan3A_72 = arith.constant 19 : i32
    %dma_wait3A_73 = arith.constant 38 : i32
    %dma_wait3A_74 = arith.constant 0 : i32
    %dma_wait3A_75 = tpu.memref_slice %arg7[%dma_wait3A_73, %dma_wait3A_74] : memref<40x128xi32, #tpu.memory_space<vmem>> -> memref<1x128xi32, #tpu.memory_space<vmem>>
    %dma_wait3A_76 = tpu.memref_squeeze %dma_wait3A_75 : memref<1x128xi32, #tpu.memory_space<vmem>> -> memref<128xi32, #tpu.memory_space<vmem>>
    %dma_wait3A_77 = arith.constant 0 : i32
    %dma_wait3A_78 = arith.constant 0 : i32
    %dma_wait3A_79 = tpu.memref_slice %arg2[%dma_wait3A_77, %dma_wait3A_78] : memref<10000x128xf32, #tpu.memory_space<hbm>> -> memref<10000x128xf32, #tpu.memory_space<hbm>>
    tpu.wait_indirect_dma semaphore(%arg12 : memref<!tpu.dma_semaphore, #tpu.memory_space<semaphore_mem>>) src(%dma_wait3A_79 : memref<10000x128xf32, #tpu.memory_space<hbm>>) dst(%arg9 : memref<128x128xf32, #tpu.memory_space<vmem>>)
    %run_scoped3A_80 = arith.constant 38 : i32
    "tpu.region"() ({
      %run_scoped3A_130 = tpu.sem_alloc : memref<!tpu.dma_semaphore, #tpu.memory_space<semaphore_mem>>
      %dma_start3A_131 = arith.constant 0 : i32
      %dma_start3A_132 = tpu.memref_slice %arg8[%run_scoped3A_80, %dma_start3A_131] : memref<40x128xi32, #tpu.memory_space<vmem>> -> memref<1x128xi32, #tpu.memory_space<vmem>>
      %dma_start3A_133 = tpu.memref_squeeze %dma_start3A_132 : memref<1x128xi32, #tpu.memory_space<vmem>> -> memref<128xi32, #tpu.memory_space<vmem>>
      %dma_start3A_134 = arith.constant 0 : i32
      %dma_start3A_135 = arith.constant 0 : i32
      %dma_start3A_136 = tpu.memref_slice %arg11[%dma_start3A_134, %dma_start3A_135] : memref<10240x128xf32, #tpu.memory_space<vmem_shared>> -> memref<10240x128xf32, #tpu.memory_space<vmem_shared>>
      tpu.enqueue_indirect_dma source(%arg9 : memref<128x128xf32, #tpu.memory_space<vmem>>) target(%dma_start3A_136 : memref<10240x128xf32, #tpu.memory_space<vmem_shared>>) offsets(%dma_start3A_133 : memref<128xi32, #tpu.memory_space<vmem>>) semaphore(%run_scoped3A_130 : memref<!tpu.dma_semaphore, #tpu.memory_space<semaphore_mem>>) {add = true}
      %dma_wait3A_137 = arith.constant 0 : i32
      %dma_wait3A_138 = tpu.memref_slice %arg8[%run_scoped3A_80, %dma_wait3A_137] : memref<40x128xi32, #tpu.memory_space<vmem>> -> memref<1x128xi32, #tpu.memory_space<vmem>>
      %dma_wait3A_139 = tpu.memref_squeeze %dma_wait3A_138 : memref<1x128xi32, #tpu.memory_space<vmem>> -> memref<128xi32, #tpu.memory_space<vmem>>
      %dma_wait3A_140 = arith.constant 0 : i32
      %dma_wait3A_141 = arith.constant 0 : i32
      %dma_wait3A_142 = tpu.memref_slice %arg11[%dma_wait3A_140, %dma_wait3A_141] : memref<10240x128xf32, #tpu.memory_space<vmem_shared>> -> memref<10240x128xf32, #tpu.memory_space<vmem_shared>>
      tpu.wait_indirect_dma semaphore(%run_scoped3A_130 : memref<!tpu.dma_semaphore, #tpu.memory_space<semaphore_mem>>) src(%arg9 : memref<128x128xf32, #tpu.memory_space<vmem>>) dst(%dma_wait3A_142 : memref<10240x128xf32, #tpu.memory_space<vmem_shared>>)
      tpu.yield
    }) : () -> ()
    %dma_wait3A_81 = arith.constant 39 : i32
    %dma_wait3A_82 = arith.constant 0 : i32
    %dma_wait3A_83 = tpu.memref_slice %arg7[%dma_wait3A_81, %dma_wait3A_82] : memref<40x128xi32, #tpu.memory_space<vmem>> -> memref<1x128xi32, #tpu.memory_space<vmem>>
    %dma_wait3A_84 = tpu.memref_squeeze %dma_wait3A_83 : memref<1x128xi32, #tpu.memory_space<vmem>> -> memref<128xi32, #tpu.memory_space<vmem>>
    %dma_wait3A_85 = arith.constant 0 : i32
    %dma_wait3A_86 = arith.constant 0 : i32
    %dma_wait3A_87 = tpu.memref_slice %arg2[%dma_wait3A_85, %dma_wait3A_86] : memref<10000x128xf32, #tpu.memory_space<hbm>> -> memref<10000x128xf32, #tpu.memory_space<hbm>>
    tpu.wait_indirect_dma semaphore(%arg13 : memref<!tpu.dma_semaphore, #tpu.memory_space<semaphore_mem>>) src(%dma_wait3A_87 : memref<10000x128xf32, #tpu.memory_space<hbm>>) dst(%arg10 : memref<128x128xf32, #tpu.memory_space<vmem>>)
    %run_scoped3A_88 = arith.constant 39 : i32
    "tpu.region"() ({
      %run_scoped3A_130 = tpu.sem_alloc : memref<!tpu.dma_semaphore, #tpu.memory_space<semaphore_mem>>
      %dma_start3A_131 = arith.constant 0 : i32
      %dma_start3A_132 = tpu.memref_slice %arg8[%run_scoped3A_88, %dma_start3A_131] : memref<40x128xi32, #tpu.memory_space<vmem>> -> memref<1x128xi32, #tpu.memory_space<vmem>>
      %dma_start3A_133 = tpu.memref_squeeze %dma_start3A_132 : memref<1x128xi32, #tpu.memory_space<vmem>> -> memref<128xi32, #tpu.memory_space<vmem>>
      %dma_start3A_134 = arith.constant 0 : i32
      %dma_start3A_135 = arith.constant 0 : i32
      %dma_start3A_136 = tpu.memref_slice %arg11[%dma_start3A_134, %dma_start3A_135] : memref<10240x128xf32, #tpu.memory_space<vmem_shared>> -> memref<10240x128xf32, #tpu.memory_space<vmem_shared>>
      tpu.enqueue_indirect_dma source(%arg10 : memref<128x128xf32, #tpu.memory_space<vmem>>) target(%dma_start3A_136 : memref<10240x128xf32, #tpu.memory_space<vmem_shared>>) offsets(%dma_start3A_133 : memref<128xi32, #tpu.memory_space<vmem>>) semaphore(%run_scoped3A_130 : memref<!tpu.dma_semaphore, #tpu.memory_space<semaphore_mem>>) {add = true}
      %dma_wait3A_137 = arith.constant 0 : i32
      %dma_wait3A_138 = tpu.memref_slice %arg8[%run_scoped3A_88, %dma_wait3A_137] : memref<40x128xi32, #tpu.memory_space<vmem>> -> memref<1x128xi32, #tpu.memory_space<vmem>>
      %dma_wait3A_139 = tpu.memref_squeeze %dma_wait3A_138 : memref<1x128xi32, #tpu.memory_space<vmem>> -> memref<128xi32, #tpu.memory_space<vmem>>
      %dma_wait3A_140 = arith.constant 0 : i32
      %dma_wait3A_141 = arith.constant 0 : i32
      %dma_wait3A_142 = tpu.memref_slice %arg11[%dma_wait3A_140, %dma_wait3A_141] : memref<10240x128xf32, #tpu.memory_space<vmem_shared>> -> memref<10240x128xf32, #tpu.memory_space<vmem_shared>>
      tpu.wait_indirect_dma semaphore(%run_scoped3A_130 : memref<!tpu.dma_semaphore, #tpu.memory_space<semaphore_mem>>) src(%arg10 : memref<128x128xf32, #tpu.memory_space<vmem>>) dst(%dma_wait3A_142 : memref<10240x128xf32, #tpu.memory_space<vmem_shared>>)
      tpu.yield
    }) : () -> ()
    %barrier3A_89 = arith.constant 0 : index
    tpu.barrier barrier_id(%barrier3A_89)
    %mul3A_90 = arith.constant 640 : i32
    %mul3A_91 = arith.muli %arg1, %mul3A_90 : i32
    %add3A_92 = arith.constant 0 : i32
    %add3A_93 = arith.addi %mul3A_91, %add3A_92 : i32
    "tpu.region"() ({
      %run_scoped3A_130 = tpu.sem_alloc : memref<!tpu.dma_semaphore, #tpu.memory_space<semaphore_mem>>
      %dma_start3A_131 = arith.constant 0 : i32
      %dma_start3A_132 = tpu.memref_slice %arg11[%add3A_93, %dma_start3A_131] : memref<10240x128xf32, #tpu.memory_space<vmem_shared>> -> memref<128x128xf32, #tpu.memory_space<vmem_shared>>
      %dma_start3A_133 = arith.constant 0 : i32
      %dma_start3A_134 = tpu.memref_slice %arg11[%add3A_93, %dma_start3A_133] : memref<10240x128xf32, #tpu.memory_space<vmem_shared>> -> memref<128x128xf32, #tpu.memory_space<vmem_shared>>
      tpu.enqueue_dma source(%dma_start3A_134 : memref<128x128xf32, #tpu.memory_space<vmem_shared>>) target(%arg9 : memref<128x128xf32, #tpu.memory_space<vmem>>) target_semaphore(%run_scoped3A_130 : memref<!tpu.dma_semaphore, #tpu.memory_space<semaphore_mem>>)
      %dma_wait3A_135 = arith.constant 0 : i32
      %dma_wait3A_136 = tpu.memref_slice %arg11[%add3A_93, %dma_wait3A_135] : memref<10240x128xf32, #tpu.memory_space<vmem_shared>> -> memref<128x128xf32, #tpu.memory_space<vmem_shared>>
      %dma_wait3A_137 = arith.constant 0 : i32
      %dma_wait3A_138 = tpu.memref_slice %arg11[%add3A_93, %dma_wait3A_137] : memref<10240x128xf32, #tpu.memory_space<vmem_shared>> -> memref<128x128xf32, #tpu.memory_space<vmem_shared>>
      tpu.wait_dma2 semaphore(%run_scoped3A_130 : memref<!tpu.dma_semaphore, #tpu.memory_space<semaphore_mem>>) src(%dma_wait3A_138 : memref<128x128xf32, #tpu.memory_space<vmem_shared>>) dst(%arg9 : memref<128x128xf32, #tpu.memory_space<vmem>>)
      tpu.yield
    }) : () -> ()
    %mul3A_94 = arith.constant 640 : i32
    %mul3A_95 = arith.muli %arg1, %mul3A_94 : i32
    %add3A_96 = arith.constant 0 : i32
    %add3A_97 = arith.addi %mul3A_95, %add3A_96 : i32
    "tpu.region"() ({
      %run_scoped3A_130 = tpu.sem_alloc : memref<!tpu.dma_semaphore, #tpu.memory_space<semaphore_mem>>
      %dma_start3A_131 = arith.constant 0 : i32
      %dma_start3A_132 = tpu.memref_slice %arg6[%arg0, %add3A_97, %dma_start3A_131] : memref<2x10240x128xf32, #tpu.memory_space<hbm>> -> memref<1x128x128xf32, #tpu.memory_space<hbm>>
      %dma_start3A_133 = tpu.memref_squeeze %dma_start3A_132 : memref<1x128x128xf32, #tpu.memory_space<hbm>> -> memref<128x128xf32, #tpu.memory_space<hbm>>
      %dma_start3A_134 = arith.constant 0 : i32
      %dma_start3A_135 = tpu.memref_slice %arg6[%arg0, %add3A_97, %dma_start3A_134] : memref<2x10240x128xf32, #tpu.memory_space<hbm>> -> memref<1x128x128xf32, #tpu.memory_space<hbm>>
      %dma_start3A_136 = tpu.memref_squeeze %dma_start3A_135 : memref<1x128x128xf32, #tpu.memory_space<hbm>> -> memref<128x128xf32, #tpu.memory_space<hbm>>
      tpu.enqueue_dma source(%arg9 : memref<128x128xf32, #tpu.memory_space<vmem>>) target(%dma_start3A_136 : memref<128x128xf32, #tpu.memory_space<hbm>>) target_semaphore(%run_scoped3A_130 : memref<!tpu.dma_semaphore, #tpu.memory_space<semaphore_mem>>)
      %dma_wait3A_137 = arith.constant 0 : i32
      %dma_wait3A_138 = tpu.memref_slice %arg6[%arg0, %add3A_97, %dma_wait3A_137] : memref<2x10240x128xf32, #tpu.memory_space<hbm>> -> memref<1x128x128xf32, #tpu.memory_space<hbm>>
      %dma_wait3A_139 = tpu.memref_squeeze %dma_wait3A_138 : memref<1x128x128xf32, #tpu.memory_space<hbm>> -> memref<128x128xf32, #tpu.memory_space<hbm>>
      %dma_wait3A_140 = arith.constant 0 : i32
      %dma_wait3A_141 = tpu.memref_slice %arg6[%arg0, %add3A_97, %dma_wait3A_140] : memref<2x10240x128xf32, #tpu.memory_space<hbm>> -> memref<1x128x128xf32, #tpu.memory_space<hbm>>
      %dma_wait3A_142 = tpu.memref_squeeze %dma_wait3A_141 : memref<1x128x128xf32, #tpu.memory_space<hbm>> -> memref<128x128xf32, #tpu.memory_space<hbm>>
      tpu.wait_dma2 semaphore(%run_scoped3A_130 : memref<!tpu.dma_semaphore, #tpu.memory_space<semaphore_mem>>) src(%arg9 : memref<128x128xf32, #tpu.memory_space<vmem>>) dst(%dma_wait3A_142 : memref<128x128xf32, #tpu.memory_space<hbm>>)
      tpu.yield
    }) : () -> ()
    %mul3A_98 = arith.constant 640 : i32
    %mul3A_99 = arith.muli %arg1, %mul3A_98 : i32
    %add3A_100 = arith.constant 128 : i32
    %add3A_101 = arith.addi %mul3A_99, %add3A_100 : i32
    "tpu.region"() ({
      %run_scoped3A_130 = tpu.sem_alloc : memref<!tpu.dma_semaphore, #tpu.memory_space<semaphore_mem>>
      %dma_start3A_131 = arith.constant 0 : i32
      %dma_start3A_132 = tpu.memref_slice %arg11[%add3A_101, %dma_start3A_131] : memref<10240x128xf32, #tpu.memory_space<vmem_shared>> -> memref<128x128xf32, #tpu.memory_space<vmem_shared>>
      %dma_start3A_133 = arith.constant 0 : i32
      %dma_start3A_134 = tpu.memref_slice %arg11[%add3A_101, %dma_start3A_133] : memref<10240x128xf32, #tpu.memory_space<vmem_shared>> -> memref<128x128xf32, #tpu.memory_space<vmem_shared>>
      tpu.enqueue_dma source(%dma_start3A_134 : memref<128x128xf32, #tpu.memory_space<vmem_shared>>) target(%arg10 : memref<128x128xf32, #tpu.memory_space<vmem>>) target_semaphore(%run_scoped3A_130 : memref<!tpu.dma_semaphore, #tpu.memory_space<semaphore_mem>>)
      %dma_wait3A_135 = arith.constant 0 : i32
      %dma_wait3A_136 = tpu.memref_slice %arg11[%add3A_101, %dma_wait3A_135] : memref<10240x128xf32, #tpu.memory_space<vmem_shared>> -> memref<128x128xf32, #tpu.memory_space<vmem_shared>>
      %dma_wait3A_137 = arith.constant 0 : i32
      %dma_wait3A_138 = tpu.memref_slice %arg11[%add3A_101, %dma_wait3A_137] : memref<10240x128xf32, #tpu.memory_space<vmem_shared>> -> memref<128x128xf32, #tpu.memory_space<vmem_shared>>
      tpu.wait_dma2 semaphore(%run_scoped3A_130 : memref<!tpu.dma_semaphore, #tpu.memory_space<semaphore_mem>>) src(%dma_wait3A_138 : memref<128x128xf32, #tpu.memory_space<vmem_shared>>) dst(%arg10 : memref<128x128xf32, #tpu.memory_space<vmem>>)
      tpu.yield
    }) : () -> ()
    %mul3A_102 = arith.constant 640 : i32
    %mul3A_103 = arith.muli %arg1, %mul3A_102 : i32
    %add3A_104 = arith.constant 128 : i32
    %add3A_105 = arith.addi %mul3A_103, %add3A_104 : i32
    "tpu.region"() ({
      %run_scoped3A_130 = tpu.sem_alloc : memref<!tpu.dma_semaphore, #tpu.memory_space<semaphore_mem>>
      %dma_start3A_131 = arith.constant 0 : i32
      %dma_start3A_132 = tpu.memref_slice %arg6[%arg0, %add3A_105, %dma_start3A_131] : memref<2x10240x128xf32, #tpu.memory_space<hbm>> -> memref<1x128x128xf32, #tpu.memory_space<hbm>>
      %dma_start3A_133 = tpu.memref_squeeze %dma_start3A_132 : memref<1x128x128xf32, #tpu.memory_space<hbm>> -> memref<128x128xf32, #tpu.memory_space<hbm>>
      %dma_start3A_134 = arith.constant 0 : i32
      %dma_start3A_135 = tpu.memref_slice %arg6[%arg0, %add3A_105, %dma_start3A_134] : memref<2x10240x128xf32, #tpu.memory_space<hbm>> -> memref<1x128x128xf32, #tpu.memory_space<hbm>>
      %dma_start3A_136 = tpu.memref_squeeze %dma_start3A_135 : memref<1x128x128xf32, #tpu.memory_space<hbm>> -> memref<128x128xf32, #tpu.memory_space<hbm>>
      tpu.enqueue_dma source(%arg10 : memref<128x128xf32, #tpu.memory_space<vmem>>) target(%dma_start3A_136 : memref<128x128xf32, #tpu.memory_space<hbm>>) target_semaphore(%run_scoped3A_130 : memref<!tpu.dma_semaphore, #tpu.memory_space<semaphore_mem>>)
      %dma_wait3A_137 = arith.constant 0 : i32
      %dma_wait3A_138 = tpu.memref_slice %arg6[%arg0, %add3A_105, %dma_wait3A_137] : memref<2x10240x128xf32, #tpu.memory_space<hbm>> -> memref<1x128x128xf32, #tpu.memory_space<hbm>>
      %dma_wait3A_139 = tpu.memref_squeeze %dma_wait3A_138 : memref<1x128x128xf32, #tpu.memory_space<hbm>> -> memref<128x128xf32, #tpu.memory_space<hbm>>
      %dma_wait3A_140 = arith.constant 0 : i32
      %dma_wait3A_141 = tpu.memref_slice %arg6[%arg0, %add3A_105, %dma_wait3A_140] : memref<2x10240x128xf32, #tpu.memory_space<hbm>> -> memref<1x128x128xf32, #tpu.memory_space<hbm>>
      %dma_wait3A_142 = tpu.memref_squeeze %dma_wait3A_141 : memref<1x128x128xf32, #tpu.memory_space<hbm>> -> memref<128x128xf32, #tpu.memory_space<hbm>>
      tpu.wait_dma2 semaphore(%run_scoped3A_130 : memref<!tpu.dma_semaphore, #tpu.memory_space<semaphore_mem>>) src(%arg10 : memref<128x128xf32, #tpu.memory_space<vmem>>) dst(%dma_wait3A_142 : memref<128x128xf32, #tpu.memory_space<hbm>>)
      tpu.yield
    }) : () -> ()
    %mul3A_106 = arith.constant 640 : i32
    %mul3A_107 = arith.muli %arg1, %mul3A_106 : i32
    %add3A_108 = arith.constant 256 : i32
    %add3A_109 = arith.addi %mul3A_107, %add3A_108 : i32
    "tpu.region"() ({
      %run_scoped3A_130 = tpu.sem_alloc : memref<!tpu.dma_semaphore, #tpu.memory_space<semaphore_mem>>
      %dma_start3A_131 = arith.constant 0 : i32
      %dma_start3A_132 = tpu.memref_slice %arg11[%add3A_109, %dma_start3A_131] : memref<10240x128xf32, #tpu.memory_space<vmem_shared>> -> memref<128x128xf32, #tpu.memory_space<vmem_shared>>
      %dma_start3A_133 = arith.constant 0 : i32
      %dma_start3A_134 = tpu.memref_slice %arg11[%add3A_109, %dma_start3A_133] : memref<10240x128xf32, #tpu.memory_space<vmem_shared>> -> memref<128x128xf32, #tpu.memory_space<vmem_shared>>
      tpu.enqueue_dma source(%dma_start3A_134 : memref<128x128xf32, #tpu.memory_space<vmem_shared>>) target(%arg9 : memref<128x128xf32, #tpu.memory_space<vmem>>) target_semaphore(%run_scoped3A_130 : memref<!tpu.dma_semaphore, #tpu.memory_space<semaphore_mem>>)
      %dma_wait3A_135 = arith.constant 0 : i32
      %dma_wait3A_136 = tpu.memref_slice %arg11[%add3A_109, %dma_wait3A_135] : memref<10240x128xf32, #tpu.memory_space<vmem_shared>> -> memref<128x128xf32, #tpu.memory_space<vmem_shared>>
      %dma_wait3A_137 = arith.constant 0 : i32
      %dma_wait3A_138 = tpu.memref_slice %arg11[%add3A_109, %dma_wait3A_137] : memref<10240x128xf32, #tpu.memory_space<vmem_shared>> -> memref<128x128xf32, #tpu.memory_space<vmem_shared>>
      tpu.wait_dma2 semaphore(%run_scoped3A_130 : memref<!tpu.dma_semaphore, #tpu.memory_space<semaphore_mem>>) src(%dma_wait3A_138 : memref<128x128xf32, #tpu.memory_space<vmem_shared>>) dst(%arg9 : memref<128x128xf32, #tpu.memory_space<vmem>>)
      tpu.yield
    }) : () -> ()
    %mul3A_110 = arith.constant 640 : i32
    %mul3A_111 = arith.muli %arg1, %mul3A_110 : i32
    %add3A_112 = arith.constant 256 : i32
    %add3A_113 = arith.addi %mul3A_111, %add3A_112 : i32
    "tpu.region"() ({
      %run_scoped3A_130 = tpu.sem_alloc : memref<!tpu.dma_semaphore, #tpu.memory_space<semaphore_mem>>
      %dma_start3A_131 = arith.constant 0 : i32
      %dma_start3A_132 = tpu.memref_slice %arg6[%arg0, %add3A_113, %dma_start3A_131] : memref<2x10240x128xf32, #tpu.memory_space<hbm>> -> memref<1x128x128xf32, #tpu.memory_space<hbm>>
      %dma_start3A_133 = tpu.memref_squeeze %dma_start3A_132 : memref<1x128x128xf32, #tpu.memory_space<hbm>> -> memref<128x128xf32, #tpu.memory_space<hbm>>
      %dma_start3A_134 = arith.constant 0 : i32
      %dma_start3A_135 = tpu.memref_slice %arg6[%arg0, %add3A_113, %dma_start3A_134] : memref<2x10240x128xf32, #tpu.memory_space<hbm>> -> memref<1x128x128xf32, #tpu.memory_space<hbm>>
      %dma_start3A_136 = tpu.memref_squeeze %dma_start3A_135 : memref<1x128x128xf32, #tpu.memory_space<hbm>> -> memref<128x128xf32, #tpu.memory_space<hbm>>
      tpu.enqueue_dma source(%arg9 : memref<128x128xf32, #tpu.memory_space<vmem>>) target(%dma_start3A_136 : memref<128x128xf32, #tpu.memory_space<hbm>>) target_semaphore(%run_scoped3A_130 : memref<!tpu.dma_semaphore, #tpu.memory_space<semaphore_mem>>)
      %dma_wait3A_137 = arith.constant 0 : i32
      %dma_wait3A_138 = tpu.memref_slice %arg6[%arg0, %add3A_113, %dma_wait3A_137] : memref<2x10240x128xf32, #tpu.memory_space<hbm>> -> memref<1x128x128xf32, #tpu.memory_space<hbm>>
      %dma_wait3A_139 = tpu.memref_squeeze %dma_wait3A_138 : memref<1x128x128xf32, #tpu.memory_space<hbm>> -> memref<128x128xf32, #tpu.memory_space<hbm>>
      %dma_wait3A_140 = arith.constant 0 : i32
      %dma_wait3A_141 = tpu.memref_slice %arg6[%arg0, %add3A_113, %dma_wait3A_140] : memref<2x10240x128xf32, #tpu.memory_space<hbm>> -> memref<1x128x128xf32, #tpu.memory_space<hbm>>
      %dma_wait3A_142 = tpu.memref_squeeze %dma_wait3A_141 : memref<1x128x128xf32, #tpu.memory_space<hbm>> -> memref<128x128xf32, #tpu.memory_space<hbm>>
      tpu.wait_dma2 semaphore(%run_scoped3A_130 : memref<!tpu.dma_semaphore, #tpu.memory_space<semaphore_mem>>) src(%arg9 : memref<128x128xf32, #tpu.memory_space<vmem>>) dst(%dma_wait3A_142 : memref<128x128xf32, #tpu.memory_space<hbm>>)
      tpu.yield
    }) : () -> ()
    %mul3A_114 = arith.constant 640 : i32
    %mul3A_115 = arith.muli %arg1, %mul3A_114 : i32
    %add3A_116 = arith.constant 384 : i32
    %add3A_117 = arith.addi %mul3A_115, %add3A_116 : i32
    "tpu.region"() ({
      %run_scoped3A_130 = tpu.sem_alloc : memref<!tpu.dma_semaphore, #tpu.memory_space<semaphore_mem>>
      %dma_start3A_131 = arith.constant 0 : i32
      %dma_start3A_132 = tpu.memref_slice %arg11[%add3A_117, %dma_start3A_131] : memref<10240x128xf32, #tpu.memory_space<vmem_shared>> -> memref<128x128xf32, #tpu.memory_space<vmem_shared>>
      %dma_start3A_133 = arith.constant 0 : i32
      %dma_start3A_134 = tpu.memref_slice %arg11[%add3A_117, %dma_start3A_133] : memref<10240x128xf32, #tpu.memory_space<vmem_shared>> -> memref<128x128xf32, #tpu.memory_space<vmem_shared>>
      tpu.enqueue_dma source(%dma_start3A_134 : memref<128x128xf32, #tpu.memory_space<vmem_shared>>) target(%arg10 : memref<128x128xf32, #tpu.memory_space<vmem>>) target_semaphore(%run_scoped3A_130 : memref<!tpu.dma_semaphore, #tpu.memory_space<semaphore_mem>>)
      %dma_wait3A_135 = arith.constant 0 : i32
      %dma_wait3A_136 = tpu.memref_slice %arg11[%add3A_117, %dma_wait3A_135] : memref<10240x128xf32, #tpu.memory_space<vmem_shared>> -> memref<128x128xf32, #tpu.memory_space<vmem_shared>>
      %dma_wait3A_137 = arith.constant 0 : i32
      %dma_wait3A_138 = tpu.memref_slice %arg11[%add3A_117, %dma_wait3A_137] : memref<10240x128xf32, #tpu.memory_space<vmem_shared>> -> memref<128x128xf32, #tpu.memory_space<vmem_shared>>
      tpu.wait_dma2 semaphore(%run_scoped3A_130 : memref<!tpu.dma_semaphore, #tpu.memory_space<semaphore_mem>>) src(%dma_wait3A_138 : memref<128x128xf32, #tpu.memory_space<vmem_shared>>) dst(%arg10 : memref<128x128xf32, #tpu.memory_space<vmem>>)
      tpu.yield
    }) : () -> ()
    %mul3A_118 = arith.constant 640 : i32
    %mul3A_119 = arith.muli %arg1, %mul3A_118 : i32
    %add3A_120 = arith.constant 384 : i32
    %add3A_121 = arith.addi %mul3A_119, %add3A_120 : i32
    "tpu.region"() ({
      %run_scoped3A_130 = tpu.sem_alloc : memref<!tpu.dma_semaphore, #tpu.memory_space<semaphore_mem>>
      %dma_start3A_131 = arith.constant 0 : i32
      %dma_start3A_132 = tpu.memref_slice %arg6[%arg0, %add3A_121, %dma_start3A_131] : memref<2x10240x128xf32, #tpu.memory_space<hbm>> -> memref<1x128x128xf32, #tpu.memory_space<hbm>>
      %dma_start3A_133 = tpu.memref_squeeze %dma_start3A_132 : memref<1x128x128xf32, #tpu.memory_space<hbm>> -> memref<128x128xf32, #tpu.memory_space<hbm>>
      %dma_start3A_134 = arith.constant 0 : i32
      %dma_start3A_135 = tpu.memref_slice %arg6[%arg0, %add3A_121, %dma_start3A_134] : memref<2x10240x128xf32, #tpu.memory_space<hbm>> -> memref<1x128x128xf32, #tpu.memory_space<hbm>>
      %dma_start3A_136 = tpu.memref_squeeze %dma_start3A_135 : memref<1x128x128xf32, #tpu.memory_space<hbm>> -> memref<128x128xf32, #tpu.memory_space<hbm>>
      tpu.enqueue_dma source(%arg10 : memref<128x128xf32, #tpu.memory_space<vmem>>) target(%dma_start3A_136 : memref<128x128xf32, #tpu.memory_space<hbm>>) target_semaphore(%run_scoped3A_130 : memref<!tpu.dma_semaphore, #tpu.memory_space<semaphore_mem>>)
      %dma_wait3A_137 = arith.constant 0 : i32
      %dma_wait3A_138 = tpu.memref_slice %arg6[%arg0, %add3A_121, %dma_wait3A_137] : memref<2x10240x128xf32, #tpu.memory_space<hbm>> -> memref<1x128x128xf32, #tpu.memory_space<hbm>>
      %dma_wait3A_139 = tpu.memref_squeeze %dma_wait3A_138 : memref<1x128x128xf32, #tpu.memory_space<hbm>> -> memref<128x128xf32, #tpu.memory_space<hbm>>
      %dma_wait3A_140 = arith.constant 0 : i32
      %dma_wait3A_141 = tpu.memref_slice %arg6[%arg0, %add3A_121, %dma_wait3A_140] : memref<2x10240x128xf32, #tpu.memory_space<hbm>> -> memref<1x128x128xf32, #tpu.memory_space<hbm>>
      %dma_wait3A_142 = tpu.memref_squeeze %dma_wait3A_141 : memref<1x128x128xf32, #tpu.memory_space<hbm>> -> memref<128x128xf32, #tpu.memory_space<hbm>>
      tpu.wait_dma2 semaphore(%run_scoped3A_130 : memref<!tpu.dma_semaphore, #tpu.memory_space<semaphore_mem>>) src(%arg10 : memref<128x128xf32, #tpu.memory_space<vmem>>) dst(%dma_wait3A_142 : memref<128x128xf32, #tpu.memory_space<hbm>>)
      tpu.yield
    }) : () -> ()
    %mul3A_122 = arith.constant 640 : i32
    %mul3A_123 = arith.muli %arg1, %mul3A_122 : i32
    %add3A_124 = arith.constant 512 : i32
    %add3A_125 = arith.addi %mul3A_123, %add3A_124 : i32
    "tpu.region"() ({
      %run_scoped3A_130 = tpu.sem_alloc : memref<!tpu.dma_semaphore, #tpu.memory_space<semaphore_mem>>
      %dma_start3A_131 = arith.constant 0 : i32
      %dma_start3A_132 = tpu.memref_slice %arg11[%add3A_125, %dma_start3A_131] : memref<10240x128xf32, #tpu.memory_space<vmem_shared>> -> memref<128x128xf32, #tpu.memory_space<vmem_shared>>
      %dma_start3A_133 = arith.constant 0 : i32
      %dma_start3A_134 = tpu.memref_slice %arg11[%add3A_125, %dma_start3A_133] : memref<10240x128xf32, #tpu.memory_space<vmem_shared>> -> memref<128x128xf32, #tpu.memory_space<vmem_shared>>
      tpu.enqueue_dma source(%dma_start3A_134 : memref<128x128xf32, #tpu.memory_space<vmem_shared>>) target(%arg9 : memref<128x128xf32, #tpu.memory_space<vmem>>) target_semaphore(%run_scoped3A_130 : memref<!tpu.dma_semaphore, #tpu.memory_space<semaphore_mem>>)
      %dma_wait3A_135 = arith.constant 0 : i32
      %dma_wait3A_136 = tpu.memref_slice %arg11[%add3A_125, %dma_wait3A_135] : memref<10240x128xf32, #tpu.memory_space<vmem_shared>> -> memref<128x128xf32, #tpu.memory_space<vmem_shared>>
      %dma_wait3A_137 = arith.constant 0 : i32
      %dma_wait3A_138 = tpu.memref_slice %arg11[%add3A_125, %dma_wait3A_137] : memref<10240x128xf32, #tpu.memory_space<vmem_shared>> -> memref<128x128xf32, #tpu.memory_space<vmem_shared>>
      tpu.wait_dma2 semaphore(%run_scoped3A_130 : memref<!tpu.dma_semaphore, #tpu.memory_space<semaphore_mem>>) src(%dma_wait3A_138 : memref<128x128xf32, #tpu.memory_space<vmem_shared>>) dst(%arg9 : memref<128x128xf32, #tpu.memory_space<vmem>>)
      tpu.yield
    }) : () -> ()
    %mul3A_126 = arith.constant 640 : i32
    %mul3A_127 = arith.muli %arg1, %mul3A_126 : i32
    %add3A_128 = arith.constant 512 : i32
    %add3A_129 = arith.addi %mul3A_127, %add3A_128 : i32
    "tpu.region"() ({
      %run_scoped3A_130 = tpu.sem_alloc : memref<!tpu.dma_semaphore, #tpu.memory_space<semaphore_mem>>
      %dma_start3A_131 = arith.constant 0 : i32
      %dma_start3A_132 = tpu.memref_slice %arg6[%arg0, %add3A_129, %dma_start3A_131] : memref<2x10240x128xf32, #tpu.memory_space<hbm>> -> memref<1x128x128xf32, #tpu.memory_space<hbm>>
      %dma_start3A_133 = tpu.memref_squeeze %dma_start3A_132 : memref<1x128x128xf32, #tpu.memory_space<hbm>> -> memref<128x128xf32, #tpu.memory_space<hbm>>
      %dma_start3A_134 = arith.constant 0 : i32
      %dma_start3A_135 = tpu.memref_slice %arg6[%arg0, %add3A_129, %dma_start3A_134] : memref<2x10240x128xf32, #tpu.memory_space<hbm>> -> memref<1x128x128xf32, #tpu.memory_space<hbm>>
      %dma_start3A_136 = tpu.memref_squeeze %dma_start3A_135 : memref<1x128x128xf32, #tpu.memory_space<hbm>> -> memref<128x128xf32, #tpu.memory_space<hbm>>
      tpu.enqueue_dma source(%arg9 : memref<128x128xf32, #tpu.memory_space<vmem>>) target(%dma_start3A_136 : memref<128x128xf32, #tpu.memory_space<hbm>>) target_semaphore(%run_scoped3A_130 : memref<!tpu.dma_semaphore, #tpu.memory_space<semaphore_mem>>)
      %dma_wait3A_137 = arith.constant 0 : i32
      %dma_wait3A_138 = tpu.memref_slice %arg6[%arg0, %add3A_129, %dma_wait3A_137] : memref<2x10240x128xf32, #tpu.memory_space<hbm>> -> memref<1x128x128xf32, #tpu.memory_space<hbm>>
      %dma_wait3A_139 = tpu.memref_squeeze %dma_wait3A_138 : memref<1x128x128xf32, #tpu.memory_space<hbm>> -> memref<128x128xf32, #tpu.memory_space<hbm>>
      %dma_wait3A_140 = arith.constant 0 : i32
      %dma_wait3A_141 = tpu.memref_slice %arg6[%arg0, %add3A_129, %dma_wait3A_140] : memref<2x10240x128xf32, #tpu.memory_space<hbm>> -> memref<1x128x128xf32, #tpu.memory_space<hbm>>
      %dma_wait3A_142 = tpu.memref_squeeze %dma_wait3A_141 : memref<1x128x128xf32, #tpu.memory_space<hbm>> -> memref<128x128xf32, #tpu.memory_space<hbm>>
      tpu.wait_dma2 semaphore(%run_scoped3A_130 : memref<!tpu.dma_semaphore, #tpu.memory_space<semaphore_mem>>) src(%arg9 : memref<128x128xf32, #tpu.memory_space<vmem>>) dst(%dma_wait3A_142 : memref<128x128xf32, #tpu.memory_space<hbm>>)
      tpu.yield
    }) : () -> ()
    return
  }
}

module attributes {stable_mosaic.version = 14 : i64} {
  func.func @body(%arg0: i32, %arg1: memref<2000x128xf32, #tpu.memory_space<vmem>>, %arg2: memref<2000x2xf32, #tpu.memory_space<vmem>>, %arg3: memref<128x128xf32, #tpu.memory_space<vmem>>, %arg4: memref<1x128xf32, #tpu.memory_space<vmem>>, %arg5: memref<1x1xf32, #tpu.memory_space<vmem>>, %arg6: memref<2000x128xf32, #tpu.memory_space<vmem>>) attributes {dimension_semantics = [#tpu.dimension_semantics<arbitrary>], iteration_bounds = array<i64: 5>, scalar_prefetch = 0 : i64, scratch_operands = 0 : i64, tpu.core_type = #tpu.core_type<tc>, window_params = [{transform_indices = @transform_0, window_bounds = array<i64: 2000, 128>}, {transform_indices = @transform_1, window_bounds = array<i64: 2000, 2>}, {pipeline_mode = #tpu.pipeline_mode<synchronous>, transform_indices = @transform_2, window_bounds = array<i64: 128, 128>}, {pipeline_mode = #tpu.pipeline_mode<synchronous>, transform_indices = @transform_3, window_bounds = array<i64: 1, 128>}, {pipeline_mode = #tpu.pipeline_mode<synchronous>, transform_indices = @transform_4, window_bounds = array<i64: 1, 1>}, {transform_indices = @transform_5, window_bounds = array<i64: 2000, 128>}]} {
    %get3A = arith.constant 0 : index
    %get3A_0 = arith.constant 0 : index
    %get3A_1 = vector.load %arg2[%get3A, %get3A_0] : memref<2000x2xf32, #tpu.memory_space<vmem>>, vector<2000x2xf32>
    %slice3A = vector.extract_strided_slice %get3A_1 {offsets = [0, 0], sizes = [2000, 1], strides = [1, 1]} : vector<2000x2xf32> to vector<2000x1xf32>
    %squeeze3A = vector.shape_cast %slice3A : vector<2000x1xf32> to vector<2000xf32>
    %add3A = arith.constant 1.000000e+00 : f32
    %add3A_2 = vector.broadcast %add3A : f32 to vector<2000xf32>
    %add3A_3 = arith.addf %add3A_2, %squeeze3A : vector<2000xf32>
    %slice3A_4 = vector.extract_strided_slice %get3A_1 {offsets = [0, 1], sizes = [2000, 1], strides = [1, 1]} : vector<2000x2xf32> to vector<2000x1xf32>
    %squeeze3A_5 = vector.shape_cast %slice3A_4 : vector<2000x1xf32> to vector<2000xf32>
    %add3A_6 = arith.addf %add3A_3, %squeeze3A_5 : vector<2000xf32>
    %rsqrt3A = math.rsqrt %add3A_6 : vector<2000xf32>
    %get3A_7 = arith.constant 0 : index
    %get3A_8 = arith.constant 0 : index
    %get3A_9 = vector.load %arg1[%get3A_7, %get3A_8] : memref<2000x128xf32, #tpu.memory_space<vmem>>, vector<2000x128xf32>
    %get3A_10 = arith.constant 0 : index
    %get3A_11 = arith.constant 0 : index
    %get3A_12 = vector.load %arg3[%get3A_10, %get3A_11] : memref<128x128xf32, #tpu.memory_space<vmem>>, vector<128x128xf32>
    %dot_general3A = arith.constant dense<0.000000e+00> : vector<2000x128xf32>
    %dot_general3A_13 = tpu.matmul %get3A_9, %get3A_12, %dot_general3A {dimension_numbers = #tpu.dot_dimension_numbers<[1], [0], [0], [1], [0, 0, 1, 1], [], []>, transpose_lhs_hint = false} : vector<2000x128xf32>, vector<128x128xf32>, vector<2000x128xf32> -> vector<2000x128xf32>
    %get3A_14 = arith.constant 0 : index
    %get3A_15 = arith.constant 0 : index
    %get3A_16 = vector.load %arg5[%get3A_14, %get3A_15] : memref<1x1xf32, #tpu.memory_space<vmem>>, vector<1x1xf32>
    %get3A_17 = vector.extract %get3A_16[0, 0] : f32 from vector<1x1xf32>
    %get3A_18 = arith.constant 0 : index
    %get3A_19 = arith.constant 0 : index
    %get3A_20 = vector.load %arg4[%get3A_18, %get3A_19] : memref<1x128xf32, #tpu.memory_space<vmem>>, vector<1x128xf32>
    %mul3A = vector.broadcast %get3A_17 : f32 to vector<1x128xf32>
    %mul3A_21 = arith.mulf %mul3A, %get3A_20 : vector<1x128xf32>
    %add3A_22 = vector.broadcast %mul3A_21 : vector<1x128xf32> to vector<2000x128xf32>
    %add3A_23 = arith.addf %dot_general3A_13, %add3A_22 : vector<2000x128xf32>
    %broadcast_in_dim3A = vector.shape_cast %rsqrt3A : vector<2000xf32> to vector<2000x1xf32>
    %mul3A_24 = vector.broadcast %broadcast_in_dim3A : vector<2000x1xf32> to vector<2000x128xf32>
    %mul3A_25 = arith.mulf %mul3A_24, %add3A_23 : vector<2000x128xf32>
    %swap3A = arith.constant 0 : index
    %swap3A_26 = arith.constant 0 : index
    %swap3A_27 = vector.load %arg6[%swap3A, %swap3A_26] : memref<2000x128xf32, #tpu.memory_space<vmem>>, vector<2000x128xf32>
    tpu.vector_store %arg6[%swap3A, %swap3A_26], %mul3A_25 {strides = array<i32>} : memref<2000x128xf32, #tpu.memory_space<vmem>>, vector<2000x128xf32>,
    return
  }
  func.func @transform_0(%arg0: i32) -> (i32, i32) {
    %c0_i32 = arith.constant 0 : i32
    %c0_i32_0 = arith.constant 0 : i32
    return %arg0, %c0_i32 : i32, i32
  }
  func.func @transform_1(%arg0: i32) -> (i32, i32) {
    %c0_i32 = arith.constant 0 : i32
    %c0_i32_0 = arith.constant 0 : i32
    return %arg0, %c0_i32 : i32, i32
  }
  func.func @transform_2(%arg0: i32) -> (i32, i32) {
    %c0_i32 = arith.constant 0 : i32
    %c0_i32_0 = arith.constant 0 : i32
    %c0_i32_1 = arith.constant 0 : i32
    return %c0_i32, %c0_i32_0 : i32, i32
  }
  func.func @transform_3(%arg0: i32) -> (i32, i32) {
    %c0_i32 = arith.constant 0 : i32
    %c0_i32_0 = arith.constant 0 : i32
    %c0_i32_1 = arith.constant 0 : i32
    return %c0_i32, %c0_i32_0 : i32, i32
  }
  func.func @transform_4(%arg0: i32) -> (i32, i32) {
    %c0_i32 = arith.constant 0 : i32
    %c0_i32_0 = arith.constant 0 : i32
    %c0_i32_1 = arith.constant 0 : i32
    return %c0_i32, %c0_i32_0 : i32, i32
  }
  func.func @transform_5(%arg0: i32) -> (i32, i32) {
    %c0_i32 = arith.constant 0 : i32
    %c0_i32_0 = arith.constant 0 : i32
    return %arg0, %c0_i32 : i32, i32
  }
}

module attributes {stable_mosaic.version = 14 : i64} {
  func.func @body(%arg0: i32, %arg1: memref<2x2000x128xf32, #tpu.memory_space<vmem>>, %arg2: memref<2000x128xf32, #tpu.memory_space<vmem>>, %arg3: memref<2000x2xf32, #tpu.memory_space<vmem>>, %arg4: memref<1x128xf32, #tpu.memory_space<vmem>>, %arg5: memref<1x128xf32, #tpu.memory_space<vmem>>, %arg6: memref<128x128xf32, #tpu.memory_space<vmem>>, %arg7: memref<2000x128xf32, #tpu.memory_space<vmem>>) attributes {dimension_semantics = [#tpu.dimension_semantics<arbitrary>], iteration_bounds = array<i64: 5>, scalar_prefetch = 0 : i64, scratch_operands = 0 : i64, tpu.core_type = #tpu.core_type<tc>, window_params = [{transform_indices = @transform_0, window_bounds = array<i64: 2, 2000, 128>}, {transform_indices = @transform_1, window_bounds = array<i64: 2000, 128>}, {transform_indices = @transform_2, window_bounds = array<i64: 2000, 2>}, {pipeline_mode = #tpu.pipeline_mode<synchronous>, transform_indices = @transform_3, window_bounds = array<i64: 1, 128>}, {pipeline_mode = #tpu.pipeline_mode<synchronous>, transform_indices = @transform_4, window_bounds = array<i64: 1, 128>}, {pipeline_mode = #tpu.pipeline_mode<synchronous>, transform_indices = @transform_5, window_bounds = array<i64: 128, 128>}, {transform_indices = @transform_6, window_bounds = array<i64: 2000, 128>}]} {
    %get3A = arith.constant 0 : index
    %get3A_0 = arith.constant 0 : index
    %get3A_1 = vector.load %arg3[%get3A, %get3A_0] : memref<2000x2xf32, #tpu.memory_space<vmem>>, vector<2000x2xf32>
    %slice3A = vector.extract_strided_slice %get3A_1 {offsets = [0, 0], sizes = [2000, 1], strides = [1, 1]} : vector<2000x2xf32> to vector<2000x1xf32>
    %squeeze3A = vector.shape_cast %slice3A : vector<2000x1xf32> to vector<2000xf32>
    %add3A = arith.constant 1.000000e+00 : f32
    %add3A_2 = vector.broadcast %add3A : f32 to vector<2000xf32>
    %add3A_3 = arith.addf %add3A_2, %squeeze3A : vector<2000xf32>
    %slice3A_4 = vector.extract_strided_slice %get3A_1 {offsets = [0, 1], sizes = [2000, 1], strides = [1, 1]} : vector<2000x2xf32> to vector<2000x1xf32>
    %squeeze3A_5 = vector.shape_cast %slice3A_4 : vector<2000x1xf32> to vector<2000xf32>
    %add3A_6 = arith.addf %add3A_3, %squeeze3A_5 : vector<2000xf32>
    %rsqrt3A = math.rsqrt %add3A_6 : vector<2000xf32>
    %broadcast_in_dim3A = vector.shape_cast %rsqrt3A : vector<2000xf32> to vector<2000x1xf32>
    %get3A_7 = arith.constant 0 : index
    %get3A_8 = arith.constant 0 : index
    %get3A_9 = arith.constant 0 : index
    %get3A_10 = vector.load %arg1[%get3A_7, %get3A_8, %get3A_9] : memref<2x2000x128xf32, #tpu.memory_space<vmem>>, vector<1x2000x128xf32>
    %get3A_11 = vector.shape_cast %get3A_10 : vector<1x2000x128xf32> to vector<2000x128xf32>
    %get3A_12 = arith.constant 1 : index
    %get3A_13 = arith.constant 0 : index
    %get3A_14 = arith.constant 0 : index
    %get3A_15 = vector.load %arg1[%get3A_12, %get3A_13, %get3A_14] : memref<2x2000x128xf32, #tpu.memory_space<vmem>>, vector<1x2000x128xf32>
    %get3A_16 = vector.shape_cast %get3A_15 : vector<1x2000x128xf32> to vector<2000x128xf32>
    %add3A_17 = arith.addf %get3A_11, %get3A_16 : vector<2000x128xf32>
    %get3A_18 = arith.constant 0 : index
    %get3A_19 = arith.constant 0 : index
    %get3A_20 = vector.load %arg2[%get3A_18, %get3A_19] : memref<2000x128xf32, #tpu.memory_space<vmem>>, vector<2000x128xf32>
    %add3A_21 = arith.addf %add3A_17, %get3A_20 : vector<2000x128xf32>
    %mul3A = vector.broadcast %broadcast_in_dim3A : vector<2000x1xf32> to vector<2000x128xf32>
    %mul3A_22 = arith.mulf %mul3A, %add3A_21 : vector<2000x128xf32>
    %get3A_23 = arith.constant 0 : index
    %get3A_24 = arith.constant 0 : index
    %get3A_25 = vector.load %arg4[%get3A_23, %get3A_24] : memref<1x128xf32, #tpu.memory_space<vmem>>, vector<1x128xf32>
    %add3A_26 = vector.broadcast %get3A_25 : vector<1x128xf32> to vector<2000x128xf32>
    %add3A_27 = arith.addf %mul3A_22, %add3A_26 : vector<2000x128xf32>
    %gt3A = arith.constant 0.000000e+00 : f32
    %gt3A_28 = vector.broadcast %gt3A : f32 to vector<2000x128xf32>
    %gt3A_29 = arith.cmpf ogt, %add3A_27, %gt3A_28 : vector<2000x128xf32>
    %get3A_30 = arith.constant 0 : index
    %get3A_31 = arith.constant 0 : index
    %get3A_32 = vector.load %arg5[%get3A_30, %get3A_31] : memref<1x128xf32, #tpu.memory_space<vmem>>, vector<1x128xf32>
    %mul3A_33 = vector.broadcast %get3A_32 : vector<1x128xf32> to vector<2000x128xf32>
    %mul3A_34 = arith.mulf %mul3A_33, %add3A_27 : vector<2000x128xf32>
    %select_n3A = arith.select %gt3A_29, %add3A_27, %mul3A_34 : vector<2000x128xi1>, vector<2000x128xf32>
    %get3A_35 = arith.constant 0 : index
    %get3A_36 = arith.constant 0 : index
    %get3A_37 = vector.load %arg6[%get3A_35, %get3A_36] : memref<128x128xf32, #tpu.memory_space<vmem>>, vector<128x128xf32>
    %dot_general3A = arith.constant dense<0.000000e+00> : vector<2000x128xf32>
    %dot_general3A_38 = tpu.matmul %select_n3A, %get3A_37, %dot_general3A {dimension_numbers = #tpu.dot_dimension_numbers<[1], [0], [0], [1], [0, 0, 1, 1], [], []>, transpose_lhs_hint = false} : vector<2000x128xf32>, vector<128x128xf32>, vector<2000x128xf32> -> vector<2000x128xf32>
    %mul3A_39 = vector.broadcast %broadcast_in_dim3A : vector<2000x1xf32> to vector<2000x128xf32>
    %mul3A_40 = arith.mulf %mul3A_39, %dot_general3A_38 : vector<2000x128xf32>
    %swap3A = arith.constant 0 : index
    %swap3A_41 = arith.constant 0 : index
    %swap3A_42 = vector.load %arg7[%swap3A, %swap3A_41] : memref<2000x128xf32, #tpu.memory_space<vmem>>, vector<2000x128xf32>
    tpu.vector_store %arg7[%swap3A, %swap3A_41], %mul3A_40 {strides = array<i32>} : memref<2000x128xf32, #tpu.memory_space<vmem>>, vector<2000x128xf32>,
    return
  }
  func.func @transform_0(%arg0: i32) -> (i32, i32, i32) {
    %c0_i32 = arith.constant 0 : i32
    %c0_i32_0 = arith.constant 0 : i32
    %c0_i32_1 = arith.constant 0 : i32
    return %c0_i32, %arg0, %c0_i32_0 : i32, i32, i32
  }
  func.func @transform_1(%arg0: i32) -> (i32, i32) {
    %c0_i32 = arith.constant 0 : i32
    %c0_i32_0 = arith.constant 0 : i32
    return %arg0, %c0_i32 : i32, i32
  }
  func.func @transform_2(%arg0: i32) -> (i32, i32) {
    %c0_i32 = arith.constant 0 : i32
    %c0_i32_0 = arith.constant 0 : i32
    return %arg0, %c0_i32 : i32, i32
  }
  func.func @transform_3(%arg0: i32) -> (i32, i32) {
    %c0_i32 = arith.constant 0 : i32
    %c0_i32_0 = arith.constant 0 : i32
    %c0_i32_1 = arith.constant 0 : i32
    return %c0_i32, %c0_i32_0 : i32, i32
  }
  func.func @transform_4(%arg0: i32) -> (i32, i32) {
    %c0_i32 = arith.constant 0 : i32
    %c0_i32_0 = arith.constant 0 : i32
    %c0_i32_1 = arith.constant 0 : i32
    return %c0_i32, %c0_i32_0 : i32, i32
  }
  func.func @transform_5(%arg0: i32) -> (i32, i32) {
    %c0_i32 = arith.constant 0 : i32
    %c0_i32_0 = arith.constant 0 : i32
    %c0_i32_1 = arith.constant 0 : i32
    return %c0_i32, %c0_i32_0 : i32, i32
  }
  func.func @transform_6(%arg0: i32) -> (i32, i32) {
    %c0_i32 = arith.constant 0 : i32
    %c0_i32_0 = arith.constant 0 : i32
    return %arg0, %c0_i32 : i32, i32
  }
}

module attributes {stable_mosaic.version = 14 : i64} {
  func.func @body(%arg0: i32, %arg1: memref<2x2000x128xf32, #tpu.memory_space<vmem>>, %arg2: memref<2000x128xf32, #tpu.memory_space<vmem>>, %arg3: memref<2000x2xf32, #tpu.memory_space<vmem>>, %arg4: memref<1x128xf32, #tpu.memory_space<vmem>>, %arg5: memref<1x128xf32, #tpu.memory_space<vmem>>, %arg6: memref<2000x128xf32, #tpu.memory_space<vmem>>) attributes {dimension_semantics = [#tpu.dimension_semantics<arbitrary>], iteration_bounds = array<i64: 5>, scalar_prefetch = 0 : i64, scratch_operands = 0 : i64, tpu.core_type = #tpu.core_type<tc>, window_params = [{transform_indices = @transform_0, window_bounds = array<i64: 2, 2000, 128>}, {transform_indices = @transform_1, window_bounds = array<i64: 2000, 128>}, {transform_indices = @transform_2, window_bounds = array<i64: 2000, 2>}, {pipeline_mode = #tpu.pipeline_mode<synchronous>, transform_indices = @transform_3, window_bounds = array<i64: 1, 128>}, {pipeline_mode = #tpu.pipeline_mode<synchronous>, transform_indices = @transform_4, window_bounds = array<i64: 1, 128>}, {transform_indices = @transform_5, window_bounds = array<i64: 2000, 128>}]} {
    %get3A = arith.constant 0 : index
    %get3A_0 = arith.constant 0 : index
    %get3A_1 = vector.load %arg3[%get3A, %get3A_0] : memref<2000x2xf32, #tpu.memory_space<vmem>>, vector<2000x2xf32>
    %slice3A = vector.extract_strided_slice %get3A_1 {offsets = [0, 0], sizes = [2000, 1], strides = [1, 1]} : vector<2000x2xf32> to vector<2000x1xf32>
    %squeeze3A = vector.shape_cast %slice3A : vector<2000x1xf32> to vector<2000xf32>
    %add3A = arith.constant 1.000000e+00 : f32
    %add3A_2 = vector.broadcast %add3A : f32 to vector<2000xf32>
    %add3A_3 = arith.addf %add3A_2, %squeeze3A : vector<2000xf32>
    %slice3A_4 = vector.extract_strided_slice %get3A_1 {offsets = [0, 1], sizes = [2000, 1], strides = [1, 1]} : vector<2000x2xf32> to vector<2000x1xf32>
    %squeeze3A_5 = vector.shape_cast %slice3A_4 : vector<2000x1xf32> to vector<2000xf32>
    %add3A_6 = arith.addf %add3A_3, %squeeze3A_5 : vector<2000xf32>
    %rsqrt3A = math.rsqrt %add3A_6 : vector<2000xf32>
    %broadcast_in_dim3A = vector.shape_cast %rsqrt3A : vector<2000xf32> to vector<2000x1xf32>
    %get3A_7 = arith.constant 0 : index
    %get3A_8 = arith.constant 0 : index
    %get3A_9 = arith.constant 0 : index
    %get3A_10 = vector.load %arg1[%get3A_7, %get3A_8, %get3A_9] : memref<2x2000x128xf32, #tpu.memory_space<vmem>>, vector<1x2000x128xf32>
    %get3A_11 = vector.shape_cast %get3A_10 : vector<1x2000x128xf32> to vector<2000x128xf32>
    %get3A_12 = arith.constant 1 : index
    %get3A_13 = arith.constant 0 : index
    %get3A_14 = arith.constant 0 : index
    %get3A_15 = vector.load %arg1[%get3A_12, %get3A_13, %get3A_14] : memref<2x2000x128xf32, #tpu.memory_space<vmem>>, vector<1x2000x128xf32>
    %get3A_16 = vector.shape_cast %get3A_15 : vector<1x2000x128xf32> to vector<2000x128xf32>
    %add3A_17 = arith.addf %get3A_11, %get3A_16 : vector<2000x128xf32>
    %get3A_18 = arith.constant 0 : index
    %get3A_19 = arith.constant 0 : index
    %get3A_20 = vector.load %arg2[%get3A_18, %get3A_19] : memref<2000x128xf32, #tpu.memory_space<vmem>>, vector<2000x128xf32>
    %add3A_21 = arith.addf %add3A_17, %get3A_20 : vector<2000x128xf32>
    %mul3A = vector.broadcast %broadcast_in_dim3A : vector<2000x1xf32> to vector<2000x128xf32>
    %mul3A_22 = arith.mulf %mul3A, %add3A_21 : vector<2000x128xf32>
    %get3A_23 = arith.constant 0 : index
    %get3A_24 = arith.constant 0 : index
    %get3A_25 = vector.load %arg4[%get3A_23, %get3A_24] : memref<1x128xf32, #tpu.memory_space<vmem>>, vector<1x128xf32>
    %add3A_26 = vector.broadcast %get3A_25 : vector<1x128xf32> to vector<2000x128xf32>
    %add3A_27 = arith.addf %mul3A_22, %add3A_26 : vector<2000x128xf32>
    %gt3A = arith.constant 0.000000e+00 : f32
    %gt3A_28 = vector.broadcast %gt3A : f32 to vector<2000x128xf32>
    %gt3A_29 = arith.cmpf ogt, %add3A_27, %gt3A_28 : vector<2000x128xf32>
    %get3A_30 = arith.constant 0 : index
    %get3A_31 = arith.constant 0 : index
    %get3A_32 = vector.load %arg5[%get3A_30, %get3A_31] : memref<1x128xf32, #tpu.memory_space<vmem>>, vector<1x128xf32>
    %mul3A_33 = vector.broadcast %get3A_32 : vector<1x128xf32> to vector<2000x128xf32>
    %mul3A_34 = arith.mulf %mul3A_33, %add3A_27 : vector<2000x128xf32>
    %select_n3A = arith.select %gt3A_29, %add3A_27, %mul3A_34 : vector<2000x128xi1>, vector<2000x128xf32>
    %swap3A = arith.constant 0 : index
    %swap3A_35 = arith.constant 0 : index
    %swap3A_36 = vector.load %arg6[%swap3A, %swap3A_35] : memref<2000x128xf32, #tpu.memory_space<vmem>>, vector<2000x128xf32>
    tpu.vector_store %arg6[%swap3A, %swap3A_35], %select_n3A {strides = array<i32>} : memref<2000x128xf32, #tpu.memory_space<vmem>>, vector<2000x128xf32>,
    return
  }
  func.func @transform_0(%arg0: i32) -> (i32, i32, i32) {
    %c0_i32 = arith.constant 0 : i32
    %c0_i32_0 = arith.constant 0 : i32
    %c0_i32_1 = arith.constant 0 : i32
    return %c0_i32, %arg0, %c0_i32_0 : i32, i32, i32
  }
  func.func @transform_1(%arg0: i32) -> (i32, i32) {
    %c0_i32 = arith.constant 0 : i32
    %c0_i32_0 = arith.constant 0 : i32
    return %arg0, %c0_i32 : i32, i32
  }
  func.func @transform_2(%arg0: i32) -> (i32, i32) {
    %c0_i32 = arith.constant 0 : i32
    %c0_i32_0 = arith.constant 0 : i32
    return %arg0, %c0_i32 : i32, i32
  }
  func.func @transform_3(%arg0: i32) -> (i32, i32) {
    %c0_i32 = arith.constant 0 : i32
    %c0_i32_0 = arith.constant 0 : i32
    %c0_i32_1 = arith.constant 0 : i32
    return %c0_i32, %c0_i32_0 : i32, i32
  }
  func.func @transform_4(%arg0: i32) -> (i32, i32) {
    %c0_i32 = arith.constant 0 : i32
    %c0_i32_0 = arith.constant 0 : i32
    %c0_i32_1 = arith.constant 0 : i32
    return %c0_i32, %c0_i32_0 : i32, i32
  }
  func.func @transform_5(%arg0: i32) -> (i32, i32) {
    %c0_i32 = arith.constant 0 : i32
    %c0_i32_0 = arith.constant 0 : i32
    return %arg0, %c0_i32 : i32, i32
  }
}

</mosaic_0001>

<sc_bundles>
// kernel: kernel.11.cloned.1.call-start
scs
__scs_entry_jumppad:
0x0: {  	(pc) =	sbr.rel $0x88, $3  }
0x1: {  	(tag) =	ssettag $0x0;
	lr =	simm.s32 $0x1  }
0x2: {  	[smem:$0x3F98] =	sst lr;
	_ =	strace $0xD0000000  }
0x3: {  	_ = 	snop  }
0x4: {  	_ = 	snop  }
0x5: {  	_ = 	snop  }
0x6: {  	_ = 	snop  }
0x7: {  	_ = 	snop  }
__scs_overlays_trampoline_lowered:
0x8: {  	[smem:$0x3FA7] =	sst s0  }
0x9: {  	[smem:$0x3FA8] =	sst s1  }
0xa: {  	[smem:$0x3FA9] =	sst s2  }
0xb: {  	[smem:$0x3FAA] =	sst s3  }
0xc: {  	[smem:$0x3FAB] =	sst s4  }
0xd: {  	[smem:$0x3FAC] =	sst s5  }
0xe: {  	[smem:$0x3FAD] =	sst s6  }
0xf: {  	[smem:$0x3FAE] =	sst s7  }
0x10: {  	[smem:$0x3FAF] =	sst s8  }
0x11: {  	[smem:$0x3FB0] =	sst s9;
	s0 =	simm.s32 @!p0 $0x0  }
0x12: {  	s1 =	sld [smem:$0x3F96];
	s0 =	simm.s32 @p0 $0x1  }
0x13: {  	[smem:$0x3FB1] =	sst s0;
	s0 =	simm.s32 @!p1 $0x0  }
0x14: {  	s2 =	sld [smem:$0x3F95];
	s0 =	simm.s32 @p1 $0x1  }
0x15: {  	[smem:$0x3FB2] =	sst s0;
	s0 =	simm.s32 @!p2 $0x0  }
0x16: {  	s3 =	sld [smem:$0x3FDB];
	s0 =	simm.s32 @p2 $0x1  }
0x17: {  	s4 =	simm.s32 $0x1BF5;
	[smem:$0x3FB4] =	sst s0  }
0x18: {  	s0 =	sld [smem:$0x3F97];
	_ =	swait.ge [sflag:s4], $0x0  }
0x19: {  	s7 =	sld [smem:$0x3F98]  }
0x1a: {  	s8 =	sadd.s32 $0xFFFFE003, lr  }
0x1b: {  	s9 =	sadd.s32 $0xFFFFFEF7, lr;
	s5 =	simm.s32 $0xFFFFFFFF;
	p2 =	slt.u32 s8, $0xFFFFF086  }
0x1c: {  	p1 =	slt.u32 s9, $0xF7A;
	s5 =	simm.s32 @!p2 $0x0  }
0x1d: {  	s5 =	simm.s32 @p1 $0x1;
	p0 =	seq.s32 s7, s2  }
0x1e: {  	s7 =	smul.u32 @!p0 $0xF7A, s2;
	p2 =	seq.s32 @!p0 s5, $0x0  }
0x1f: {  	s9 =	smul.u32 $0xF7A, s1;
	s8 =	simm.s32 @!p0 $0x1BF5;
	p2 =	por !p2, p0  }
0x20: {  	[sflag:s8] =	ssyncset.s32 @!p0 $0xFFFFF086;
	s6 =	sadd.s32 @!p0 s3, s7;
	s7 =	simm.s32 @!p0 $0x108  }
0x21: {  	s3 =	sadd.s32 s3, s9;
	s6 =	sadd.s32 @!p0 $0x88, s6;
	s7 =	simm.s32 @p2 $0x1082  }
0x22: {  	[simem:s7], [sflag:s8] =	dma.local @!p0 [hbm:s6], $0xF7A  }
0x23: {  	s9 =	sor.u32 $0xD0000000, s2;
	s6 =	simm.s32 $0x108;
	_ =	swait.ge @!p0 [sflag:s8], $0x0  }
0x24: {  	s3 =	sadd.s32 $0x88, s3;
	s6 =	simm.s32 @!p1 $0x1082;
	[sflag:s4] =	ssyncset.s32 $0xFFFFF086  }
0x25: {  	[simem:s6], [sflag:s4] =	dma.local [hbm:s3], $0xF7A  }
0x26: {  	[smem:$0x3F98] =	sst s1;
	(tag) =	ssettag s2;
	_ =	strace s9  }
0x27: {  	s1 =	sld [smem:$0x3FA8]  }
0x28: {  	s2 =	sld [smem:$0x3FA9]  }
0x29: {  	s4 =	sld [smem:$0x3FAB]  }
0x2a: {  	p0 =	seq.s32 s5, $0x0;
	s5 =	sld [smem:$0x3FAC]  }
0x2b: {  	s6 =	sld [smem:$0x3FAD]  }
0x2c: {  	s7 =	sld [smem:$0x3FAE]  }
0x2d: {  	s3 =	simm.s32 $0x108;
	s8 =	sld [smem:$0x3FAF]  }
0x2e: {  	s3 =	simm.s32 @!p0 $0x1082;
	s9 =	sld [smem:$0x3FB0]  }
0x2f: {  	lr =	sadd.s32 s0, s3;
	s0 =	sld [smem:$0x3FA7]  }
0x30: {  	s3 =	sld [smem:$0x3FAA]  }
0x31: {  	[smem:$0x3FB3] =	sst s10  }
0x32: {  	s10 =	sld [smem:$0x3FB1];
	_ =	sdelay $0x3  }
0x33: {  	p0 =	seq.s32 s10, $0x1;
	s10 =	sld [smem:$0x3FB3];
	_ =	sdelay $0x3  }
0x34: {  	[smem:$0x3FB3] =	sst s10  }
0x35: {  	s10 =	sld [smem:$0x3FB2];
	_ =	sdelay $0x3  }
0x36: {  	p1 =	seq.s32 s10, $0x1;
	s10 =	sld [smem:$0x3FB3];
	_ =	sdelay $0x3  }
0x37: {  	[smem:$0x3FB3] =	sst s10  }
0x38: {  	s10 =	sld [smem:$0x3FB4]  }
0x39: {  	_ = 	snop;
	(pc) =	sbr.ind lr, $3  }
0x3a: {  	_ = 	snop  }
0x3b: {  	_ = 	snop  }
0x3c: {  	p2 =	seq.s32 s10, $0x1;
	s10 =	sld [smem:$0x3FB3]  }
0x3d: {  	_ =	shalt  }
0x3e: {  	_ =	shalt  }
0x3f: {  	_ =	shalt  }
0x40: {  	_ =	shalt  }
0x41: {  	_ =	shalt  }
0x42: {  	_ =	shalt  }
0x43: {  	_ =	shalt  }
0x44: {  	_ =	shalt  }
0x45: {  	_ =	shalt  }
0x46: {  	_ =	shalt  }
0x47: {  	_ =	shalt  }
0x48: {  	_ =	shalt  }
0x49: {  	_ =	shalt  }
0x4a: {  	_ =	shalt  }
0x4b: {  	_ =	shalt  }
0x4c: {  	_ =	shalt  }
0x4d: {  	_ =	shalt  }
0x4e: {  	_ =	shalt  }
0x4f: {  	_ =	shalt  }
0x50: {  	_ =	shalt  }
0x51: {  	_ =	shalt  }
0x52: {  	_ =	shalt  }
0x53: {  	_ =	shalt  }
0x54: {  	_ =	shalt  }
0x55: {  	_ =	shalt  }
0x56: {  	_ =	shalt  }
0x57: {  	_ =	shalt  }
0x58: {  	_ =	shalt  }
0x59: {  	_ =	shalt  }
0x5a: {  	_ =	shalt  }
0x5b: {  	_ =	shalt  }
0x5c: {  	_ =	shalt  }
0x5d: {  	_ =	shalt  }
0x5e: {  	_ =	shalt  }
0x5f: {  	_ =	shalt  }
0x60: {  	_ =	shalt  }
0x61: {  	_ =	shalt  }
0x62: {  	_ =	shalt  }
0x63: {  	_ =	shalt  }
0x64: {  	_ =	shalt  }
0x65: {  	_ =	shalt  }
0x66: {  	_ =	shalt  }
0x67: {  	_ =	shalt  }
0x68: {  	_ =	shalt  }
0x69: {  	_ =	shalt  }
0x6a: {  	_ =	shalt  }
0x6b: {  	_ =	shalt  }
0x6c: {  	_ =	shalt  }
0x6d: {  	_ =	shalt  }
0x6e: {  	_ =	shalt  }
0x6f: {  	_ =	shalt  }
0x70: {  	_ =	shalt  }
0x71: {  	_ =	shalt  }
0x72: {  	_ =	shalt  }
0x73: {  	_ =	shalt  }
0x74: {  	_ =	shalt  }
0x75: {  	_ =	shalt  }
0x76: {  	_ =	shalt  }
0x77: {  	_ =	shalt  }
0x78: {  	_ =	shalt  }
0x79: {  	_ =	shalt  }
0x7a: {  	_ =	shalt  }
0x7b: {  	_ =	shalt  }
0x7c: {  	_ =	shalt  }
0x7d: {  	_ =	shalt  }
0x7e: {  	_ =	shalt  }
0x7f: {  	_ =	shalt  }
0x80: {  	_ =	shalt  }
0x81: {  	_ =	shalt  }
0x82: {  	_ =	shalt  }
0x83: {  	_ =	shalt  }
0x84: {  	_ =	shalt  }
0x85: {  	_ =	shalt  }
0x86: {  	_ =	shalt  }
0x87: {  	_ =	shalt  }
.Lfunc_end0:
.L_simem_size_0:
called_computation.1_lowered:
.L_overlay_start_0:
0x88: {  	s2 =	sld [smem:$0x3FD9]  }
0x89: {  	s3 =	sld [smem:$0x3FFE];
	_ =	sdelay $0x1  }
0x8a: {  	s1 =	srdreg.scid  }
0x8b: {  	s0 =	sand.u32 $0x1, s1  }
0x8c: {  	s17 =	sshll.u32 s0, $0xA;
	s2 =	sadd.s32 s3, s2  }
0x8d: {  	s2 =	sadd.s32 s2, s17  }
0x8e: {  	[smem:$0x3FBF] =	sst s2  }
0x8f: {  	_ = 	snop  }
0x90: {  	s2 =	sld [smem:$0x3FD0];
	(tm) =	ssettm $0x1  }
0x91: {  	s18 =	sld [smem:$0x3FFB];
	_ =	sdelay $0x3  }
0x92: {  	_ =	strace s18  }
0x93: {  	s3 =	sld [smem:$0x3FFC];
	_ =	sdelay $0x3  }
0x94: {  	_ =	strace s3  }
0x95: {  	s3 =	sld [smem:$0x3FFD];
	_ =	sdelay $0x3  }
0x96: {  	_ =	strace s3  }
0x97: {  	_ =	strace $0x8FFFFFFF  }
0x98: {  	s19 =	sld [smem:$0x3FDB];
	_ =	sdelay $0x1  }
0x99: {  	s4 =	simm.s32 $_scs_section_size  }
0x9a: {  	s5 =	simm.s32 $_size__tile_overlayer_lowered;
	s6 =	simm.s32 $_tile_overlayer_lowered  }
0x9b: {  	s22 =	simm.s32 $0x1BFF;
	s21 =	sshll.u32 s6, $0x1;
	s3 =	sadd.s32 s4, s19  }
0x9c: {  	s7 =	simm.s32 $0x0;
	s20 =	sshll.u32 s5, $0x1;
	s5 =	sadd.s32 s21, s3  }
0x9d: {  	[timem:s7], [sflag:s22] =	dma.local [hbm:s5], s20  }
0x9e: {  	_ =	swait.ge [sflag:s22], s20  }
0x9f: {  	s4 =	ssub.s32 $0x0, s20;
	[sflag:s22] =	ssyncset.done $0x0  }
0xa0: {  	[sflag:s22] =	ssyncadd.s32 s4;
	_ =	sdelay $0x1  }
0xa1: {  	s23 =	simm.s32 $0x1B8B  }
0xa2: {  	_ =	swait.ge [sflag:s23], $0x1  }
0xa3: {  	[sflag:s23] =	ssyncset.done $0x0  }
0xa4: {  	s25 =	simm.s32 $0x1B8E;
	s24 =	sld [smem:$0x3FFE];
	[sflag:s23] =	ssyncadd.s32 $0xFFFFFFFF  }
0xa5: {  	s26 =	simm.s32 $execute0_lowered;
	[smem:$0x3FD2] =	sst s25  }
0xa6: {  	s5 =	sshll.u32 s26, $0x1;
	_ =	strace $0x80000049;
	[dreg:$0x1] =	wrdreg $0xFFFFFFFF  }
0xa7: {  	s28 =	simm.s32 $_size_execute0_lowered;
	s3 =	sadd.s32 s3, s5;
	[dreg:$0x0] =	wrdreg $0x0  }
0xa8: {  	s5 =	sshll.u32 s28, $0x1;
	[dreg:$0x2] =	wrdreg s3  }
0xa9: {  	[dreg:$0x3] =	wrdreg s5  }
0xaa: {  	[dreg:$0x4] =	wrdreg $0xC0  }
0xab: {  	_ =	task [dreg:s7], $0x5FFFF  }
0xac: {  	[dreg:$0x1] =	wrdreg $0xFFFFFFFF  }
0xad: {  	[dreg:$0x0] =	wrdreg $0x60  }
0xae: {  	[dreg:$0x2] =	wrdreg s2  }
0xaf: {  	[dreg:$0x3] =	wrdreg s24  }
0xb0: {  	[dreg:$0x4] =	wrdreg $0xA8000  }
0xb1: {  	[dreg:$0x5] =	wrdreg $0x9  }
0xb2: {  	_ =	task.clear_ibuf [dreg:s7], $0x6FFFF;
	_ =	strace $0x90000049  }
0xb3: {  	s29 =	simm.s32 $0x9;
	_ =	strace $0x8000004B  }
0xb4: {  	_ =	swait.ge [sflag:s29], $0x1  }
0xb5: {  	[sflag:s29] =	ssyncadd.s32 $0xFFFFFFFF  }
0xb6: {  	_ =	strace $0x9000004B  }
0xb7: {  	_ =	sfence  }
0xb8: {  	s30 =	sld [smem:$0x0];
	_ =	sdelay $0x2  }
0xb9: {  	s31 =	sshll.u32 s1, $0xD;
	s1 =	sshrl.u32 s1, $0x2  }
0xba: {  	s3 =	sand.u32 $0x4000, s31;
	s1 =	sadd.s32 s1, s30  }
0xbb: {  	s0 =	sor.u32 s3, s0;
	s1 =	sshll.u32 s1, $0x11  }
0xbc: {  	s0 =	sor.u32 s1, s0  }
0xbd: {  	s0 =	sadd.s32 $0x8F2B, s0  }
0xbe: {  	[sflag:s0] =	ssyncadd.remote.s32 $0x1  }
0xbf: {  	_ =	sfence.sel $0xFFFF  }
0xc0: {  	[dreg:$0x0] =	wrdreg $0xFFFFFFFF;
	(pc) =	sbr.abs _section_cstart, $3  }
0xc1: {  	[dreg:$0x1] =	wrdreg $0xFFFFFFFF  }
0xc2: {  	_ =	task.clear_ibuf [dreg:s7], $0x2FFFF;
	_ =	strace $0x9FFFFFFF  }
0xc3: {  	(tm) =	ssettm $0x7FFFFFFF  }
tec
execute0_lowered:
.L_overlay_start_1:
0x0: {  	(tag) =	ssettag $0x1  }
0x1: {  	s1 =	rddreg [dreg:$0x0]  }
0x2: {  	s0 =	rddreg [dreg:$0x1]  }
0x3: {  	s2 =	rddreg [dreg:$0x2];
	s3 =	simm.s32 $0x0;
	s4 =	srdreg.scid  }
0x4: {  	s5 =	stileid.u32;
	s22 =	simm.s32 $0x3;
	s23 =	simm.s32 $0x1400  }
0x5: {  	s24 =	simm.s32 $0x80;
	s28 =	simm.s32 $0x2;
	s29 =	simm.s32 $0x2700  }
0x6: {  	s30 =	simm.s32 $0x2780;
	s31 =	simm.s32 $0x0;
	[smem:$0x7FF] =	sst s3  }
0x7: {  	s13 =	sadd.s32 $0xD000, s0;
	s4 =	sand.u32 $0x1, s4;
	s14 =	sadd.s32 $0x2A00, s0  }
0x8: {  	s7 =	smul.u32 $0x50000, s5;
	s8 =	sadd.s32 $0x17000, s0;
	s0 =	sadd.s32 $0x17800, s0  }
0x9: {  	s9 =	sshll.u32 s5, $0x1;
	s15 =	smul.u32 $0x14000, s5;
	_ =	strace $0x8000004A  }
0xa: {  	s6 =	ssub.s32 $0x2, s4;
	[dreg:$0x4] =	wrdreg s8;
	s26 =	sor.u32 s4, s9  }
0xb: {  	s4 =	smul.u32 $0x140000, s4;
	s25 =	sshrl.u32 s6, $0x1;
	s7 =	sshrl.u32 s7, $0x2  }
0xc: {  	s16 =	sadd.s32 $0x4000, s15;
	s17 =	sadd.s32 $0x8000, s15;
	s9 =	smul.u32 $0x2800, s26  }
0xd: {  	s18 =	sadd.s32 $0xC000, s15;
	s19 =	sadd.s32 $0x10000, s15;
	s26 =	simm.s32 $0x1  }
0xe: {  	s20 =	ssub.s32 s6, s25;
	s6 =	sadd.s32 s7, s2;
	s7 =	sadd.s32 s16, s2  }
0xf: {  	s8 =	sadd.s32 s17, s2;
	s10 =	sadd.s32 s19, s2;
	s15 =	sadd.s32 s15, s4  }
0x10: {  	s16 =	sadd.s32 s4, s16;
	s17 =	sadd.s32 s4, s17;
	s25 =	simm.s32 $0x6800  }
0x11: {  	s21 =	sshrl.u32 s9, $0x3;
	s9 =	sadd.s32 s18, s2;
	s15 =	sshrl.u32 s15, $0x3  }
0x12: {  	s16 =	sshrl.u32 s16, $0x3;
	s18 =	sadd.s32 s4, s18;
	s17 =	sshrl.u32 s17, $0x3  }
0x13: {  	s4 =	sadd.s32 s4, s19;
	s20 =	smax.u32 s20, $0x1;
	s11 =	sadd.s32 s13, s21  }
0x14: {  	s12 =	sadd.s32 s14, s21;
	s21 =	sadd.s32 $0x280, s21;
	s15 =	sadd.s32 s0, s15  }
0x15: {  	s16 =	sadd.s32 s0, s16;
	s18 =	sshrl.u32 s18, $0x3;
	s17 =	sadd.s32 s0, s17  }
0x16: {  	s4 =	sshrl.u32 s4, $0x3;
	s13 =	sadd.s32 s13, s21;
	s14 =	sadd.s32 s14, s21  }
0x17: {  	s18 =	sadd.s32 s0, s18;
	s19 =	sadd.s32 s0, s4;
	s21 =	simm.s32 $0x2800  }
.LBB2_1:
0x18: {  	s0 =	rddreg [dreg:$0x4]  }
0x19: {  	[tilespmem:s21], [sflag:$0x3] =	stream.linear.gather [hbm4b:s0+s3], $0x4000, $0x38;
	[tilespmem:$0x1E800] =	vst v63  }
0x1a: {  	_ =	swait.ge [sflag:s22], $0x4000  }
0x1b: {  	[sflag:s22] =	ssyncset.done $0x0  }
0x1c: {  	[sflag:s22] =	ssyncadd.s32 $0xFFFFC000  }
0x1d: {  	[spmem:s6] =	stream.linear.scatter [tilespmem:s21], [sflag:$0x3], $0x4000, $0x38;
	[tilespmem:$0x1E800] =	vst v63  }
0x1e: {  	_ =	swait.ge [sflag:s22], $0x4000  }
0x1f: {  	[sflag:s22] =	ssyncset.done $0x0  }
0x20: {  	[sflag:s22] =	ssyncadd.s32 $0xFFFFC000  }
0x21: {  	[spmem:s7] =	stream.linear.scatter [tilespmem:s21], [sflag:$0x3], $0x4000, $0x38;
	[tilespmem:$0x1E800] =	vst v63  }
0x22: {  	_ =	swait.ge [sflag:s22], $0x4000  }
0x23: {  	[sflag:s22] =	ssyncset.done $0x0  }
0x24: {  	[sflag:s22] =	ssyncadd.s32 $0xFFFFC000  }
0x25: {  	[spmem:s8] =	stream.linear.scatter [tilespmem:s21], [sflag:$0x3], $0x4000, $0x38;
	[tilespmem:$0x1E800] =	vst v63  }
0x26: {  	_ =	swait.ge [sflag:s22], $0x4000  }
0x27: {  	[sflag:s22] =	ssyncset.done $0x0  }
0x28: {  	[sflag:s22] =	ssyncadd.s32 $0xFFFFC000  }
0x29: {  	[spmem:s9] =	stream.linear.scatter [tilespmem:s21], [sflag:$0x3], $0x4000, $0x38;
	[tilespmem:$0x1E800] =	vst v63  }
0x2a: {  	_ =	swait.ge [sflag:s22], $0x4000  }
0x2b: {  	[sflag:s22] =	ssyncset.done $0x0  }
0x2c: {  	[sflag:s22] =	ssyncadd.s32 $0xFFFFC000  }
0x2d: {  	[spmem:s10] =	stream.linear.scatter [tilespmem:s21], [sflag:$0x3], $0x4000, $0x38;
	[tilespmem:$0x1E800] =	vst v63  }
0x2e: {  	_ =	swait.ge [sflag:s22], $0x4000  }
0x2f: {  	[sflag:s22] =	ssyncset.done $0x0  }
0x30: {  	[sflag:s22] =	ssyncadd.s32 $0xFFFFC000  }
0x31: {  	[bflag:$0x0] =	sbarrier.arrive $0xFFFF  }
0x32: {  	[tilespmem:s3], [sflag:$0x3] =	stream.linear.gather [hbm4b:s11+s3], $0x1400, $0x38;
	[tilespmem:$0x1E800] =	vst v63  }
0x33: {  	_ =	swait.ge [sflag:s22], $0x1400  }
0x34: {  	[sflag:s22] =	ssyncset.done $0x0  }
0x35: {  	[sflag:s22] =	ssyncadd.s32 $0xFFFFEC00  }
0x36: {  	[tilespmem:s23], [sflag:$0x3] =	stream.linear.gather [hbm4b:s12+s3], $0x1400, $0x38;
	[tilespmem:$0x1E800] =	vst v63  }
0x37: {  	_ =	swait.ge [sflag:s22], $0x1400  }
0x38: {  	[sflag:s22] =	ssyncset.done $0x0  }
0x39: {  	[sflag:s22] =	ssyncadd.s32 $0xFFFFEC00  }
0x3a: {  	[tilespmem:s21], [sflag:$0x1] =	stream.indirect.gather [hbm4b:s1+s24], $0x80, s3, s24, $0xb8;
	[tilespmem:$0x1E800] =	vst v63  }
0x3b: {  	_ = 	snop  }
0x3c: {  	[tilespmem:s25], [sflag:$0x2] =	stream.indirect.gather [hbm4b:s1+s24], $0x80, s24, s24, $0xb8;
	[tilespmem:$0x1E800] =	vst v63  }
0x3d: {  	_ =	swait.ge [sflag:s26], $0x4000  }
0x3e: {  	[sflag:s26] =	ssyncset.done $0x0  }
0x3f: {  	s5 =	simm.s32 $0x1400;
	[sflag:s26] =	ssyncadd.s32 $0xFFFFC000  }
0x40: {  	[spmem:s2] =	stream.indirect.scatter.add.f32 [tilespmem:s21], [sflag:$0x3], $0x80, s5, s24, $0xb8;
	[tilespmem:$0x1E800] =	vst v63  }
0x41: {  	_ =	swait.ge [sflag:s22], $0x4000  }
0x42: {  	[sflag:s22] =	ssyncset.done $0x0  }
0x43: {  	s4 =	simm.s32 $0x100;
	[sflag:s22] =	ssyncadd.s32 $0xFFFFC000  }
0x44: {  	[tilespmem:s21], [sflag:$0x1] =	stream.indirect.gather [hbm4b:s1+s24], $0x80, s4, s24, $0xb8;
	[tilespmem:$0x1E800] =	vst v63  }
0x45: {  	_ =	swait.ge [sflag:s28], $0x4000  }
0x46: {  	[sflag:s28] =	ssyncset.done $0x0  }
0x47: {  	s5 =	simm.s32 $0x1480;
	[sflag:s28] =	ssyncadd.s32 $0xFFFFC000  }
0x48: {  	[spmem:s2] =	stream.indirect.scatter.add.f32 [tilespmem:s25], [sflag:$0x3], $0x80, s5, s24, $0xb8;
	[tilespmem:$0x1E800] =	vst v63  }
0x49: {  	_ =	swait.ge [sflag:s22], $0x4000  }
0x4a: {  	[sflag:s22] =	ssyncset.done $0x0  }
0x4b: {  	s0 =	simm.s32 $0x400;
	s4 =	simm.s32 $0x180;
	[sflag:s22] =	ssyncadd.s32 $0xFFFFC000  }
.LBB2_2:
0x4c: {  	[tilespmem:s25], [sflag:$0x2] =	stream.indirect.gather [hbm4b:s1+s24], $0x80, s4, s24, $0xb8;
	[tilespmem:$0x1E800] =	vst v63  }
0x4d: {  	s4 =	smov.u32 s0  }
0x4e: {  	p0 =	sne.s32 s0, $0x4800;
	s0 =	sadd.s32 $0x400, s0;
	_ =	swait.ge [sflag:s26], $0x4000  }
0x4f: {  	s4 =	sshra.s32 s4, $0x2;
	[sflag:s26] =	ssyncset.done $0x0  }
0x50: {  	s5 =	sadd.s32 $0x1400, s4;
	[sflag:s26] =	ssyncadd.s32 $0xFFFFC000  }
0x51: {  	[spmem:s2] =	stream.indirect.scatter.add.f32 [tilespmem:s21], [sflag:$0x3], $0x80, s5, s24, $0xb8;
	[tilespmem:$0x1E800] =	vst v63  }
0x52: {  	_ =	swait.ge [sflag:s22], $0x4000  }
0x53: {  	[sflag:s22] =	ssyncset.done $0x0  }
0x54: {  	s5 =	sadd.s32 $0x100, s4;
	[sflag:s22] =	ssyncadd.s32 $0xFFFFC000  }
0x55: {  	[tilespmem:s21], [sflag:$0x1] =	stream.indirect.gather [hbm4b:s1+s24], $0x80, s5, s24, $0xb8;
	[tilespmem:$0x1E800] =	vst v63  }
0x56: {  	_ =	swait.ge [sflag:s28], $0x4000  }
0x57: {  	[sflag:s28] =	ssyncset.done $0x0  }
.Ltmp0:
0x58: {  	s5 =	sadd.s32 $0x1480, s4;
	[sflag:s28] =	ssyncadd.s32 $0xFFFFC000;
	(pc) =	sbr.rel @p0 .LBB2_2-.Ltmp0, $4  }
0x59: {  	[spmem:s2] =	stream.indirect.scatter.add.f32 [tilespmem:s25], [sflag:$0x3], $0x80, s5, s24, $0xb8;
	[tilespmem:$0x1E800] =	vst v63  }
0x5a: {  	_ =	swait.ge [sflag:s22], $0x4000  }
0x5b: {  	[sflag:s22] =	ssyncset.done $0x0  }
0x5c: {  	s4 =	sadd.s32 $0x180, s4;
	[sflag:s22] =	ssyncadd.s32 $0xFFFFC000  }
0x5d: {  	[tilespmem:s25], [sflag:$0x2] =	stream.indirect.gather [hbm4b:s1+s24], $0x80, s4, s24, $0xb8;
	[tilespmem:$0x1E800] =	vst v63  }
0x5e: {  	_ =	swait.ge [sflag:s26], $0x4000  }
0x5f: {  	[sflag:s26] =	ssyncset.done $0x0  }
0x60: {  	[sflag:s26] =	ssyncadd.s32 $0xFFFFC000  }
0x61: {  	[spmem:s2] =	stream.indirect.scatter.add.f32 [tilespmem:s21], [sflag:$0x3], $0x80, s29, s24, $0xb8;
	[tilespmem:$0x1E800] =	vst v63  }
0x62: {  	_ =	swait.ge [sflag:s22], $0x4000  }
0x63: {  	[sflag:s22] =	ssyncset.done $0x0  }
0x64: {  	[sflag:s22] =	ssyncadd.s32 $0xFFFFC000  }
0x65: {  	_ =	swait.ge [sflag:s28], $0x4000  }
0x66: {  	[sflag:s28] =	ssyncset.done $0x0  }
0x67: {  	[sflag:s28] =	ssyncadd.s32 $0xFFFFC000  }
0x68: {  	[spmem:s2] =	stream.indirect.scatter.add.f32 [tilespmem:s25], [sflag:$0x3], $0x80, s30, s24, $0xb8;
	[tilespmem:$0x1E800] =	vst v63  }
0x69: {  	_ =	swait.ge [sflag:s22], $0x4000  }
0x6a: {  	[sflag:s22] =	ssyncset.done $0x0  }
0x6b: {  	s0 =	simm.s32 $0x0;
	[sflag:s22] =	ssyncadd.s32 $0xFFFFC000  }
0x6c: {  	[tilespmem:s0], [sflag:$0x3] =	stream.linear.gather [hbm4b:s13+s0], $0x1400, $0x38;
	[tilespmem:$0x1E800] =	vst v63  }
0x6d: {  	_ =	swait.ge [sflag:s22], $0x1400  }
0x6e: {  	[sflag:s22] =	ssyncset.done $0x0  }
0x6f: {  	[sflag:s22] =	ssyncadd.s32 $0xFFFFEC00  }
0x70: {  	[tilespmem:s23], [sflag:$0x3] =	stream.linear.gather [hbm4b:s14+s0], $0x1400, $0x38;
	[tilespmem:$0x1E800] =	vst v63  }
0x71: {  	_ =	swait.ge [sflag:s22], $0x1400  }
0x72: {  	[sflag:s22] =	ssyncset.done $0x0  }
0x73: {  	[sflag:s22] =	ssyncadd.s32 $0xFFFFEC00  }
0x74: {  	[tilespmem:s21], [sflag:$0x1] =	stream.indirect.gather [hbm4b:s1+s24], $0x80, s0, s24, $0xb8;
	[tilespmem:$0x1E800] =	vst v63  }
0x75: {  	_ = 	snop  }
0x76: {  	[tilespmem:s25], [sflag:$0x2] =	stream.indirect.gather [hbm4b:s1+s24], $0x80, s24, s24, $0xb8;
	[tilespmem:$0x1E800] =	vst v63  }
0x77: {  	_ =	swait.ge [sflag:s26], $0x4000  }
0x78: {  	[sflag:s26] =	ssyncset.done $0x0  }
0x79: {  	s5 =	simm.s32 $0x1400;
	[sflag:s26] =	ssyncadd.s32 $0xFFFFC000  }
0x7a: {  	[spmem:s2] =	stream.indirect.scatter.add.f32 [tilespmem:s21], [sflag:$0x3], $0x80, s5, s24, $0xb8;
	[tilespmem:$0x1E800] =	vst v63  }
0x7b: {  	_ =	swait.ge [sflag:s22], $0x4000  }
0x7c: {  	[sflag:s22] =	ssyncset.done $0x0  }
0x7d: {  	s4 =	simm.s32 $0x100;
	[sflag:s22] =	ssyncadd.s32 $0xFFFFC000  }
0x7e: {  	[tilespmem:s21], [sflag:$0x1] =	stream.indirect.gather [hbm4b:s1+s24], $0x80, s4, s24, $0xb8;
	[tilespmem:$0x1E800] =	vst v63  }
0x7f: {  	_ =	swait.ge [sflag:s28], $0x4000  }
0x80: {  	[sflag:s28] =	ssyncset.done $0x0  }
0x81: {  	s5 =	simm.s32 $0x1480;
	[sflag:s28] =	ssyncadd.s32 $0xFFFFC000  }
0x82: {  	[spmem:s2] =	stream.indirect.scatter.add.f32 [tilespmem:s25], [sflag:$0x3], $0x80, s5, s24, $0xb8;
	[tilespmem:$0x1E800] =	vst v63  }
0x83: {  	_ =	swait.ge [sflag:s22], $0x4000  }
0x84: {  	[sflag:s22] =	ssyncset.done $0x0  }
0x85: {  	s0 =	simm.s32 $0x400;
	s4 =	simm.s32 $0x180;
	[sflag:s22] =	ssyncadd.s32 $0xFFFFC000  }
.LBB2_4:
0x86: {  	[tilespmem:s25], [sflag:$0x2] =	stream.indirect.gather [hbm4b:s1+s24], $0x80, s4, s24, $0xb8;
	[tilespmem:$0x1E800] =	vst v63  }
0x87: {  	s4 =	smov.u32 s0  }
0x88: {  	p0 =	sne.s32 s0, $0x4800;
	s0 =	sadd.s32 $0x400, s0;
	_ =	swait.ge [sflag:s26], $0x4000  }
0x89: {  	s4 =	sshra.s32 s4, $0x2;
	[sflag:s26] =	ssyncset.done $0x0  }
0x8a: {  	s5 =	sadd.s32 $0x1400, s4;
	[sflag:s26] =	ssyncadd.s32 $0xFFFFC000  }
0x8b: {  	[spmem:s2] =	stream.indirect.scatter.add.f32 [tilespmem:s21], [sflag:$0x3], $0x80, s5, s24, $0xb8;
	[tilespmem:$0x1E800] =	vst v63  }
0x8c: {  	_ =	swait.ge [sflag:s22], $0x4000  }
0x8d: {  	[sflag:s22] =	ssyncset.done $0x0  }
0x8e: {  	s5 =	sadd.s32 $0x100, s4;
	[sflag:s22] =	ssyncadd.s32 $0xFFFFC000  }
0x8f: {  	[tilespmem:s21], [sflag:$0x1] =	stream.indirect.gather [hbm4b:s1+s24], $0x80, s5, s24, $0xb8;
	[tilespmem:$0x1E800] =	vst v63  }
0x90: {  	_ =	swait.ge [sflag:s28], $0x4000  }
0x91: {  	[sflag:s28] =	ssyncset.done $0x0  }
.Ltmp1:
0x92: {  	s5 =	sadd.s32 $0x1480, s4;
	[sflag:s28] =	ssyncadd.s32 $0xFFFFC000;
	(pc) =	sbr.rel @p0 .LBB2_4-.Ltmp1, $4  }
0x93: {  	[spmem:s2] =	stream.indirect.scatter.add.f32 [tilespmem:s25], [sflag:$0x3], $0x80, s5, s24, $0xb8;
	[tilespmem:$0x1E800] =	vst v63  }
0x94: {  	_ =	swait.ge [sflag:s22], $0x4000  }
0x95: {  	[sflag:s22] =	ssyncset.done $0x0  }
0x96: {  	s4 =	sadd.s32 $0x180, s4;
	[sflag:s22] =	ssyncadd.s32 $0xFFFFC000  }
0x97: {  	[tilespmem:s25], [sflag:$0x2] =	stream.indirect.gather [hbm4b:s1+s24], $0x80, s4, s24, $0xb8;
	[tilespmem:$0x1E800] =	vst v63  }
0x98: {  	_ =	swait.ge [sflag:s26], $0x4000  }
0x99: {  	[sflag:s26] =	ssyncset.done $0x0  }
0x9a: {  	[sflag:s26] =	ssyncadd.s32 $0xFFFFC000  }
0x9b: {  	[spmem:s2] =	stream.indirect.scatter.add.f32 [tilespmem:s21], [sflag:$0x3], $0x80, s29, s24, $0xb8;
	[tilespmem:$0x1E800] =	vst v63  }
0x9c: {  	_ =	swait.ge [sflag:s22], $0x4000  }
0x9d: {  	[sflag:s22] =	ssyncset.done $0x0  }
0x9e: {  	[sflag:s22] =	ssyncadd.s32 $0xFFFFC000  }
0x9f: {  	_ =	swait.ge [sflag:s28], $0x4000  }
0xa0: {  	[sflag:s28] =	ssyncset.done $0x0  }
0xa1: {  	[sflag:s28] =	ssyncadd.s32 $0xFFFFC000  }
0xa2: {  	[spmem:s2] =	stream.indirect.scatter.add.f32 [tilespmem:s25], [sflag:$0x3], $0x80, s30, s24, $0xb8;
	[tilespmem:$0x1E800] =	vst v63  }
0xa3: {  	_ =	swait.ge [sflag:s22], $0x4000  }
0xa4: {  	[sflag:s22] =	ssyncset.done $0x0  }
0xa5: {  	[sflag:s22] =	ssyncadd.s32 $0xFFFFC000  }
0xa6: {  	[bflag:$0x0] =	sbarrier.arrive $0xFFFF  }
0xa7: {  	[tilespmem:s21], [sflag:$0x3] =	stream.linear.gather [spmem:s6], $0x4000, $0x38;
	[tilespmem:$0x1E800] =	vst v63  }
0xa8: {  	_ =	swait.ge [sflag:s22], $0x4000  }
0xa9: {  	[sflag:s22] =	ssyncset.done $0x0  }
0xaa: {  	[sflag:s22] =	ssyncadd.s32 $0xFFFFC000  }
0xab: {  	[hbm4b:s15+s3] =	stream.linear.scatter [tilespmem:s21], [sflag:$0x3], $0x4000, $0x38;
	[tilespmem:$0x1E800] =	vst v63  }
0xac: {  	_ =	swait.ge [sflag:s22], $0x4000  }
0xad: {  	[sflag:s22] =	ssyncset.done $0x0  }
0xae: {  	[sflag:s22] =	ssyncadd.s32 $0xFFFFC000  }
0xaf: {  	[tilespmem:s25], [sflag:$0x3] =	stream.linear.gather [spmem:s7], $0x4000, $0x38;
	[tilespmem:$0x1E800] =	vst v63  }
0xb0: {  	_ =	swait.ge [sflag:s22], $0x4000  }
0xb1: {  	[sflag:s22] =	ssyncset.done $0x0  }
0xb2: {  	[sflag:s22] =	ssyncadd.s32 $0xFFFFC000  }
0xb3: {  	[hbm4b:s16+s3] =	stream.linear.scatter [tilespmem:s25], [sflag:$0x3], $0x4000, $0x38;
	[tilespmem:$0x1E800] =	vst v63  }
0xb4: {  	_ =	swait.ge [sflag:s22], $0x4000  }
0xb5: {  	[sflag:s22] =	ssyncset.done $0x0  }
0xb6: {  	[sflag:s22] =	ssyncadd.s32 $0xFFFFC000  }
0xb7: {  	[tilespmem:s21], [sflag:$0x3] =	stream.linear.gather [spmem:s8], $0x4000, $0x38;
	[tilespmem:$0x1E800] =	vst v63  }
0xb8: {  	_ =	swait.ge [sflag:s22], $0x4000  }
0xb9: {  	[sflag:s22] =	ssyncset.done $0x0  }
0xba: {  	[sflag:s22] =	ssyncadd.s32 $0xFFFFC000  }
0xbb: {  	[hbm4b:s17+s3] =	stream.linear.scatter [tilespmem:s21], [sflag:$0x3], $0x4000, $0x38;
	[tilespmem:$0x1E800] =	vst v63  }
0xbc: {  	_ =	swait.ge [sflag:s22], $0x4000  }
0xbd: {  	[sflag:s22] =	ssyncset.done $0x0  }
0xbe: {  	[sflag:s22] =	ssyncadd.s32 $0xFFFFC000  }
0xbf: {  	[tilespmem:s25], [sflag:$0x3] =	stream.linear.gather [spmem:s9], $0x4000, $0x38;
	[tilespmem:$0x1E800] =	vst v63  }
0xc0: {  	_ =	swait.ge [sflag:s22], $0x4000  }
0xc1: {  	[sflag:s22] =	ssyncset.done $0x0  }
0xc2: {  	[sflag:s22] =	ssyncadd.s32 $0xFFFFC000  }
0xc3: {  	[hbm4b:s18+s3] =	stream.linear.scatter [tilespmem:s25], [sflag:$0x3], $0x4000, $0x38;
	[tilespmem:$0x1E800] =	vst v63  }
0xc4: {  	_ =	swait.ge [sflag:s22], $0x4000  }
0xc5: {  	[sflag:s22] =	ssyncset.done $0x0  }
0xc6: {  	[sflag:s22] =	ssyncadd.s32 $0xFFFFC000  }
0xc7: {  	[tilespmem:s21], [sflag:$0x3] =	stream.linear.gather [spmem:s10], $0x4000, $0x38;
	[tilespmem:$0x1E800] =	vst v63  }
0xc8: {  	s31 =	sadd.s32 $0x1, s31;
	_ =	swait.ge [sflag:s22], $0x4000  }
0xc9: {  	p0 =	sne.s32 s31, s20;
	[sflag:s22] =	ssyncset.done $0x0  }
.Ltmp2:
0xca: {  	[sflag:s22] =	ssyncadd.s32 $0xFFFFC000;
	(pc) =	sbr.rel @p0 .LBB2_1-.Ltmp2, $4  }
0xcb: {  	[hbm4b:s19+s3] =	stream.linear.scatter [tilespmem:s21], [sflag:$0x3], $0x4000, $0x38;
	[tilespmem:$0x1E800] =	vst v63  }
0xcc: {  	_ =	swait.ge [sflag:s22], $0x4000  }
0xcd: {  	[sflag:s22] =	ssyncset.done $0x0  }
0xce: {  	[sflag:s22] =	ssyncadd.s32 $0xFFFFC000  }
0xcf: {  	_ =	sfence.sel $0x180000  }
0xd0: {  	[bflag:$0x0] =	sbarrier.arrive $0xFFFF  }
0xd1: {  	_ =	strace $0x9000004A  }
0xd2: {  	s0 =	stileid.u32;
	[bflag:$0x2] =	sbarrier.arrive $0xFFFF  }
0xd3: {  	p0 =	sne.s32 s0, $0x0;
	s0 =	rddreg [dreg:$0x3]  }
0xd4: {  	s0 =	sadd.s32 @!p0 $0x100000, s0  }
0xd5: {  	[sflag:s0] =	ssyncadd.tile.s32 @!p0 $0x1;
	_ =	shalt  }
.Lfunc_end2:
_tile_overlayer_lowered:
.L_overlay_start_2:
0xd6: {  	(tag) =	ssettag $0x2  }
0xd7: {  	s0 =	rddreg [dreg:$0x0];
	s2 =	stileid.u32  }
0xd8: {  	s1 =	rddreg [dreg:$0x1];
	p0 =	sne.s32 s2, $0x0  }
0xd9: {  	s3 =	rddreg [dreg:$0x2];
	[bflag:$0x3] =	sbarrier.arrive $0xFFFF;
	s2 =	simm.s32 @!p0 $0x1C03  }
0xda: {  	[timem:s3], [sflag:s2] =	dma.local @!p0 [hbm:s0], s1  }
0xdb: {  	s0 =	simm.s32 @!p0 $0x3  }
0xdc: {  	_ =	swait.ge @!p0 [sflag:s0], s1  }
0xdd: {  	s1 =	ssub.s32 @!p0 $0x0, s1;
	[sflag:s0] =	ssyncset.done @!p0 $0x0  }
0xde: {  	[sflag:s0] =	ssyncadd.s32 @!p0 s1  }
0xdf: {  	[bflag:$0x3] =	sbarrier.arrive $0xFFFF  }
0xe0: {  	_ =	shalt  }

// kernel: kernel.14.cloned.1.call-start
scs
__scs_entry_jumppad:
0x0: {  	(pc) =	sbr.rel $0x88, $3  }
0x1: {  	(tag) =	ssettag $0x0;
	lr =	simm.s32 $0x1  }
0x2: {  	[smem:$0x3F98] =	sst lr;
	_ =	strace $0xD0000000  }
0x3: {  	_ = 	snop  }
0x4: {  	_ = 	snop  }
0x5: {  	_ = 	snop  }
0x6: {  	_ = 	snop  }
0x7: {  	_ = 	snop  }
__scs_overlays_trampoline_lowered:
0x8: {  	[smem:$0x3FA7] =	sst s0  }
0x9: {  	[smem:$0x3FA8] =	sst s1  }
0xa: {  	[smem:$0x3FA9] =	sst s2  }
0xb: {  	[smem:$0x3FAA] =	sst s3  }
0xc: {  	[smem:$0x3FAB] =	sst s4  }
0xd: {  	[smem:$0x3FAC] =	sst s5  }
0xe: {  	[smem:$0x3FAD] =	sst s6  }
0xf: {  	[smem:$0x3FAE] =	sst s7  }
0x10: {  	[smem:$0x3FAF] =	sst s8  }
0x11: {  	[smem:$0x3FB0] =	sst s9;
	s0 =	simm.s32 @!p0 $0x0  }
0x12: {  	s1 =	sld [smem:$0x3F96];
	s0 =	simm.s32 @p0 $0x1  }
0x13: {  	[smem:$0x3FB1] =	sst s0;
	s0 =	simm.s32 @!p1 $0x0  }
0x14: {  	s2 =	sld [smem:$0x3F95];
	s0 =	simm.s32 @p1 $0x1  }
0x15: {  	[smem:$0x3FB2] =	sst s0;
	s0 =	simm.s32 @!p2 $0x0  }
0x16: {  	s3 =	sld [smem:$0x3FDB];
	s0 =	simm.s32 @p2 $0x1  }
0x17: {  	s4 =	simm.s32 $0x1BF5;
	[smem:$0x3FB4] =	sst s0  }
0x18: {  	s0 =	sld [smem:$0x3F97];
	_ =	swait.ge [sflag:s4], $0x0  }
0x19: {  	s7 =	sld [smem:$0x3F98]  }
0x1a: {  	s8 =	sadd.s32 $0xFFFFE003, lr  }
0x1b: {  	s9 =	sadd.s32 $0xFFFFFEF7, lr;
	s5 =	simm.s32 $0xFFFFFFFF;
	p2 =	slt.u32 s8, $0xFFFFF086  }
0x1c: {  	p1 =	slt.u32 s9, $0xF7A;
	s5 =	simm.s32 @!p2 $0x0  }
0x1d: {  	s5 =	simm.s32 @p1 $0x1;
	p0 =	seq.s32 s7, s2  }
0x1e: {  	s7 =	smul.u32 @!p0 $0xF7A, s2;
	p2 =	seq.s32 @!p0 s5, $0x0  }
0x1f: {  	s9 =	smul.u32 $0xF7A, s1;
	s8 =	simm.s32 @!p0 $0x1BF5;
	p2 =	por !p2, p0  }
0x20: {  	[sflag:s8] =	ssyncset.s32 @!p0 $0xFFFFF086;
	s6 =	sadd.s32 @!p0 s3, s7;
	s7 =	simm.s32 @!p0 $0x108  }
0x21: {  	s3 =	sadd.s32 s3, s9;
	s6 =	sadd.s32 @!p0 $0x88, s6;
	s7 =	simm.s32 @p2 $0x1082  }
0x22: {  	[simem:s7], [sflag:s8] =	dma.local @!p0 [hbm:s6], $0xF7A  }
0x23: {  	s9 =	sor.u32 $0xD0000000, s2;
	s6 =	simm.s32 $0x108;
	_ =	swait.ge @!p0 [sflag:s8], $0x0  }
0x24: {  	s3 =	sadd.s32 $0x88, s3;
	s6 =	simm.s32 @!p1 $0x1082;
	[sflag:s4] =	ssyncset.s32 $0xFFFFF086  }
0x25: {  	[simem:s6], [sflag:s4] =	dma.local [hbm:s3], $0xF7A  }
0x26: {  	[smem:$0x3F98] =	sst s1;
	(tag) =	ssettag s2;
	_ =	strace s9  }
0x27: {  	s1 =	sld [smem:$0x3FA8]  }
0x28: {  	s2 =	sld [smem:$0x3FA9]  }
0x29: {  	s4 =	sld [smem:$0x3FAB]  }
0x2a: {  	p0 =	seq.s32 s5, $0x0;
	s5 =	sld [smem:$0x3FAC]  }
0x2b: {  	s6 =	sld [smem:$0x3FAD]  }
0x2c: {  	s7 =	sld [smem:$0x3FAE]  }
0x2d: {  	s3 =	simm.s32 $0x108;
	s8 =	sld [smem:$0x3FAF]  }
0x2e: {  	s3 =	simm.s32 @!p0 $0x1082;
	s9 =	sld [smem:$0x3FB0]  }
0x2f: {  	lr =	sadd.s32 s0, s3;
	s0 =	sld [smem:$0x3FA7]  }
0x30: {  	s3 =	sld [smem:$0x3FAA]  }
0x31: {  	[smem:$0x3FB3] =	sst s10  }
0x32: {  	s10 =	sld [smem:$0x3FB1];
	_ =	sdelay $0x3  }
0x33: {  	p0 =	seq.s32 s10, $0x1;
	s10 =	sld [smem:$0x3FB3];
	_ =	sdelay $0x3  }
0x34: {  	[smem:$0x3FB3] =	sst s10  }
0x35: {  	s10 =	sld [smem:$0x3FB2];
	_ =	sdelay $0x3  }
0x36: {  	p1 =	seq.s32 s10, $0x1;
	s10 =	sld [smem:$0x3FB3];
	_ =	sdelay $0x3  }
0x37: {  	[smem:$0x3FB3] =	sst s10  }
0x38: {  	s10 =	sld [smem:$0x3FB4]  }
0x39: {  	_ = 	snop;
	(pc) =	sbr.ind lr, $3  }
0x3a: {  	_ = 	snop  }
0x3b: {  	_ = 	snop  }
0x3c: {  	p2 =	seq.s32 s10, $0x1;
	s10 =	sld [smem:$0x3FB3]  }
0x3d: {  	_ =	shalt  }
0x3e: {  	_ =	shalt  }
0x3f: {  	_ =	shalt  }
0x40: {  	_ =	shalt  }
0x41: {  	_ =	shalt  }
0x42: {  	_ =	shalt  }
0x43: {  	_ =	shalt  }
0x44: {  	_ =	shalt  }
0x45: {  	_ =	shalt  }
0x46: {  	_ =	shalt  }
0x47: {  	_ =	shalt  }
0x48: {  	_ =	shalt  }
0x49: {  	_ =	shalt  }
0x4a: {  	_ =	shalt  }
0x4b: {  	_ =	shalt  }
0x4c: {  	_ =	shalt  }
0x4d: {  	_ =	shalt  }
0x4e: {  	_ =	shalt  }
0x4f: {  	_ =	shalt  }
0x50: {  	_ =	shalt  }
0x51: {  	_ =	shalt  }
0x52: {  	_ =	shalt  }
0x53: {  	_ =	shalt  }
0x54: {  	_ =	shalt  }
0x55: {  	_ =	shalt  }
0x56: {  	_ =	shalt  }
0x57: {  	_ =	shalt  }
0x58: {  	_ =	shalt  }
0x59: {  	_ =	shalt  }
0x5a: {  	_ =	shalt  }
0x5b: {  	_ =	shalt  }
0x5c: {  	_ =	shalt  }
0x5d: {  	_ =	shalt  }
0x5e: {  	_ =	shalt  }
0x5f: {  	_ =	shalt  }
0x60: {  	_ =	shalt  }
0x61: {  	_ =	shalt  }
0x62: {  	_ =	shalt  }
0x63: {  	_ =	shalt  }
0x64: {  	_ =	shalt  }
0x65: {  	_ =	shalt  }
0x66: {  	_ =	shalt  }
0x67: {  	_ =	shalt  }
0x68: {  	_ =	shalt  }
0x69: {  	_ =	shalt  }
0x6a: {  	_ =	shalt  }
0x6b: {  	_ =	shalt  }
0x6c: {  	_ =	shalt  }
0x6d: {  	_ =	shalt  }
0x6e: {  	_ =	shalt  }
0x6f: {  	_ =	shalt  }
0x70: {  	_ =	shalt  }
0x71: {  	_ =	shalt  }
0x72: {  	_ =	shalt  }
0x73: {  	_ =	shalt  }
0x74: {  	_ =	shalt  }
0x75: {  	_ =	shalt  }
0x76: {  	_ =	shalt  }
0x77: {  	_ =	shalt  }
0x78: {  	_ =	shalt  }
0x79: {  	_ =	shalt  }
0x7a: {  	_ =	shalt  }
0x7b: {  	_ =	shalt  }
0x7c: {  	_ =	shalt  }
0x7d: {  	_ =	shalt  }
0x7e: {  	_ =	shalt  }
0x7f: {  	_ =	shalt  }
0x80: {  	_ =	shalt  }
0x81: {  	_ =	shalt  }
0x82: {  	_ =	shalt  }
0x83: {  	_ =	shalt  }
0x84: {  	_ =	shalt  }
0x85: {  	_ =	shalt  }
0x86: {  	_ =	shalt  }
0x87: {  	_ =	shalt  }
.Lfunc_end0:
.L_simem_size_0:
called_computation.2_lowered:
.L_overlay_start_0:
0x88: {  	s2 =	sld [smem:$0x3FD9]  }
0x89: {  	s3 =	sld [smem:$0x3FFE];
	_ =	sdelay $0x1  }
0x8a: {  	s1 =	srdreg.scid  }
0x8b: {  	s0 =	sand.u32 $0x1, s1  }
0x8c: {  	s17 =	sshll.u32 s0, $0xA;
	s2 =	sadd.s32 s3, s2  }
0x8d: {  	s2 =	sadd.s32 s2, s17  }
0x8e: {  	[smem:$0x3FBF] =	sst s2  }
0x8f: {  	_ = 	snop  }
0x90: {  	s2 =	sld [smem:$0x3FD0];
	(tm) =	ssettm $0x1  }
0x91: {  	s18 =	sld [smem:$0x3FFB];
	_ =	sdelay $0x3  }
0x92: {  	_ =	strace s18  }
0x93: {  	s3 =	sld [smem:$0x3FFC];
	_ =	sdelay $0x3  }
0x94: {  	_ =	strace s3  }
0x95: {  	s3 =	sld [smem:$0x3FFD];
	_ =	sdelay $0x3  }
0x96: {  	_ =	strace s3  }
0x97: {  	_ =	strace $0x8FFFFFFF  }
0x98: {  	s19 =	sld [smem:$0x3FDB];
	_ =	sdelay $0x1  }
0x99: {  	s4 =	simm.s32 $_scs_section_size  }
0x9a: {  	s5 =	simm.s32 $_size__tile_overlayer_lowered;
	s6 =	simm.s32 $_tile_overlayer_lowered  }
0x9b: {  	s22 =	simm.s32 $0x1BFF;
	s21 =	sshll.u32 s6, $0x1;
	s3 =	sadd.s32 s4, s19  }
0x9c: {  	s7 =	simm.s32 $0x0;
	s20 =	sshll.u32 s5, $0x1;
	s5 =	sadd.s32 s21, s3  }
0x9d: {  	[timem:s7], [sflag:s22] =	dma.local [hbm:s5], s20  }
0x9e: {  	_ =	swait.ge [sflag:s22], s20  }
0x9f: {  	s4 =	ssub.s32 $0x0, s20;
	[sflag:s22] =	ssyncset.done $0x0  }
0xa0: {  	[sflag:s22] =	ssyncadd.s32 s4;
	_ =	sdelay $0x1  }
0xa1: {  	s23 =	simm.s32 $0x1B8B  }
0xa2: {  	_ =	swait.ge [sflag:s23], $0x1  }
0xa3: {  	[sflag:s23] =	ssyncset.done $0x0  }
0xa4: {  	s25 =	simm.s32 $0x1B8E;
	s24 =	sld [smem:$0x3FFE];
	[sflag:s23] =	ssyncadd.s32 $0xFFFFFFFF  }
0xa5: {  	s26 =	simm.s32 $execute0_lowered;
	[smem:$0x3FD2] =	sst s25  }
0xa6: {  	s5 =	sshll.u32 s26, $0x1;
	_ =	strace $0x8000004C;
	[dreg:$0x1] =	wrdreg $0xFFFFFFFF  }
0xa7: {  	s28 =	simm.s32 $_size_execute0_lowered;
	s3 =	sadd.s32 s3, s5;
	[dreg:$0x0] =	wrdreg $0x0  }
0xa8: {  	s5 =	sshll.u32 s28, $0x1;
	[dreg:$0x2] =	wrdreg s3  }
0xa9: {  	[dreg:$0x3] =	wrdreg s5  }
0xaa: {  	[dreg:$0x4] =	wrdreg $0xC0  }
0xab: {  	_ =	task [dreg:s7], $0x5FFFF  }
0xac: {  	[dreg:$0x1] =	wrdreg $0xFFFFFFFF  }
0xad: {  	[dreg:$0x0] =	wrdreg $0x60  }
0xae: {  	[dreg:$0x2] =	wrdreg s2  }
0xaf: {  	[dreg:$0x3] =	wrdreg s24  }
0xb0: {  	[dreg:$0x4] =	wrdreg $0xA8000  }
0xb1: {  	[dreg:$0x5] =	wrdreg $0x9  }
0xb2: {  	_ =	task.clear_ibuf [dreg:s7], $0x6FFFF;
	_ =	strace $0x9000004C  }
0xb3: {  	s29 =	simm.s32 $0x9;
	_ =	strace $0x8000004E  }
0xb4: {  	_ =	swait.ge [sflag:s29], $0x1  }
0xb5: {  	[sflag:s29] =	ssyncadd.s32 $0xFFFFFFFF  }
0xb6: {  	_ =	strace $0x9000004E  }
0xb7: {  	_ =	sfence  }
0xb8: {  	s30 =	sld [smem:$0x0];
	_ =	sdelay $0x2  }
0xb9: {  	s31 =	sshll.u32 s1, $0xD;
	s1 =	sshrl.u32 s1, $0x2  }
0xba: {  	s3 =	sand.u32 $0x4000, s31;
	s1 =	sadd.s32 s1, s30  }
0xbb: {  	s0 =	sor.u32 s3, s0;
	s1 =	sshll.u32 s1, $0x11  }
0xbc: {  	s0 =	sor.u32 s1, s0  }
0xbd: {  	s0 =	sadd.s32 $0x8F2B, s0  }
0xbe: {  	[sflag:s0] =	ssyncadd.remote.s32 $0x1  }
0xbf: {  	_ =	sfence.sel $0xFFFF  }
0xc0: {  	[dreg:$0x0] =	wrdreg $0xFFFFFFFF;
	(pc) =	sbr.abs _section_cstart, $3  }
0xc1: {  	[dreg:$0x1] =	wrdreg $0xFFFFFFFF  }
0xc2: {  	_ =	task.clear_ibuf [dreg:s7], $0x2FFFF;
	_ =	strace $0x9FFFFFFF  }
0xc3: {  	(tm) =	ssettm $0x7FFFFFFF  }
tec
execute0_lowered:
.L_overlay_start_1:
0x0: {  	(tag) =	ssettag $0x1  }
0x1: {  	s1 =	rddreg [dreg:$0x0]  }
0x2: {  	s0 =	rddreg [dreg:$0x1]  }
0x3: {  	s2 =	rddreg [dreg:$0x2];
	s3 =	simm.s32 $0x0;
	s4 =	srdreg.scid  }
0x4: {  	s5 =	stileid.u32;
	s22 =	simm.s32 $0x3;
	s23 =	simm.s32 $0x1400  }
0x5: {  	s24 =	simm.s32 $0x80;
	s28 =	simm.s32 $0x2;
	s29 =	simm.s32 $0x2700  }
0x6: {  	s30 =	simm.s32 $0x2780;
	s31 =	simm.s32 $0x0;
	[smem:$0x7FF] =	sst s3  }
0x7: {  	s13 =	sadd.s32 $0xD000, s0;
	s4 =	sand.u32 $0x1, s4;
	s14 =	sadd.s32 $0x2A00, s0  }
0x8: {  	s7 =	smul.u32 $0x50000, s5;
	s8 =	sadd.s32 $0x17000, s0;
	s0 =	sadd.s32 $0x17800, s0  }
0x9: {  	s9 =	sshll.u32 s5, $0x1;
	s15 =	smul.u32 $0x14000, s5;
	_ =	strace $0x8000004D  }
0xa: {  	s6 =	ssub.s32 $0x2, s4;
	[dreg:$0x4] =	wrdreg s8;
	s26 =	sor.u32 s4, s9  }
0xb: {  	s4 =	smul.u32 $0x140000, s4;
	s25 =	sshrl.u32 s6, $0x1;
	s7 =	sshrl.u32 s7, $0x2  }
0xc: {  	s16 =	sadd.s32 $0x4000, s15;
	s17 =	sadd.s32 $0x8000, s15;
	s9 =	smul.u32 $0x2800, s26  }
0xd: {  	s18 =	sadd.s32 $0xC000, s15;
	s19 =	sadd.s32 $0x10000, s15;
	s26 =	simm.s32 $0x1  }
0xe: {  	s20 =	ssub.s32 s6, s25;
	s6 =	sadd.s32 s7, s2;
	s7 =	sadd.s32 s16, s2  }
0xf: {  	s8 =	sadd.s32 s17, s2;
	s10 =	sadd.s32 s19, s2;
	s15 =	sadd.s32 s15, s4  }
0x10: {  	s16 =	sadd.s32 s4, s16;
	s17 =	sadd.s32 s4, s17;
	s25 =	simm.s32 $0x6800  }
0x11: {  	s21 =	sshrl.u32 s9, $0x3;
	s9 =	sadd.s32 s18, s2;
	s15 =	sshrl.u32 s15, $0x3  }
0x12: {  	s16 =	sshrl.u32 s16, $0x3;
	s18 =	sadd.s32 s4, s18;
	s17 =	sshrl.u32 s17, $0x3  }
0x13: {  	s4 =	sadd.s32 s4, s19;
	s20 =	smax.u32 s20, $0x1;
	s11 =	sadd.s32 s13, s21  }
0x14: {  	s12 =	sadd.s32 s14, s21;
	s21 =	sadd.s32 $0x280, s21;
	s15 =	sadd.s32 s0, s15  }
0x15: {  	s16 =	sadd.s32 s0, s16;
	s18 =	sshrl.u32 s18, $0x3;
	s17 =	sadd.s32 s0, s17  }
0x16: {  	s4 =	sshrl.u32 s4, $0x3;
	s13 =	sadd.s32 s13, s21;
	s14 =	sadd.s32 s14, s21  }
0x17: {  	s18 =	sadd.s32 s0, s18;
	s19 =	sadd.s32 s0, s4;
	s21 =	simm.s32 $0x2800  }
.LBB2_1:
0x18: {  	s0 =	rddreg [dreg:$0x4]  }
0x19: {  	[tilespmem:s21], [sflag:$0x3] =	stream.linear.gather [hbm4b:s0+s3], $0x4000, $0x38;
	[tilespmem:$0x1E800] =	vst v63  }
0x1a: {  	_ =	swait.ge [sflag:s22], $0x4000  }
0x1b: {  	[sflag:s22] =	ssyncset.done $0x0  }
0x1c: {  	[sflag:s22] =	ssyncadd.s32 $0xFFFFC000  }
0x1d: {  	[spmem:s6] =	stream.linear.scatter [tilespmem:s21], [sflag:$0x3], $0x4000, $0x38;
	[tilespmem:$0x1E800] =	vst v63  }
0x1e: {  	_ =	swait.ge [sflag:s22], $0x4000  }
0x1f: {  	[sflag:s22] =	ssyncset.done $0x0  }
0x20: {  	[sflag:s22] =	ssyncadd.s32 $0xFFFFC000  }
0x21: {  	[spmem:s7] =	stream.linear.scatter [tilespmem:s21], [sflag:$0x3], $0x4000, $0x38;
	[tilespmem:$0x1E800] =	vst v63  }
0x22: {  	_ =	swait.ge [sflag:s22], $0x4000  }
0x23: {  	[sflag:s22] =	ssyncset.done $0x0  }
0x24: {  	[sflag:s22] =	ssyncadd.s32 $0xFFFFC000  }
0x25: {  	[spmem:s8] =	stream.linear.scatter [tilespmem:s21], [sflag:$0x3], $0x4000, $0x38;
	[tilespmem:$0x1E800] =	vst v63  }
0x26: {  	_ =	swait.ge [sflag:s22], $0x4000  }
0x27: {  	[sflag:s22] =	ssyncset.done $0x0  }
0x28: {  	[sflag:s22] =	ssyncadd.s32 $0xFFFFC000  }
0x29: {  	[spmem:s9] =	stream.linear.scatter [tilespmem:s21], [sflag:$0x3], $0x4000, $0x38;
	[tilespmem:$0x1E800] =	vst v63  }
0x2a: {  	_ =	swait.ge [sflag:s22], $0x4000  }
0x2b: {  	[sflag:s22] =	ssyncset.done $0x0  }
0x2c: {  	[sflag:s22] =	ssyncadd.s32 $0xFFFFC000  }
0x2d: {  	[spmem:s10] =	stream.linear.scatter [tilespmem:s21], [sflag:$0x3], $0x4000, $0x38;
	[tilespmem:$0x1E800] =	vst v63  }
0x2e: {  	_ =	swait.ge [sflag:s22], $0x4000  }
0x2f: {  	[sflag:s22] =	ssyncset.done $0x0  }
0x30: {  	[sflag:s22] =	ssyncadd.s32 $0xFFFFC000  }
0x31: {  	[bflag:$0x0] =	sbarrier.arrive $0xFFFF  }
0x32: {  	[tilespmem:s3], [sflag:$0x3] =	stream.linear.gather [hbm4b:s11+s3], $0x1400, $0x38;
	[tilespmem:$0x1E800] =	vst v63  }
0x33: {  	_ =	swait.ge [sflag:s22], $0x1400  }
0x34: {  	[sflag:s22] =	ssyncset.done $0x0  }
0x35: {  	[sflag:s22] =	ssyncadd.s32 $0xFFFFEC00  }
0x36: {  	[tilespmem:s23], [sflag:$0x3] =	stream.linear.gather [hbm4b:s12+s3], $0x1400, $0x38;
	[tilespmem:$0x1E800] =	vst v63  }
0x37: {  	_ =	swait.ge [sflag:s22], $0x1400  }
0x38: {  	[sflag:s22] =	ssyncset.done $0x0  }
0x39: {  	[sflag:s22] =	ssyncadd.s32 $0xFFFFEC00  }
0x3a: {  	[tilespmem:s21], [sflag:$0x1] =	stream.indirect.gather [hbm4b:s1+s24], $0x80, s3, s24, $0xb8;
	[tilespmem:$0x1E800] =	vst v63  }
0x3b: {  	_ = 	snop  }
0x3c: {  	[tilespmem:s25], [sflag:$0x2] =	stream.indirect.gather [hbm4b:s1+s24], $0x80, s24, s24, $0xb8;
	[tilespmem:$0x1E800] =	vst v63  }
0x3d: {  	_ =	swait.ge [sflag:s26], $0x4000  }
0x3e: {  	[sflag:s26] =	ssyncset.done $0x0  }
0x3f: {  	s5 =	simm.s32 $0x1400;
	[sflag:s26] =	ssyncadd.s32 $0xFFFFC000  }
0x40: {  	[spmem:s2] =	stream.indirect.scatter.add.f32 [tilespmem:s21], [sflag:$0x3], $0x80, s5, s24, $0xb8;
	[tilespmem:$0x1E800] =	vst v63  }
0x41: {  	_ =	swait.ge [sflag:s22], $0x4000  }
0x42: {  	[sflag:s22] =	ssyncset.done $0x0  }
0x43: {  	s4 =	simm.s32 $0x100;
	[sflag:s22] =	ssyncadd.s32 $0xFFFFC000  }
0x44: {  	[tilespmem:s21], [sflag:$0x1] =	stream.indirect.gather [hbm4b:s1+s24], $0x80, s4, s24, $0xb8;
	[tilespmem:$0x1E800] =	vst v63  }
0x45: {  	_ =	swait.ge [sflag:s28], $0x4000  }
0x46: {  	[sflag:s28] =	ssyncset.done $0x0  }
0x47: {  	s5 =	simm.s32 $0x1480;
	[sflag:s28] =	ssyncadd.s32 $0xFFFFC000  }
0x48: {  	[spmem:s2] =	stream.indirect.scatter.add.f32 [tilespmem:s25], [sflag:$0x3], $0x80, s5, s24, $0xb8;
	[tilespmem:$0x1E800] =	vst v63  }
0x49: {  	_ =	swait.ge [sflag:s22], $0x4000  }
0x4a: {  	[sflag:s22] =	ssyncset.done $0x0  }
0x4b: {  	s0 =	simm.s32 $0x400;
	s4 =	simm.s32 $0x180;
	[sflag:s22] =	ssyncadd.s32 $0xFFFFC000  }
.LBB2_2:
0x4c: {  	[tilespmem:s25], [sflag:$0x2] =	stream.indirect.gather [hbm4b:s1+s24], $0x80, s4, s24, $0xb8;
	[tilespmem:$0x1E800] =	vst v63  }
0x4d: {  	s4 =	smov.u32 s0  }
0x4e: {  	p0 =	sne.s32 s0, $0x4800;
	s0 =	sadd.s32 $0x400, s0;
	_ =	swait.ge [sflag:s26], $0x4000  }
0x4f: {  	s4 =	sshra.s32 s4, $0x2;
	[sflag:s26] =	ssyncset.done $0x0  }
0x50: {  	s5 =	sadd.s32 $0x1400, s4;
	[sflag:s26] =	ssyncadd.s32 $0xFFFFC000  }
0x51: {  	[spmem:s2] =	stream.indirect.scatter.add.f32 [tilespmem:s21], [sflag:$0x3], $0x80, s5, s24, $0xb8;
	[tilespmem:$0x1E800] =	vst v63  }
0x52: {  	_ =	swait.ge [sflag:s22], $0x4000  }
0x53: {  	[sflag:s22] =	ssyncset.done $0x0  }
0x54: {  	s5 =	sadd.s32 $0x100, s4;
	[sflag:s22] =	ssyncadd.s32 $0xFFFFC000  }
0x55: {  	[tilespmem:s21], [sflag:$0x1] =	stream.indirect.gather [hbm4b:s1+s24], $0x80, s5, s24, $0xb8;
	[tilespmem:$0x1E800] =	vst v63  }
0x56: {  	_ =	swait.ge [sflag:s28], $0x4000  }
0x57: {  	[sflag:s28] =	ssyncset.done $0x0  }
.Ltmp0:
0x58: {  	s5 =	sadd.s32 $0x1480, s4;
	[sflag:s28] =	ssyncadd.s32 $0xFFFFC000;
	(pc) =	sbr.rel @p0 .LBB2_2-.Ltmp0, $4  }
0x59: {  	[spmem:s2] =	stream.indirect.scatter.add.f32 [tilespmem:s25], [sflag:$0x3], $0x80, s5, s24, $0xb8;
	[tilespmem:$0x1E800] =	vst v63  }
0x5a: {  	_ =	swait.ge [sflag:s22], $0x4000  }
0x5b: {  	[sflag:s22] =	ssyncset.done $0x0  }
0x5c: {  	s4 =	sadd.s32 $0x180, s4;
	[sflag:s22] =	ssyncadd.s32 $0xFFFFC000  }
0x5d: {  	[tilespmem:s25], [sflag:$0x2] =	stream.indirect.gather [hbm4b:s1+s24], $0x80, s4, s24, $0xb8;
	[tilespmem:$0x1E800] =	vst v63  }
0x5e: {  	_ =	swait.ge [sflag:s26], $0x4000  }
0x5f: {  	[sflag:s26] =	ssyncset.done $0x0  }
0x60: {  	[sflag:s26] =	ssyncadd.s32 $0xFFFFC000  }
0x61: {  	[spmem:s2] =	stream.indirect.scatter.add.f32 [tilespmem:s21], [sflag:$0x3], $0x80, s29, s24, $0xb8;
	[tilespmem:$0x1E800] =	vst v63  }
0x62: {  	_ =	swait.ge [sflag:s22], $0x4000  }
0x63: {  	[sflag:s22] =	ssyncset.done $0x0  }
0x64: {  	[sflag:s22] =	ssyncadd.s32 $0xFFFFC000  }
0x65: {  	_ =	swait.ge [sflag:s28], $0x4000  }
0x66: {  	[sflag:s28] =	ssyncset.done $0x0  }
0x67: {  	[sflag:s28] =	ssyncadd.s32 $0xFFFFC000  }
0x68: {  	[spmem:s2] =	stream.indirect.scatter.add.f32 [tilespmem:s25], [sflag:$0x3], $0x80, s30, s24, $0xb8;
	[tilespmem:$0x1E800] =	vst v63  }
0x69: {  	_ =	swait.ge [sflag:s22], $0x4000  }
0x6a: {  	[sflag:s22] =	ssyncset.done $0x0  }
0x6b: {  	s0 =	simm.s32 $0x0;
	[sflag:s22] =	ssyncadd.s32 $0xFFFFC000  }
0x6c: {  	[tilespmem:s0], [sflag:$0x3] =	stream.linear.gather [hbm4b:s13+s0], $0x1400, $0x38;
	[tilespmem:$0x1E800] =	vst v63  }
0x6d: {  	_ =	swait.ge [sflag:s22], $0x1400  }
0x6e: {  	[sflag:s22] =	ssyncset.done $0x0  }
0x6f: {  	[sflag:s22] =	ssyncadd.s32 $0xFFFFEC00  }
0x70: {  	[tilespmem:s23], [sflag:$0x3] =	stream.linear.gather [hbm4b:s14+s0], $0x1400, $0x38;
	[tilespmem:$0x1E800] =	vst v63  }
0x71: {  	_ =	swait.ge [sflag:s22], $0x1400  }
0x72: {  	[sflag:s22] =	ssyncset.done $0x0  }
0x73: {  	[sflag:s22] =	ssyncadd.s32 $0xFFFFEC00  }
0x74: {  	[tilespmem:s21], [sflag:$0x1] =	stream.indirect.gather [hbm4b:s1+s24], $0x80, s0, s24, $0xb8;
	[tilespmem:$0x1E800] =	vst v63  }
0x75: {  	_ = 	snop  }
0x76: {  	[tilespmem:s25], [sflag:$0x2] =	stream.indirect.gather [hbm4b:s1+s24], $0x80, s24, s24, $0xb8;
	[tilespmem:$0x1E800] =	vst v63  }
0x77: {  	_ =	swait.ge [sflag:s26], $0x4000  }
0x78: {  	[sflag:s26] =	ssyncset.done $0x0  }
0x79: {  	s5 =	simm.s32 $0x1400;
	[sflag:s26] =	ssyncadd.s32 $0xFFFFC000  }
0x7a: {  	[spmem:s2] =	stream.indirect.scatter.add.f32 [tilespmem:s21], [sflag:$0x3], $0x80, s5, s24, $0xb8;
	[tilespmem:$0x1E800] =	vst v63  }
0x7b: {  	_ =	swait.ge [sflag:s22], $0x4000  }
0x7c: {  	[sflag:s22] =	ssyncset.done $0x0  }
0x7d: {  	s4 =	simm.s32 $0x100;
	[sflag:s22] =	ssyncadd.s32 $0xFFFFC000  }
0x7e: {  	[tilespmem:s21], [sflag:$0x1] =	stream.indirect.gather [hbm4b:s1+s24], $0x80, s4, s24, $0xb8;
	[tilespmem:$0x1E800] =	vst v63  }
0x7f: {  	_ =	swait.ge [sflag:s28], $0x4000  }
0x80: {  	[sflag:s28] =	ssyncset.done $0x0  }
0x81: {  	s5 =	simm.s32 $0x1480;
	[sflag:s28] =	ssyncadd.s32 $0xFFFFC000  }
0x82: {  	[spmem:s2] =	stream.indirect.scatter.add.f32 [tilespmem:s25], [sflag:$0x3], $0x80, s5, s24, $0xb8;
	[tilespmem:$0x1E800] =	vst v63  }
0x83: {  	_ =	swait.ge [sflag:s22], $0x4000  }
0x84: {  	[sflag:s22] =	ssyncset.done $0x0  }
0x85: {  	s0 =	simm.s32 $0x400;
	s4 =	simm.s32 $0x180;
	[sflag:s22] =	ssyncadd.s32 $0xFFFFC000  }
.LBB2_4:
0x86: {  	[tilespmem:s25], [sflag:$0x2] =	stream.indirect.gather [hbm4b:s1+s24], $0x80, s4, s24, $0xb8;
	[tilespmem:$0x1E800] =	vst v63  }
0x87: {  	s4 =	smov.u32 s0  }
0x88: {  	p0 =	sne.s32 s0, $0x4800;
	s0 =	sadd.s32 $0x400, s0;
	_ =	swait.ge [sflag:s26], $0x4000  }
0x89: {  	s4 =	sshra.s32 s4, $0x2;
	[sflag:s26] =	ssyncset.done $0x0  }
0x8a: {  	s5 =	sadd.s32 $0x1400, s4;
	[sflag:s26] =	ssyncadd.s32 $0xFFFFC000  }
0x8b: {  	[spmem:s2] =	stream.indirect.scatter.add.f32 [tilespmem:s21], [sflag:$0x3], $0x80, s5, s24, $0xb8;
	[tilespmem:$0x1E800] =	vst v63  }
0x8c: {  	_ =	swait.ge [sflag:s22], $0x4000  }
0x8d: {  	[sflag:s22] =	ssyncset.done $0x0  }
0x8e: {  	s5 =	sadd.s32 $0x100, s4;
	[sflag:s22] =	ssyncadd.s32 $0xFFFFC000  }
0x8f: {  	[tilespmem:s21], [sflag:$0x1] =	stream.indirect.gather [hbm4b:s1+s24], $0x80, s5, s24, $0xb8;
	[tilespmem:$0x1E800] =	vst v63  }
0x90: {  	_ =	swait.ge [sflag:s28], $0x4000  }
0x91: {  	[sflag:s28] =	ssyncset.done $0x0  }
.Ltmp1:
0x92: {  	s5 =	sadd.s32 $0x1480, s4;
	[sflag:s28] =	ssyncadd.s32 $0xFFFFC000;
	(pc) =	sbr.rel @p0 .LBB2_4-.Ltmp1, $4  }
0x93: {  	[spmem:s2] =	stream.indirect.scatter.add.f32 [tilespmem:s25], [sflag:$0x3], $0x80, s5, s24, $0xb8;
	[tilespmem:$0x1E800] =	vst v63  }
0x94: {  	_ =	swait.ge [sflag:s22], $0x4000  }
0x95: {  	[sflag:s22] =	ssyncset.done $0x0  }
0x96: {  	s4 =	sadd.s32 $0x180, s4;
	[sflag:s22] =	ssyncadd.s32 $0xFFFFC000  }
0x97: {  	[tilespmem:s25], [sflag:$0x2] =	stream.indirect.gather [hbm4b:s1+s24], $0x80, s4, s24, $0xb8;
	[tilespmem:$0x1E800] =	vst v63  }
0x98: {  	_ =	swait.ge [sflag:s26], $0x4000  }
0x99: {  	[sflag:s26] =	ssyncset.done $0x0  }
0x9a: {  	[sflag:s26] =	ssyncadd.s32 $0xFFFFC000  }
0x9b: {  	[spmem:s2] =	stream.indirect.scatter.add.f32 [tilespmem:s21], [sflag:$0x3], $0x80, s29, s24, $0xb8;
	[tilespmem:$0x1E800] =	vst v63  }
0x9c: {  	_ =	swait.ge [sflag:s22], $0x4000  }
0x9d: {  	[sflag:s22] =	ssyncset.done $0x0  }
0x9e: {  	[sflag:s22] =	ssyncadd.s32 $0xFFFFC000  }
0x9f: {  	_ =	swait.ge [sflag:s28], $0x4000  }
0xa0: {  	[sflag:s28] =	ssyncset.done $0x0  }
0xa1: {  	[sflag:s28] =	ssyncadd.s32 $0xFFFFC000  }
0xa2: {  	[spmem:s2] =	stream.indirect.scatter.add.f32 [tilespmem:s25], [sflag:$0x3], $0x80, s30, s24, $0xb8;
	[tilespmem:$0x1E800] =	vst v63  }
0xa3: {  	_ =	swait.ge [sflag:s22], $0x4000  }
0xa4: {  	[sflag:s22] =	ssyncset.done $0x0  }
0xa5: {  	[sflag:s22] =	ssyncadd.s32 $0xFFFFC000  }
0xa6: {  	[bflag:$0x0] =	sbarrier.arrive $0xFFFF  }
0xa7: {  	[tilespmem:s21], [sflag:$0x3] =	stream.linear.gather [spmem:s6], $0x4000, $0x38;
	[tilespmem:$0x1E800] =	vst v63  }
0xa8: {  	_ =	swait.ge [sflag:s22], $0x4000  }
0xa9: {  	[sflag:s22] =	ssyncset.done $0x0  }
0xaa: {  	[sflag:s22] =	ssyncadd.s32 $0xFFFFC000  }
0xab: {  	[hbm4b:s15+s3] =	stream.linear.scatter [tilespmem:s21], [sflag:$0x3], $0x4000, $0x38;
	[tilespmem:$0x1E800] =	vst v63  }
0xac: {  	_ =	swait.ge [sflag:s22], $0x4000  }
0xad: {  	[sflag:s22] =	ssyncset.done $0x0  }
0xae: {  	[sflag:s22] =	ssyncadd.s32 $0xFFFFC000  }
0xaf: {  	[tilespmem:s25], [sflag:$0x3] =	stream.linear.gather [spmem:s7], $0x4000, $0x38;
	[tilespmem:$0x1E800] =	vst v63  }
0xb0: {  	_ =	swait.ge [sflag:s22], $0x4000  }
0xb1: {  	[sflag:s22] =	ssyncset.done $0x0  }
0xb2: {  	[sflag:s22] =	ssyncadd.s32 $0xFFFFC000  }
0xb3: {  	[hbm4b:s16+s3] =	stream.linear.scatter [tilespmem:s25], [sflag:$0x3], $0x4000, $0x38;
	[tilespmem:$0x1E800] =	vst v63  }
0xb4: {  	_ =	swait.ge [sflag:s22], $0x4000  }
0xb5: {  	[sflag:s22] =	ssyncset.done $0x0  }
0xb6: {  	[sflag:s22] =	ssyncadd.s32 $0xFFFFC000  }
0xb7: {  	[tilespmem:s21], [sflag:$0x3] =	stream.linear.gather [spmem:s8], $0x4000, $0x38;
	[tilespmem:$0x1E800] =	vst v63  }
0xb8: {  	_ =	swait.ge [sflag:s22], $0x4000  }
0xb9: {  	[sflag:s22] =	ssyncset.done $0x0  }
0xba: {  	[sflag:s22] =	ssyncadd.s32 $0xFFFFC000  }
0xbb: {  	[hbm4b:s17+s3] =	stream.linear.scatter [tilespmem:s21], [sflag:$0x3], $0x4000, $0x38;
	[tilespmem:$0x1E800] =	vst v63  }
0xbc: {  	_ =	swait.ge [sflag:s22], $0x4000  }
0xbd: {  	[sflag:s22] =	ssyncset.done $0x0  }
0xbe: {  	[sflag:s22] =	ssyncadd.s32 $0xFFFFC000  }
0xbf: {  	[tilespmem:s25], [sflag:$0x3] =	stream.linear.gather [spmem:s9], $0x4000, $0x38;
	[tilespmem:$0x1E800] =	vst v63  }
0xc0: {  	_ =	swait.ge [sflag:s22], $0x4000  }
0xc1: {  	[sflag:s22] =	ssyncset.done $0x0  }
0xc2: {  	[sflag:s22] =	ssyncadd.s32 $0xFFFFC000  }
0xc3: {  	[hbm4b:s18+s3] =	stream.linear.scatter [tilespmem:s25], [sflag:$0x3], $0x4000, $0x38;
	[tilespmem:$0x1E800] =	vst v63  }
0xc4: {  	_ =	swait.ge [sflag:s22], $0x4000  }
0xc5: {  	[sflag:s22] =	ssyncset.done $0x0  }
0xc6: {  	[sflag:s22] =	ssyncadd.s32 $0xFFFFC000  }
0xc7: {  	[tilespmem:s21], [sflag:$0x3] =	stream.linear.gather [spmem:s10], $0x4000, $0x38;
	[tilespmem:$0x1E800] =	vst v63  }
0xc8: {  	s31 =	sadd.s32 $0x1, s31;
	_ =	swait.ge [sflag:s22], $0x4000  }
0xc9: {  	p0 =	sne.s32 s31, s20;
	[sflag:s22] =	ssyncset.done $0x0  }
.Ltmp2:
0xca: {  	[sflag:s22] =	ssyncadd.s32 $0xFFFFC000;
	(pc) =	sbr.rel @p0 .LBB2_1-.Ltmp2, $4  }
0xcb: {  	[hbm4b:s19+s3] =	stream.linear.scatter [tilespmem:s21], [sflag:$0x3], $0x4000, $0x38;
	[tilespmem:$0x1E800] =	vst v63  }
0xcc: {  	_ =	swait.ge [sflag:s22], $0x4000  }
0xcd: {  	[sflag:s22] =	ssyncset.done $0x0  }
0xce: {  	[sflag:s22] =	ssyncadd.s32 $0xFFFFC000  }
0xcf: {  	_ =	sfence.sel $0x180000  }
0xd0: {  	[bflag:$0x0] =	sbarrier.arrive $0xFFFF  }
0xd1: {  	_ =	strace $0x9000004D  }
0xd2: {  	s0 =	stileid.u32;
	[bflag:$0x2] =	sbarrier.arrive $0xFFFF  }
0xd3: {  	p0 =	sne.s32 s0, $0x0;
	s0 =	rddreg [dreg:$0x3]  }
0xd4: {  	s0 =	sadd.s32 @!p0 $0x100000, s0  }
0xd5: {  	[sflag:s0] =	ssyncadd.tile.s32 @!p0 $0x1;
	_ =	shalt  }
.Lfunc_end2:
_tile_overlayer_lowered:
.L_overlay_start_2:
0xd6: {  	(tag) =	ssettag $0x2  }
0xd7: {  	s0 =	rddreg [dreg:$0x0];
	s2 =	stileid.u32  }
0xd8: {  	s1 =	rddreg [dreg:$0x1];
	p0 =	sne.s32 s2, $0x0  }
0xd9: {  	s3 =	rddreg [dreg:$0x2];
	[bflag:$0x3] =	sbarrier.arrive $0xFFFF;
	s2 =	simm.s32 @!p0 $0x1C03  }
0xda: {  	[timem:s3], [sflag:s2] =	dma.local @!p0 [hbm:s0], s1  }
0xdb: {  	s0 =	simm.s32 @!p0 $0x3  }
0xdc: {  	_ =	swait.ge @!p0 [sflag:s0], s1  }
0xdd: {  	s1 =	ssub.s32 @!p0 $0x0, s1;
	[sflag:s0] =	ssyncset.done @!p0 $0x0  }
0xde: {  	[sflag:s0] =	ssyncadd.s32 @!p0 s1  }
0xdf: {  	[bflag:$0x3] =	sbarrier.arrive $0xFFFF  }
0xe0: {  	_ =	shalt  }

// kernel: kernel.8.cloned.1.call-start
scs
__scs_entry_jumppad:
0x0: {  	(pc) =	sbr.rel $0x88, $3  }
0x1: {  	(tag) =	ssettag $0x0;
	lr =	simm.s32 $0x1  }
0x2: {  	[smem:$0x3F98] =	sst lr;
	_ =	strace $0xD0000000  }
0x3: {  	_ = 	snop  }
0x4: {  	_ = 	snop  }
0x5: {  	_ = 	snop  }
0x6: {  	_ = 	snop  }
0x7: {  	_ = 	snop  }
__scs_overlays_trampoline_lowered:
0x8: {  	[smem:$0x3FA7] =	sst s0  }
0x9: {  	[smem:$0x3FA8] =	sst s1  }
0xa: {  	[smem:$0x3FA9] =	sst s2  }
0xb: {  	[smem:$0x3FAA] =	sst s3  }
0xc: {  	[smem:$0x3FAB] =	sst s4  }
0xd: {  	[smem:$0x3FAC] =	sst s5  }
0xe: {  	[smem:$0x3FAD] =	sst s6  }
0xf: {  	[smem:$0x3FAE] =	sst s7  }
0x10: {  	[smem:$0x3FAF] =	sst s8  }
0x11: {  	[smem:$0x3FB0] =	sst s9;
	s0 =	simm.s32 @!p0 $0x0  }
0x12: {  	s1 =	sld [smem:$0x3F96];
	s0 =	simm.s32 @p0 $0x1  }
0x13: {  	[smem:$0x3FB1] =	sst s0;
	s0 =	simm.s32 @!p1 $0x0  }
0x14: {  	s2 =	sld [smem:$0x3F95];
	s0 =	simm.s32 @p1 $0x1  }
0x15: {  	[smem:$0x3FB2] =	sst s0;
	s0 =	simm.s32 @!p2 $0x0  }
0x16: {  	s3 =	sld [smem:$0x3FDB];
	s0 =	simm.s32 @p2 $0x1  }
0x17: {  	s4 =	simm.s32 $0x1BF5;
	[smem:$0x3FB4] =	sst s0  }
0x18: {  	s0 =	sld [smem:$0x3F97];
	_ =	swait.ge [sflag:s4], $0x0  }
0x19: {  	s7 =	sld [smem:$0x3F98]  }
0x1a: {  	s8 =	sadd.s32 $0xFFFFE003, lr  }
0x1b: {  	s9 =	sadd.s32 $0xFFFFFEF7, lr;
	s5 =	simm.s32 $0xFFFFFFFF;
	p2 =	slt.u32 s8, $0xFFFFF086  }
0x1c: {  	p1 =	slt.u32 s9, $0xF7A;
	s5 =	simm.s32 @!p2 $0x0  }
0x1d: {  	s5 =	simm.s32 @p1 $0x1;
	p0 =	seq.s32 s7, s2  }
0x1e: {  	s7 =	smul.u32 @!p0 $0xF7A, s2;
	p2 =	seq.s32 @!p0 s5, $0x0  }
0x1f: {  	s9 =	smul.u32 $0xF7A, s1;
	s8 =	simm.s32 @!p0 $0x1BF5;
	p2 =	por !p2, p0  }
0x20: {  	[sflag:s8] =	ssyncset.s32 @!p0 $0xFFFFF086;
	s6 =	sadd.s32 @!p0 s3, s7;
	s7 =	simm.s32 @!p0 $0x108  }
0x21: {  	s3 =	sadd.s32 s3, s9;
	s6 =	sadd.s32 @!p0 $0x88, s6;
	s7 =	simm.s32 @p2 $0x1082  }
0x22: {  	[simem:s7], [sflag:s8] =	dma.local @!p0 [hbm:s6], $0xF7A  }
0x23: {  	s9 =	sor.u32 $0xD0000000, s2;
	s6 =	simm.s32 $0x108;
	_ =	swait.ge @!p0 [sflag:s8], $0x0  }
0x24: {  	s3 =	sadd.s32 $0x88, s3;
	s6 =	simm.s32 @!p1 $0x1082;
	[sflag:s4] =	ssyncset.s32 $0xFFFFF086  }
0x25: {  	[simem:s6], [sflag:s4] =	dma.local [hbm:s3], $0xF7A  }
0x26: {  	[smem:$0x3F98] =	sst s1;
	(tag) =	ssettag s2;
	_ =	strace s9  }
0x27: {  	s1 =	sld [smem:$0x3FA8]  }
0x28: {  	s2 =	sld [smem:$0x3FA9]  }
0x29: {  	s4 =	sld [smem:$0x3FAB]  }
0x2a: {  	p0 =	seq.s32 s5, $0x0;
	s5 =	sld [smem:$0x3FAC]  }
0x2b: {  	s6 =	sld [smem:$0x3FAD]  }
0x2c: {  	s7 =	sld [smem:$0x3FAE]  }
0x2d: {  	s3 =	simm.s32 $0x108;
	s8 =	sld [smem:$0x3FAF]  }
0x2e: {  	s3 =	simm.s32 @!p0 $0x1082;
	s9 =	sld [smem:$0x3FB0]  }
0x2f: {  	lr =	sadd.s32 s0, s3;
	s0 =	sld [smem:$0x3FA7]  }
0x30: {  	s3 =	sld [smem:$0x3FAA]  }
0x31: {  	[smem:$0x3FB3] =	sst s10  }
0x32: {  	s10 =	sld [smem:$0x3FB1];
	_ =	sdelay $0x3  }
0x33: {  	p0 =	seq.s32 s10, $0x1;
	s10 =	sld [smem:$0x3FB3];
	_ =	sdelay $0x3  }
0x34: {  	[smem:$0x3FB3] =	sst s10  }
0x35: {  	s10 =	sld [smem:$0x3FB2];
	_ =	sdelay $0x3  }
0x36: {  	p1 =	seq.s32 s10, $0x1;
	s10 =	sld [smem:$0x3FB3];
	_ =	sdelay $0x3  }
0x37: {  	[smem:$0x3FB3] =	sst s10  }
0x38: {  	s10 =	sld [smem:$0x3FB4]  }
0x39: {  	_ = 	snop;
	(pc) =	sbr.ind lr, $3  }
0x3a: {  	_ = 	snop  }
0x3b: {  	_ = 	snop  }
0x3c: {  	p2 =	seq.s32 s10, $0x1;
	s10 =	sld [smem:$0x3FB3]  }
0x3d: {  	_ =	shalt  }
0x3e: {  	_ =	shalt  }
0x3f: {  	_ =	shalt  }
0x40: {  	_ =	shalt  }
0x41: {  	_ =	shalt  }
0x42: {  	_ =	shalt  }
0x43: {  	_ =	shalt  }
0x44: {  	_ =	shalt  }
0x45: {  	_ =	shalt  }
0x46: {  	_ =	shalt  }
0x47: {  	_ =	shalt  }
0x48: {  	_ =	shalt  }
0x49: {  	_ =	shalt  }
0x4a: {  	_ =	shalt  }
0x4b: {  	_ =	shalt  }
0x4c: {  	_ =	shalt  }
0x4d: {  	_ =	shalt  }
0x4e: {  	_ =	shalt  }
0x4f: {  	_ =	shalt  }
0x50: {  	_ =	shalt  }
0x51: {  	_ =	shalt  }
0x52: {  	_ =	shalt  }
0x53: {  	_ =	shalt  }
0x54: {  	_ =	shalt  }
0x55: {  	_ =	shalt  }
0x56: {  	_ =	shalt  }
0x57: {  	_ =	shalt  }
0x58: {  	_ =	shalt  }
0x59: {  	_ =	shalt  }
0x5a: {  	_ =	shalt  }
0x5b: {  	_ =	shalt  }
0x5c: {  	_ =	shalt  }
0x5d: {  	_ =	shalt  }
0x5e: {  	_ =	shalt  }
0x5f: {  	_ =	shalt  }
0x60: {  	_ =	shalt  }
0x61: {  	_ =	shalt  }
0x62: {  	_ =	shalt  }
0x63: {  	_ =	shalt  }
0x64: {  	_ =	shalt  }
0x65: {  	_ =	shalt  }
0x66: {  	_ =	shalt  }
0x67: {  	_ =	shalt  }
0x68: {  	_ =	shalt  }
0x69: {  	_ =	shalt  }
0x6a: {  	_ =	shalt  }
0x6b: {  	_ =	shalt  }
0x6c: {  	_ =	shalt  }
0x6d: {  	_ =	shalt  }
0x6e: {  	_ =	shalt  }
0x6f: {  	_ =	shalt  }
0x70: {  	_ =	shalt  }
0x71: {  	_ =	shalt  }
0x72: {  	_ =	shalt  }
0x73: {  	_ =	shalt  }
0x74: {  	_ =	shalt  }
0x75: {  	_ =	shalt  }
0x76: {  	_ =	shalt  }
0x77: {  	_ =	shalt  }
0x78: {  	_ =	shalt  }
0x79: {  	_ =	shalt  }
0x7a: {  	_ =	shalt  }
0x7b: {  	_ =	shalt  }
0x7c: {  	_ =	shalt  }
0x7d: {  	_ =	shalt  }
0x7e: {  	_ =	shalt  }
0x7f: {  	_ =	shalt  }
0x80: {  	_ =	shalt  }
0x81: {  	_ =	shalt  }
0x82: {  	_ =	shalt  }
0x83: {  	_ =	shalt  }
0x84: {  	_ =	shalt  }
0x85: {  	_ =	shalt  }
0x86: {  	_ =	shalt  }
0x87: {  	_ =	shalt  }
.Lfunc_end0:
.L_simem_size_0:
called_computation_lowered:
.L_overlay_start_0:
0x88: {  	s2 =	sld [smem:$0x3FD9]  }
0x89: {  	s3 =	sld [smem:$0x3FFE];
	_ =	sdelay $0x1  }
0x8a: {  	s1 =	srdreg.scid  }
0x8b: {  	s0 =	sand.u32 $0x1, s1  }
0x8c: {  	s17 =	sshll.u32 s0, $0xA;
	s2 =	sadd.s32 s3, s2  }
0x8d: {  	s2 =	sadd.s32 s2, s17  }
0x8e: {  	[smem:$0x3FBF] =	sst s2  }
0x8f: {  	_ = 	snop  }
0x90: {  	s2 =	sld [smem:$0x3FD0];
	(tm) =	ssettm $0x1  }
0x91: {  	s18 =	sld [smem:$0x3FFB];
	_ =	sdelay $0x3  }
0x92: {  	_ =	strace s18  }
0x93: {  	s3 =	sld [smem:$0x3FFC];
	_ =	sdelay $0x3  }
0x94: {  	_ =	strace s3  }
0x95: {  	s3 =	sld [smem:$0x3FFD];
	_ =	sdelay $0x3  }
0x96: {  	_ =	strace s3  }
0x97: {  	_ =	strace $0x8FFFFFFF  }
0x98: {  	s19 =	sld [smem:$0x3FDB];
	_ =	sdelay $0x1  }
0x99: {  	s4 =	simm.s32 $_scs_section_size  }
0x9a: {  	s5 =	simm.s32 $_size__tile_overlayer_lowered;
	s6 =	simm.s32 $_tile_overlayer_lowered  }
0x9b: {  	s22 =	simm.s32 $0x1BFF;
	s21 =	sshll.u32 s6, $0x1;
	s3 =	sadd.s32 s4, s19  }
0x9c: {  	s7 =	simm.s32 $0x0;
	s20 =	sshll.u32 s5, $0x1;
	s5 =	sadd.s32 s21, s3  }
0x9d: {  	[timem:s7], [sflag:s22] =	dma.local [hbm:s5], s20  }
0x9e: {  	_ =	swait.ge [sflag:s22], s20  }
0x9f: {  	s4 =	ssub.s32 $0x0, s20;
	[sflag:s22] =	ssyncset.done $0x0  }
0xa0: {  	[sflag:s22] =	ssyncadd.s32 s4;
	_ =	sdelay $0x1  }
0xa1: {  	s23 =	simm.s32 $0x1B8B  }
0xa2: {  	_ =	swait.ge [sflag:s23], $0x1  }
0xa3: {  	[sflag:s23] =	ssyncset.done $0x0  }
0xa4: {  	s25 =	simm.s32 $0x1B8E;
	s24 =	sld [smem:$0x3FFE];
	[sflag:s23] =	ssyncadd.s32 $0xFFFFFFFF  }
0xa5: {  	s26 =	simm.s32 $execute0_lowered;
	[smem:$0x3FD2] =	sst s25  }
0xa6: {  	s5 =	sshll.u32 s26, $0x1;
	_ =	strace $0x80000046;
	[dreg:$0x1] =	wrdreg $0xFFFFFFFF  }
0xa7: {  	s28 =	simm.s32 $_size_execute0_lowered;
	s3 =	sadd.s32 s3, s5;
	[dreg:$0x0] =	wrdreg $0x0  }
0xa8: {  	s5 =	sshll.u32 s28, $0x1;
	[dreg:$0x2] =	wrdreg s3  }
0xa9: {  	[dreg:$0x3] =	wrdreg s5  }
0xaa: {  	[dreg:$0x4] =	wrdreg $0xC0  }
0xab: {  	_ =	task [dreg:s7], $0x5FFFF  }
0xac: {  	[dreg:$0x1] =	wrdreg $0xFFFFFFFF  }
0xad: {  	[dreg:$0x0] =	wrdreg $0x60  }
0xae: {  	[dreg:$0x2] =	wrdreg s24  }
0xaf: {  	[dreg:$0x3] =	wrdreg s2  }
0xb0: {  	[dreg:$0x4] =	wrdreg $0x2C800  }
0xb1: {  	[dreg:$0x5] =	wrdreg $0x9  }
0xb2: {  	_ =	task.clear_ibuf [dreg:s7], $0x6FFFF;
	_ =	strace $0x90000046  }
0xb3: {  	s29 =	simm.s32 $0x9;
	_ =	strace $0x80000048  }
0xb4: {  	_ =	swait.ge [sflag:s29], $0x1  }
0xb5: {  	[sflag:s29] =	ssyncadd.s32 $0xFFFFFFFF  }
0xb6: {  	_ =	strace $0x90000048  }
0xb7: {  	_ =	sfence  }
0xb8: {  	s30 =	sld [smem:$0x0];
	_ =	sdelay $0x2  }
0xb9: {  	s31 =	sshll.u32 s1, $0xD;
	s1 =	sshrl.u32 s1, $0x2  }
0xba: {  	s3 =	sand.u32 $0x4000, s31;
	s1 =	sadd.s32 s1, s30  }
0xbb: {  	s0 =	sor.u32 s3, s0;
	s1 =	sshll.u32 s1, $0x11  }
0xbc: {  	s0 =	sor.u32 s1, s0  }
0xbd: {  	s0 =	sadd.s32 $0x8F2B, s0  }
0xbe: {  	[sflag:s0] =	ssyncadd.remote.s32 $0x1  }
0xbf: {  	_ =	sfence.sel $0xFFFF  }
0xc0: {  	[dreg:$0x0] =	wrdreg $0xFFFFFFFF;
	(pc) =	sbr.abs _section_cstart, $3  }
0xc1: {  	[dreg:$0x1] =	wrdreg $0xFFFFFFFF  }
0xc2: {  	_ =	task.clear_ibuf [dreg:s7], $0x2FFFF;
	_ =	strace $0x9FFFFFFF  }
0xc3: {  	(tm) =	ssettm $0x7FFFFFFF  }
tec
execute0_lowered:
.L_overlay_start_1:
0x0: {  	(tag) =	ssettag $0x1  }
0x1: {  	s5 =	rddreg [dreg:$0x0];
	s1 =	srdreg.scid  }
0x2: {  	s0 =	stileid.u32;
	s9 =	rddreg [dreg:$0x1]  }
0x3: {  	s2 =	rddreg [dreg:$0x2];
	s3 =	simm.s32 $0x0;
	s13 =	simm.s32 $0x2800  }
0x4: {  	s14 =	simm.s32 $0x80;
	s15 =	simm.s32 $0x1;
	s16 =	simm.s32 $0x0  }
0x5: {  	s6 =	sand.u32 $0x1, s1;
	s1 =	rddreg [dreg:$0x3];
	s7 =	smul.u32 $0xC00, s0  }
0x6: {  	s29 =	sshll.u32 s0, $0x1;
	[smem:$0x7FF] =	sst s3;
	s10 =	smul.u32 $0x3E8, s0  }
0x7: {  	s4 =	sor.u32 s6, s29;
	s11 =	ssub.s32 $0x2, s6;
	s12 =	smul.u32 $0x2710, s6  }
0x8: {  	p0 =	sgt.u32 s0, $0x9;
	s4 =	smul.u32 $0x500, s4;
	s30 =	sshrl.u32 s11, $0x1  }
0x9: {  	_ =	strace $0x80000047;
	s7 =	sshrl.u32 s7, $0x2;
	s11 =	ssub.s32 s11, s30  }
0xa: {  	s6 =	sadd.s32 s7, s2;
	s12 =	sadd.s32 s10, s12;
	s8 =	sadd.s32 s4, s5  }
0xb: {  	s4 =	sadd.s32 $0xCA00, s5;
	s5 =	sadd.s32 $0xCC00, s5;
	s31 =	sshrl.u32 s12, $0x3  }
0xc: {  	s12 =	simm.s32 $0x2;
	s7 =	sadd.s32 $0x2A00, s8;
	s8 =	sadd.s32 s10, s2  }
0xd: {  	s9 =	sadd.s32 s9, s31;
	s10 =	smax.u32 s11, $0x1;
	s11 =	simm.s32 $0x2880  }
.LBB2_1:
0xe: {  	[tilespmem:s11], [sflag:$0x2] =	stream.linear.gather [hbm4b:s5+s3], $0x400, $0x38;
	[tilespmem:$0x2F80] =	vst v63  }
0xf: {  	_ =	swait.ge [sflag:s12], $0x400  }
0x10: {  	[sflag:s12] =	ssyncset.done $0x0  }
0x11: {  	[sflag:s12] =	ssyncadd.s32 $0xFFFFFC00  }
0x12: {  	[spmem:s6] =	stream.linear.scatter [tilespmem:s11], [sflag:$0x2], $0x300, $0x38;
	[tilespmem:$0x2F80] =	vst v63  }
0x13: {  	_ =	swait.ge [sflag:s12], $0x300  }
0x14: {  	[sflag:s12] =	ssyncset.done $0x0  }
0x15: {  	[sflag:s12] =	ssyncadd.s32 $0xFFFFFD00  }
0x16: {  	[tilespmem:s13], [sflag:$0x2] =	stream.linear.gather [hbm4b:s4+s3], $0x80, $0x38;
	[tilespmem:$0x2F80] =	vst v63  }
0x17: {  	_ =	swait.ge [sflag:s12], $0x80  }
0x18: {  	[sflag:s12] =	ssyncset.done $0x0  }
0x19: {  	[sflag:s12] =	ssyncadd.s32 $0xFFFFFF80  }
0x1a: {  	[tilespmem:s3], [sflag:$0x2] =	stream.linear.gather [hbm4b:s7+s3], $0x2800, $0x38;
	[tilespmem:$0x2F80] =	vst v63  }
0x1b: {  	_ =	swait.ge [sflag:s12], $0x2800  }
0x1c: {  	[sflag:s12] =	ssyncset.done $0x0  }
0x1d: {  	[sflag:s12] =	ssyncadd.s32 $0xFFFFD800  }
0x1e: {  	s17 =	simm.s32 $0x0;
	[bflag:$0x0] =	sbarrier.arrive $0xFFFF  }
0x1f: {  	[spmem:s2] =	stream.indirect.scatter.add.f32 [tilespmem:s13], [sflag:$0x1], $0x1, s17, s14, $0xb8;
	[tilespmem:$0x2F80] =	vst v63  }
0x20: {  	s30 =	simm.s32 $0x80  }
0x21: {  	[spmem:s2] =	stream.indirect.scatter.add.f32 [tilespmem:s13], [sflag:$0x1], $0x1, s30, s14, $0xb8;
	[tilespmem:$0x2F80] =	vst v63  }
0x22: {  	s31 =	simm.s32 $0x100  }
0x23: {  	[spmem:s2] =	stream.indirect.scatter.add.f32 [tilespmem:s13], [sflag:$0x1], $0x1, s31, s14, $0xb8;
	[tilespmem:$0x2F80] =	vst v63  }
0x24: {  	s18 =	simm.s32 $0x180  }
0x25: {  	[spmem:s2] =	stream.indirect.scatter.add.f32 [tilespmem:s13], [sflag:$0x1], $0x1, s18, s14, $0xb8;
	[tilespmem:$0x2F80] =	vst v63  }
0x26: {  	s19 =	simm.s32 $0x200  }
0x27: {  	[spmem:s2] =	stream.indirect.scatter.add.f32 [tilespmem:s13], [sflag:$0x1], $0x1, s19, s14, $0xb8;
	[tilespmem:$0x2F80] =	vst v63  }
0x28: {  	s20 =	simm.s32 $0x280  }
0x29: {  	[spmem:s2] =	stream.indirect.scatter.add.f32 [tilespmem:s13], [sflag:$0x1], $0x1, s20, s14, $0xb8;
	[tilespmem:$0x2F80] =	vst v63  }
0x2a: {  	s21 =	simm.s32 $0x300  }
0x2b: {  	[spmem:s2] =	stream.indirect.scatter.add.f32 [tilespmem:s13], [sflag:$0x1], $0x1, s21, s14, $0xb8;
	[tilespmem:$0x2F80] =	vst v63  }
0x2c: {  	s22 =	simm.s32 $0x380  }
0x2d: {  	[spmem:s2] =	stream.indirect.scatter.add.f32 [tilespmem:s13], [sflag:$0x1], $0x1, s22, s14, $0xb8;
	[tilespmem:$0x2F80] =	vst v63  }
0x2e: {  	s23 =	simm.s32 $0x400  }
0x2f: {  	[spmem:s2] =	stream.indirect.scatter.add.f32 [tilespmem:s13], [sflag:$0x1], $0x1, s23, s14, $0xb8;
	[tilespmem:$0x2F80] =	vst v63  }
0x30: {  	s24 =	simm.s32 $0x480  }
0x31: {  	[spmem:s2] =	stream.indirect.scatter.add.f32 [tilespmem:s13], [sflag:$0x1], $0x1, s24, s14, $0xb8;
	[tilespmem:$0x2F80] =	vst v63  }
0x32: {  	s25 =	simm.s32 $0x500  }
0x33: {  	[spmem:s2] =	stream.indirect.scatter.add.f32 [tilespmem:s13], [sflag:$0x1], $0x1, s25, s14, $0xb8;
	[tilespmem:$0x2F80] =	vst v63  }
0x34: {  	s26 =	simm.s32 $0x580  }
0x35: {  	[spmem:s2] =	stream.indirect.scatter.add.f32 [tilespmem:s13], [sflag:$0x1], $0x1, s26, s14, $0xb8;
	[tilespmem:$0x2F80] =	vst v63  }
0x36: {  	s28 =	simm.s32 $0x600  }
0x37: {  	[spmem:s2] =	stream.indirect.scatter.add.f32 [tilespmem:s13], [sflag:$0x1], $0x1, s28, s14, $0xb8;
	[tilespmem:$0x2F80] =	vst v63  }
0x38: {  	s29 =	simm.s32 $0x680  }
0x39: {  	[spmem:s2] =	stream.indirect.scatter.add.f32 [tilespmem:s13], [sflag:$0x1], $0x1, s29, s14, $0xb8;
	[tilespmem:$0x2F80] =	vst v63  }
0x3a: {  	s30 =	simm.s32 $0x700  }
0x3b: {  	[spmem:s2] =	stream.indirect.scatter.add.f32 [tilespmem:s13], [sflag:$0x1], $0x1, s30, s14, $0xb8;
	[tilespmem:$0x2F80] =	vst v63  }
0x3c: {  	s31 =	simm.s32 $0x780  }
0x3d: {  	[spmem:s2] =	stream.indirect.scatter.add.f32 [tilespmem:s13], [sflag:$0x1], $0x1, s31, s14, $0xb8;
	[tilespmem:$0x2F80] =	vst v63  }
0x3e: {  	_ =	swait.ge [sflag:s15], $0x80  }
0x3f: {  	[sflag:s15] =	ssyncset.done $0x0  }
0x40: {  	[sflag:s15] =	ssyncadd.s32 $0xFFFFFF80  }
0x41: {  	_ =	swait.ge [sflag:s15], $0x80  }
0x42: {  	[sflag:s15] =	ssyncset.done $0x0  }
0x43: {  	[sflag:s15] =	ssyncadd.s32 $0xFFFFFF80  }
0x44: {  	_ =	swait.ge [sflag:s15], $0x80  }
0x45: {  	[sflag:s15] =	ssyncset.done $0x0  }
0x46: {  	[sflag:s15] =	ssyncadd.s32 $0xFFFFFF80  }
0x47: {  	_ =	swait.ge [sflag:s15], $0x80  }
0x48: {  	[sflag:s15] =	ssyncset.done $0x0  }
0x49: {  	[sflag:s15] =	ssyncadd.s32 $0xFFFFFF80  }
0x4a: {  	_ =	swait.ge [sflag:s15], $0x80  }
0x4b: {  	[sflag:s15] =	ssyncset.done $0x0  }
0x4c: {  	[sflag:s15] =	ssyncadd.s32 $0xFFFFFF80  }
0x4d: {  	_ =	swait.ge [sflag:s15], $0x80  }
0x4e: {  	[sflag:s15] =	ssyncset.done $0x0  }
0x4f: {  	[sflag:s15] =	ssyncadd.s32 $0xFFFFFF80  }
0x50: {  	_ =	swait.ge [sflag:s15], $0x80  }
0x51: {  	[sflag:s15] =	ssyncset.done $0x0  }
0x52: {  	[sflag:s15] =	ssyncadd.s32 $0xFFFFFF80  }
0x53: {  	_ =	swait.ge [sflag:s15], $0x80  }
0x54: {  	[sflag:s15] =	ssyncset.done $0x0  }
0x55: {  	[sflag:s15] =	ssyncadd.s32 $0xFFFFFF80  }
0x56: {  	_ =	swait.ge [sflag:s15], $0x80  }
0x57: {  	[sflag:s15] =	ssyncset.done $0x0  }
0x58: {  	[sflag:s15] =	ssyncadd.s32 $0xFFFFFF80  }
0x59: {  	_ =	swait.ge [sflag:s15], $0x80  }
0x5a: {  	[sflag:s15] =	ssyncset.done $0x0  }
0x5b: {  	[sflag:s15] =	ssyncadd.s32 $0xFFFFFF80  }
0x5c: {  	_ =	swait.ge [sflag:s15], $0x80  }
0x5d: {  	[sflag:s15] =	ssyncset.done $0x0  }
0x5e: {  	[sflag:s15] =	ssyncadd.s32 $0xFFFFFF80  }
0x5f: {  	_ =	swait.ge [sflag:s15], $0x80  }
0x60: {  	[sflag:s15] =	ssyncset.done $0x0  }
0x61: {  	[sflag:s15] =	ssyncadd.s32 $0xFFFFFF80  }
0x62: {  	_ =	swait.ge [sflag:s15], $0x80  }
0x63: {  	[sflag:s15] =	ssyncset.done $0x0  }
0x64: {  	[sflag:s15] =	ssyncadd.s32 $0xFFFFFF80  }
0x65: {  	_ =	swait.ge [sflag:s15], $0x80  }
0x66: {  	[sflag:s15] =	ssyncset.done $0x0  }
0x67: {  	[sflag:s15] =	ssyncadd.s32 $0xFFFFFF80  }
0x68: {  	_ =	swait.ge [sflag:s15], $0x80  }
0x69: {  	[sflag:s15] =	ssyncset.done $0x0  }
0x6a: {  	[sflag:s15] =	ssyncadd.s32 $0xFFFFFF80  }
0x6b: {  	_ =	swait.ge [sflag:s15], $0x80  }
0x6c: {  	s17 =	simm.s32 $0x2000;
	s20 =	simm.s32 $0x4000;
	[sflag:s15] =	ssyncset.done $0x0  }
.LBB2_2:
0x6d: {  	s19 =	sshra.s32 s17, $0x2  }
0x6e: {  	[sflag:s15] =	ssyncadd.s32 $0xFFFFFF80;
	s17 =	smov.u32 s20;
	s18 =	sadd.s32 $0x2000, s20  }
0x6f: {  	[spmem:s2] =	stream.indirect.scatter.add.f32 [tilespmem:s13], [sflag:$0x1], $0x1, s19, s14, $0xb8;
	[tilespmem:$0x2F80] =	vst v63  }
0x70: {  	p1 =	sne.s32 s20, $0x8000;
	s20 =	sadd.s32 $0x80, s19  }
0x71: {  	[spmem:s2] =	stream.indirect.scatter.add.f32 [tilespmem:s13], [sflag:$0x1], $0x1, s20, s14, $0xb8;
	[tilespmem:$0x2F80] =	vst v63  }
0x72: {  	s20 =	sadd.s32 $0x100, s19  }
0x73: {  	[spmem:s2] =	stream.indirect.scatter.add.f32 [tilespmem:s13], [sflag:$0x1], $0x1, s20, s14, $0xb8;
	[tilespmem:$0x2F80] =	vst v63  }
0x74: {  	s20 =	sadd.s32 $0x180, s19  }
0x75: {  	[spmem:s2] =	stream.indirect.scatter.add.f32 [tilespmem:s13], [sflag:$0x1], $0x1, s20, s14, $0xb8;
	[tilespmem:$0x2F80] =	vst v63  }
0x76: {  	s20 =	sadd.s32 $0x200, s19  }
0x77: {  	[spmem:s2] =	stream.indirect.scatter.add.f32 [tilespmem:s13], [sflag:$0x1], $0x1, s20, s14, $0xb8;
	[tilespmem:$0x2F80] =	vst v63  }
0x78: {  	s20 =	sadd.s32 $0x280, s19  }
0x79: {  	[spmem:s2] =	stream.indirect.scatter.add.f32 [tilespmem:s13], [sflag:$0x1], $0x1, s20, s14, $0xb8;
	[tilespmem:$0x2F80] =	vst v63  }
0x7a: {  	s20 =	sadd.s32 $0x300, s19  }
0x7b: {  	[spmem:s2] =	stream.indirect.scatter.add.f32 [tilespmem:s13], [sflag:$0x1], $0x1, s20, s14, $0xb8;
	[tilespmem:$0x2F80] =	vst v63  }
0x7c: {  	s20 =	sadd.s32 $0x380, s19  }
0x7d: {  	[spmem:s2] =	stream.indirect.scatter.add.f32 [tilespmem:s13], [sflag:$0x1], $0x1, s20, s14, $0xb8;
	[tilespmem:$0x2F80] =	vst v63  }
0x7e: {  	s20 =	sadd.s32 $0x400, s19  }
0x7f: {  	[spmem:s2] =	stream.indirect.scatter.add.f32 [tilespmem:s13], [sflag:$0x1], $0x1, s20, s14, $0xb8;
	[tilespmem:$0x2F80] =	vst v63  }
0x80: {  	s20 =	sadd.s32 $0x480, s19  }
0x81: {  	[spmem:s2] =	stream.indirect.scatter.add.f32 [tilespmem:s13], [sflag:$0x1], $0x1, s20, s14, $0xb8;
	[tilespmem:$0x2F80] =	vst v63  }
0x82: {  	s20 =	sadd.s32 $0x500, s19  }
0x83: {  	[spmem:s2] =	stream.indirect.scatter.add.f32 [tilespmem:s13], [sflag:$0x1], $0x1, s20, s14, $0xb8;
	[tilespmem:$0x2F80] =	vst v63  }
0x84: {  	s20 =	sadd.s32 $0x580, s19  }
0x85: {  	[spmem:s2] =	stream.indirect.scatter.add.f32 [tilespmem:s13], [sflag:$0x1], $0x1, s20, s14, $0xb8;
	[tilespmem:$0x2F80] =	vst v63  }
0x86: {  	s20 =	sadd.s32 $0x600, s19  }
0x87: {  	[spmem:s2] =	stream.indirect.scatter.add.f32 [tilespmem:s13], [sflag:$0x1], $0x1, s20, s14, $0xb8;
	[tilespmem:$0x2F80] =	vst v63  }
0x88: {  	s20 =	sadd.s32 $0x680, s19  }
0x89: {  	[spmem:s2] =	stream.indirect.scatter.add.f32 [tilespmem:s13], [sflag:$0x1], $0x1, s20, s14, $0xb8;
	[tilespmem:$0x2F80] =	vst v63  }
0x8a: {  	s20 =	sadd.s32 $0x700, s19  }
0x8b: {  	[spmem:s2] =	stream.indirect.scatter.add.f32 [tilespmem:s13], [sflag:$0x1], $0x1, s20, s14, $0xb8;
	[tilespmem:$0x2F80] =	vst v63  }
0x8c: {  	s19 =	sadd.s32 $0x780, s19  }
0x8d: {  	[spmem:s2] =	stream.indirect.scatter.add.f32 [tilespmem:s13], [sflag:$0x1], $0x1, s19, s14, $0xb8;
	[tilespmem:$0x2F80] =	vst v63  }
0x8e: {  	_ =	swait.ge [sflag:s15], $0x80  }
0x8f: {  	[sflag:s15] =	ssyncset.done $0x0  }
0x90: {  	[sflag:s15] =	ssyncadd.s32 $0xFFFFFF80  }
0x91: {  	_ =	swait.ge [sflag:s15], $0x80  }
0x92: {  	[sflag:s15] =	ssyncset.done $0x0  }
0x93: {  	[sflag:s15] =	ssyncadd.s32 $0xFFFFFF80  }
0x94: {  	_ =	swait.ge [sflag:s15], $0x80  }
0x95: {  	[sflag:s15] =	ssyncset.done $0x0  }
0x96: {  	[sflag:s15] =	ssyncadd.s32 $0xFFFFFF80  }
0x97: {  	_ =	swait.ge [sflag:s15], $0x80  }
0x98: {  	[sflag:s15] =	ssyncset.done $0x0  }
0x99: {  	[sflag:s15] =	ssyncadd.s32 $0xFFFFFF80  }
0x9a: {  	_ =	swait.ge [sflag:s15], $0x80  }
0x9b: {  	[sflag:s15] =	ssyncset.done $0x0  }
0x9c: {  	[sflag:s15] =	ssyncadd.s32 $0xFFFFFF80  }
0x9d: {  	_ =	swait.ge [sflag:s15], $0x80  }
0x9e: {  	[sflag:s15] =	ssyncset.done $0x0  }
0x9f: {  	[sflag:s15] =	ssyncadd.s32 $0xFFFFFF80  }
0xa0: {  	_ =	swait.ge [sflag:s15], $0x80  }
0xa1: {  	[sflag:s15] =	ssyncset.done $0x0  }
0xa2: {  	[sflag:s15] =	ssyncadd.s32 $0xFFFFFF80  }
0xa3: {  	_ =	swait.ge [sflag:s15], $0x80  }
0xa4: {  	[sflag:s15] =	ssyncset.done $0x0  }
0xa5: {  	[sflag:s15] =	ssyncadd.s32 $0xFFFFFF80  }
0xa6: {  	_ =	swait.ge [sflag:s15], $0x80  }
0xa7: {  	[sflag:s15] =	ssyncset.done $0x0  }
0xa8: {  	[sflag:s15] =	ssyncadd.s32 $0xFFFFFF80  }
0xa9: {  	_ =	swait.ge [sflag:s15], $0x80  }
0xaa: {  	[sflag:s15] =	ssyncset.done $0x0  }
0xab: {  	[sflag:s15] =	ssyncadd.s32 $0xFFFFFF80  }
0xac: {  	_ =	swait.ge [sflag:s15], $0x80  }
0xad: {  	[sflag:s15] =	ssyncset.done $0x0  }
0xae: {  	[sflag:s15] =	ssyncadd.s32 $0xFFFFFF80  }
0xaf: {  	_ =	swait.ge [sflag:s15], $0x80  }
0xb0: {  	[sflag:s15] =	ssyncset.done $0x0  }
0xb1: {  	[sflag:s15] =	ssyncadd.s32 $0xFFFFFF80  }
0xb2: {  	_ =	swait.ge [sflag:s15], $0x80  }
0xb3: {  	[sflag:s15] =	ssyncset.done $0x0  }
0xb4: {  	[sflag:s15] =	ssyncadd.s32 $0xFFFFFF80  }
0xb5: {  	_ =	swait.ge [sflag:s15], $0x80  }
0xb6: {  	[sflag:s15] =	ssyncset.done $0x0  }
0xb7: {  	[sflag:s15] =	ssyncadd.s32 $0xFFFFFF80  }
.Ltmp0:
0xb8: {  	_ =	swait.ge [sflag:s15], $0x80;
	(pc) =	sbr.rel @p1 .LBB2_2-.Ltmp0, $4  }
0xb9: {  	[sflag:s15] =	ssyncset.done $0x0  }
0xba: {  	[sflag:s15] =	ssyncadd.s32 $0xFFFFFF80  }
0xbb: {  	_ =	swait.ge [sflag:s15], $0x80  }
0xbc: {  	s20 =	smov.u32 s18;
	[sflag:s15] =	ssyncset.done $0x0  }
0xbd: {  	s17 =	sshra.s32 s17, $0x2;
	[sflag:s15] =	ssyncadd.s32 $0xFFFFFF80  }
0xbe: {  	[spmem:s2] =	stream.indirect.scatter.add.f32 [tilespmem:s13], [sflag:$0x1], $0x1, s17, s14, $0xb8;
	[tilespmem:$0x2F80] =	vst v63  }
0xbf: {  	s18 =	sadd.s32 $0x80, s17  }
0xc0: {  	[spmem:s2] =	stream.indirect.scatter.add.f32 [tilespmem:s13], [sflag:$0x1], $0x1, s18, s14, $0xb8;
	[tilespmem:$0x2F80] =	vst v63  }
0xc1: {  	s31 =	sadd.s32 $0x100, s17  }
0xc2: {  	[spmem:s2] =	stream.indirect.scatter.add.f32 [tilespmem:s13], [sflag:$0x1], $0x1, s31, s14, $0xb8;
	[tilespmem:$0x2F80] =	vst v63  }
0xc3: {  	s19 =	sadd.s32 $0x180, s17  }
0xc4: {  	[spmem:s2] =	stream.indirect.scatter.add.f32 [tilespmem:s13], [sflag:$0x1], $0x1, s19, s14, $0xb8;
	[tilespmem:$0x2F80] =	vst v63  }
0xc5: {  	s20 =	sadd.s32 $0x200, s17  }
0xc6: {  	[spmem:s2] =	stream.indirect.scatter.add.f32 [tilespmem:s13], [sflag:$0x1], $0x1, s20, s14, $0xb8;
	[tilespmem:$0x2F80] =	vst v63  }
0xc7: {  	s21 =	sadd.s32 $0x280, s17  }
0xc8: {  	[spmem:s2] =	stream.indirect.scatter.add.f32 [tilespmem:s13], [sflag:$0x1], $0x1, s21, s14, $0xb8;
	[tilespmem:$0x2F80] =	vst v63  }
0xc9: {  	s22 =	sadd.s32 $0x300, s17  }
0xca: {  	[spmem:s2] =	stream.indirect.scatter.add.f32 [tilespmem:s13], [sflag:$0x1], $0x1, s22, s14, $0xb8;
	[tilespmem:$0x2F80] =	vst v63  }
0xcb: {  	s23 =	sadd.s32 $0x380, s17  }
0xcc: {  	[spmem:s2] =	stream.indirect.scatter.add.f32 [tilespmem:s13], [sflag:$0x1], $0x1, s23, s14, $0xb8;
	[tilespmem:$0x2F80] =	vst v63  }
0xcd: {  	s24 =	sadd.s32 $0x400, s17  }
0xce: {  	[spmem:s2] =	stream.indirect.scatter.add.f32 [tilespmem:s13], [sflag:$0x1], $0x1, s24, s14, $0xb8;
	[tilespmem:$0x2F80] =	vst v63  }
0xcf: {  	s25 =	sadd.s32 $0x480, s17  }
0xd0: {  	[spmem:s2] =	stream.indirect.scatter.add.f32 [tilespmem:s13], [sflag:$0x1], $0x1, s25, s14, $0xb8;
	[tilespmem:$0x2F80] =	vst v63  }
0xd1: {  	s26 =	sadd.s32 $0x500, s17  }
0xd2: {  	[spmem:s2] =	stream.indirect.scatter.add.f32 [tilespmem:s13], [sflag:$0x1], $0x1, s26, s14, $0xb8;
	[tilespmem:$0x2F80] =	vst v63  }
0xd3: {  	s28 =	sadd.s32 $0x580, s17  }
0xd4: {  	[spmem:s2] =	stream.indirect.scatter.add.f32 [tilespmem:s13], [sflag:$0x1], $0x1, s28, s14, $0xb8;
	[tilespmem:$0x2F80] =	vst v63  }
0xd5: {  	s29 =	sadd.s32 $0x600, s17  }
0xd6: {  	[spmem:s2] =	stream.indirect.scatter.add.f32 [tilespmem:s13], [sflag:$0x1], $0x1, s29, s14, $0xb8;
	[tilespmem:$0x2F80] =	vst v63  }
0xd7: {  	s30 =	sadd.s32 $0x680, s17  }
0xd8: {  	[spmem:s2] =	stream.indirect.scatter.add.f32 [tilespmem:s13], [sflag:$0x1], $0x1, s30, s14, $0xb8;
	[tilespmem:$0x2F80] =	vst v63  }
0xd9: {  	s31 =	sadd.s32 $0x700, s17  }
0xda: {  	[spmem:s2] =	stream.indirect.scatter.add.f32 [tilespmem:s13], [sflag:$0x1], $0x1, s31, s14, $0xb8;
	[tilespmem:$0x2F80] =	vst v63  }
0xdb: {  	s17 =	sadd.s32 $0x780, s17  }
0xdc: {  	[spmem:s2] =	stream.indirect.scatter.add.f32 [tilespmem:s13], [sflag:$0x1], $0x1, s17, s14, $0xb8;
	[tilespmem:$0x2F80] =	vst v63  }
0xdd: {  	_ =	swait.ge [sflag:s15], $0x80  }
0xde: {  	[sflag:s15] =	ssyncset.done $0x0  }
0xdf: {  	[sflag:s15] =	ssyncadd.s32 $0xFFFFFF80  }
0xe0: {  	_ =	swait.ge [sflag:s15], $0x80  }
0xe1: {  	[sflag:s15] =	ssyncset.done $0x0  }
0xe2: {  	[sflag:s15] =	ssyncadd.s32 $0xFFFFFF80  }
0xe3: {  	_ =	swait.ge [sflag:s15], $0x80  }
0xe4: {  	[sflag:s15] =	ssyncset.done $0x0  }
0xe5: {  	[sflag:s15] =	ssyncadd.s32 $0xFFFFFF80  }
0xe6: {  	_ =	swait.ge [sflag:s15], $0x80  }
0xe7: {  	[sflag:s15] =	ssyncset.done $0x0  }
0xe8: {  	[sflag:s15] =	ssyncadd.s32 $0xFFFFFF80  }
0xe9: {  	_ =	swait.ge [sflag:s15], $0x80  }
0xea: {  	[sflag:s15] =	ssyncset.done $0x0  }
0xeb: {  	[sflag:s15] =	ssyncadd.s32 $0xFFFFFF80  }
0xec: {  	_ =	swait.ge [sflag:s15], $0x80  }
0xed: {  	[sflag:s15] =	ssyncset.done $0x0  }
0xee: {  	[sflag:s15] =	ssyncadd.s32 $0xFFFFFF80  }
0xef: {  	_ =	swait.ge [sflag:s15], $0x80  }
0xf0: {  	[sflag:s15] =	ssyncset.done $0x0  }
0xf1: {  	[sflag:s15] =	ssyncadd.s32 $0xFFFFFF80  }
0xf2: {  	_ =	swait.ge [sflag:s15], $0x80  }
0xf3: {  	[sflag:s15] =	ssyncset.done $0x0  }
0xf4: {  	[sflag:s15] =	ssyncadd.s32 $0xFFFFFF80  }
0xf5: {  	_ =	swait.ge [sflag:s15], $0x80  }
0xf6: {  	[sflag:s15] =	ssyncset.done $0x0  }
0xf7: {  	[sflag:s15] =	ssyncadd.s32 $0xFFFFFF80  }
0xf8: {  	_ =	swait.ge [sflag:s15], $0x80  }
0xf9: {  	[sflag:s15] =	ssyncset.done $0x0  }
0xfa: {  	[sflag:s15] =	ssyncadd.s32 $0xFFFFFF80  }
0xfb: {  	_ =	swait.ge [sflag:s15], $0x80  }
0xfc: {  	[sflag:s15] =	ssyncset.done $0x0  }
0xfd: {  	[sflag:s15] =	ssyncadd.s32 $0xFFFFFF80  }
0xfe: {  	_ =	swait.ge [sflag:s15], $0x80  }
0xff: {  	[sflag:s15] =	ssyncset.done $0x0  }
0x100: {  	[sflag:s15] =	ssyncadd.s32 $0xFFFFFF80  }
0x101: {  	_ =	swait.ge [sflag:s15], $0x80  }
0x102: {  	[sflag:s15] =	ssyncset.done $0x0  }
0x103: {  	[sflag:s15] =	ssyncadd.s32 $0xFFFFFF80  }
0x104: {  	_ =	swait.ge [sflag:s15], $0x80  }
0x105: {  	[sflag:s15] =	ssyncset.done $0x0  }
0x106: {  	[sflag:s15] =	ssyncadd.s32 $0xFFFFFF80  }
0x107: {  	_ =	swait.ge [sflag:s15], $0x80  }
0x108: {  	[sflag:s15] =	ssyncset.done $0x0  }
0x109: {  	[sflag:s15] =	ssyncadd.s32 $0xFFFFFF80  }
0x10a: {  	_ =	swait.ge [sflag:s15], $0x80  }
0x10b: {  	[sflag:s15] =	ssyncset.done $0x0  }
0x10c: {  	[sflag:s15] =	ssyncadd.s32 $0xFFFFFF80  }
0x10d: {  	s18 =	simm.s32 @!p0 $0x2;
	s17 =	simm.s32 @!p0 $0x2880;
	[bflag:$0x0] =	sbarrier.arrive $0xFFFF  }
0x10e: {  	[tilespmem:s17], [sflag:$0x2] =	stream.linear.gather @!p0 [spmem:s8], $0x3E8, $0x38;
	[tilespmem:$0x2F80] =	vst v63  }
0x10f: {  	s16 =	sadd.s32 $0x1, s16;
	_ =	swait.ge @!p0 [sflag:s18], $0x3E8  }
0x110: {  	p1 =	sne.s32 s16, s10;
	[sflag:s18] =	ssyncset.done @!p0 $0x0  }
.Ltmp1:
0x111: {  	s19 =	simm.s32 @!p0 $0x0;
	[sflag:s18] =	ssyncadd.s32 @!p0 $0xFFFFFC18;
	(pc) =	sbr.rel @p1 .LBB2_1-.Ltmp1, $4  }
0x112: {  	[hbm4b:s9+s19] =	stream.linear.scatter @!p0 [tilespmem:s17], [sflag:$0x2], $0x3E8, $0x38;
	[tilespmem:$0x2F80] =	vst v63  }
0x113: {  	_ =	swait.ge @!p0 [sflag:s18], $0x3E8  }
0x114: {  	[sflag:s18] =	ssyncset.done @!p0 $0x0  }
0x115: {  	[sflag:s18] =	ssyncadd.s32 @!p0 $0xFFFFFC18  }
0x116: {  	_ =	sfence.sel $0x180000  }
0x117: {  	[bflag:$0x0] =	sbarrier.arrive $0xFFFF  }
0x118: {  	p0 =	sne.s32 s0, $0x0;
	_ =	strace $0x90000047  }
0x119: {  	s0 =	sadd.s32 @!p0 $0x100000, s1;
	[bflag:$0x2] =	sbarrier.arrive $0xFFFF  }
0x11a: {  	[sflag:s0] =	ssyncadd.tile.s32 @!p0 $0x1;
	_ =	shalt  }
.Lfunc_end2:
_tile_overlayer_lowered:
.L_overlay_start_2:
0x11b: {  	(tag) =	ssettag $0x2  }
0x11c: {  	s0 =	rddreg [dreg:$0x0];
	s2 =	stileid.u32  }
0x11d: {  	s1 =	rddreg [dreg:$0x1];
	p0 =	sne.s32 s2, $0x0  }
0x11e: {  	s3 =	rddreg [dreg:$0x2];
	[bflag:$0x3] =	sbarrier.arrive $0xFFFF;
	s2 =	simm.s32 @!p0 $0x1C02  }
0x11f: {  	[timem:s3], [sflag:s2] =	dma.local @!p0 [hbm:s0], s1  }
0x120: {  	s0 =	simm.s32 @!p0 $0x2  }
0x121: {  	_ =	swait.ge @!p0 [sflag:s0], s1  }
0x122: {  	s1 =	ssub.s32 @!p0 $0x0, s1;
	[sflag:s0] =	ssyncset.done @!p0 $0x0  }
0x123: {  	[sflag:s0] =	ssyncadd.s32 @!p0 s1  }
0x124: {  	[bflag:$0x3] =	sbarrier.arrive $0xFFFF  }
0x125: {  	_ =	shalt  }

</sc_bundles>
